<compile_context>
chip_gen: v7x
topology: tpu7x:2x2x1
jax: 0.10.2.dev20260603
libtpu: 0.0.44.dev20260713+nightly
codegen_flags: <defaults>
</compile_context>

<pallas_src>
import jax
import jax.numpy as jnp
from jax import lax
from jax.experimental import pallas as pl
from jax.experimental.pallas import tpu as pltpu
from jax.experimental.pallas import tpu_sc as plsc

NC = 2
NS = 16
EB = 40
ROWS = 2000
NBUF = 4
GA = 3



def _seg_sum(table, src2d, dst2d, zeros_rows, zeros_deg, ones_deg, *,
             n_nodes, n_pad, width, with_deg):
    e_total = dst2d.shape[0] * dst2d.shape[1]
    rpt = n_pad // NS
    ept = e_total // NS
    assert ept % EB == 0 and n_pad % NS == 0
    nb = ept // EB
    assert nb % NBUF == 0 and nb > NBUF and NBUF == 4 and GA == 3

    mesh = plsc.VectorSubcoreMesh(core_axis_name="c", subcore_axis_name="s")

    out_type = [jax.ShapeDtypeStruct((NC, n_pad, width), jnp.float32)]
    scratch = [
        pltpu.VMEM((nb, EB), jnp.int32),
        pltpu.VMEM((NBUF, EB), jnp.int32),
        pltpu.VMEM((NBUF * EB, width), jnp.float32),
        pltpu.VMEM((rpt, width), jnp.float32),
        pltpu.VMEM_SHARED((n_pad, width), jnp.float32),
    ] + [pltpu.SemaphoreType.DMA] * (3 * NBUF + 1)
    if with_deg:
        out_type.append(jax.ShapeDtypeStruct((NC, n_pad, 16), jnp.float32))
        scratch += [
            pltpu.VMEM((EB, 16), jnp.float32),
            pltpu.VMEM((rpt, 16), jnp.float32),
            pltpu.VMEM_SHARED((n_pad, 16), jnp.float32),
        ] + [pltpu.SemaphoreType.DMA] * NBUF

    def body(table_h, src_h, dst_h, z_h, zd_h, one_h, *rest):
        acc_o = rest[0]
        k = 2 if with_deg else 1
        deg_o = rest[1] if with_deg else None
        (idx_v, dst_v, rows_v, wb_v, acc_sh) = rest[k:k + 5]
        sems = rest[k + 5:k + 5 + 3 * NBUF + 1]
        gsem = sems[:NBUF]
        ssem = sems[NBUF:2 * NBUF]
        xsem = sems[2 * NBUF:3 * NBUF]
        isem = sems[3 * NBUF]
        if with_deg:
            ones_v, wbd_v, deg_sh = rest[k + 6 + 3 * NBUF:k + 9 + 3 * NBUF]
            dsem = rest[k + 9 + 3 * NBUF:]
        else:
            ones_v = wbd_v = deg_sh = dsem = None

        c = lax.axis_index("c")
        s = lax.axis_index("s")
        r0 = s * rpt
        row0 = s * nb

        pltpu.async_copy(src_h.at[c, pl.ds(row0, nb)], idx_v, isem)

        pltpu.sync_copy(z_h, wb_v)
        pltpu.sync_copy(wb_v, acc_sh.at[pl.ds(r0, rpt)])
        if with_deg:
            pltpu.sync_copy(zd_h, wbd_v)
            pltpu.sync_copy(wbd_v, deg_sh.at[pl.ds(r0, rpt)])
            pltpu.sync_copy(one_h, ones_v)
        pltpu.make_async_copy(src_h.at[c, pl.ds(row0, nb)], idx_v, isem).wait()
        plsc.subcore_barrier()

        def buf(b):
            return rows_v.at[pl.ds(b * EB, EB)]

        def gather(i, b):
            pltpu.async_copy(table_h.at[idx_v.at[i]], buf(b), gsem[b])

        def gather_wait(b):
            pltpu.make_async_copy(table_h.at[idx_v.at[0]], buf(b),
                                  gsem[b]).wait()

        def dst_prefetch(i, b):
            pltpu.async_copy(dst_h.at[pl.ds(row0 + i, 1)],
                             dst_v.at[pl.ds(b, 1)], xsem[b])

        def dst_wait(b):
            pltpu.make_async_copy(dst_h.at[pl.ds(row0, 1)],
                                  dst_v.at[pl.ds(b, 1)], xsem[b]).wait()

        def scatter(r, b):
            pltpu.async_copy(buf(b), acc_sh.at[dst_v.at[r]], ssem[b],
                             add=True)
            if with_deg:
                pltpu.async_copy(ones_v, deg_sh.at[dst_v.at[r]], dsem[b],
                                 add=True)

        def scatter_wait(b):
            pltpu.make_async_copy(buf(b), acc_sh.at[dst_v.at[0]],
                                  ssem[b]).wait()
            if with_deg:
                pltpu.make_async_copy(ones_v, deg_sh.at[dst_v.at[0]],
                                      dsem[b]).wait()

        for b in range(GA):
            dst_prefetch(b, b)
            gather(b, b)

        def outer(ii, carry):
            for r in range(NBUF):
                i = ii * NBUF + r
                gather_wait(r)
                dst_wait(r)
                scatter(r, r)
                tgt = (r + GA) % NBUF

                @pl.when(i >= NBUF - GA)
                def _():
                    scatter_wait(tgt)

                @pl.when(i + GA < nb)
                def _():
                    dst_prefetch(i + GA, tgt)
                    gather(i + GA, tgt)
            return carry

        lax.fori_loop(0, nb // NBUF, outer, 0)
        for j in range(nb - (NBUF - GA), nb):
            scatter_wait(j % NBUF)
        plsc.subcore_barrier()

        pltpu.sync_copy(acc_sh.at[pl.ds(r0, rpt)], wb_v)
        pltpu.sync_copy(wb_v, acc_o.at[c, pl.ds(r0, rpt)])
        if with_deg:
            pltpu.sync_copy(deg_sh.at[pl.ds(r0, rpt)], wbd_v)
            pltpu.sync_copy(wbd_v, deg_o.at[c, pl.ds(r0, rpt)])

    return pl.kernel(
        body, out_type=out_type, mesh=mesh, scratch_types=scratch,
        compiler_params=pltpu.CompilerParams(use_tc_tiling_on_sc=False),
    )(table, src2d, dst2d, zeros_rows, zeros_deg, ones_deg)



def _inv_deg(deg_ref):
    d = jnp.max(deg_ref[0], axis=1, keepdims=True)
    return 1.0 / jnp.maximum(d, 1.0)


def _accumulate_stats(i, h, st_ref):
    @pl.when(i == 0)
    def _():
        st_ref[...] = jnp.zeros_like(st_ref)
    st_ref[0:1, :] += jnp.sum(h, axis=0, keepdims=True)
    st_ref[1:2, :] += jnp.sum(h * h, axis=0, keepdims=True)


def _sage1_body(acc_ref, deg_ref, x_ref, wl_ref, bl_ref, wr_ref, h_ref, st_ref):
    i = pl.program_id(0)
    inv = _inv_deg(deg_ref)
    mean = jnp.concatenate([acc_ref[0], acc_ref[1]], axis=1) * inv
    h = (jnp.dot(mean, wl_ref[...], preferred_element_type=jnp.float32)
         + jnp.dot(x_ref[...], wr_ref[...], preferred_element_type=jnp.float32)
         + bl_ref[...])
    h_ref[...] = h
    _accumulate_stats(i, h, st_ref)


def _combine_body(acc_ref, deg_ref, r_ref, bl_ref, h_ref, st_ref):
    i = pl.program_id(0)
    inv = _inv_deg(deg_ref)
    h = (jnp.concatenate([acc_ref[0], acc_ref[1]], axis=1) * inv
         + r_ref[...] + bl_ref[...])
    h_ref[...] = h
    _accumulate_stats(i, h, st_ref)


def _bn_project_body(h_ref, st_ref, g_ref, be_ref, wls_ref, wr_ref,
                     y_ref, r_ref, *, n_nodes):
    mu = st_ref[0:1, :] * (1.0 / n_nodes)
    var = st_ref[1:2, :] * (1.0 / n_nodes) - mu * mu
    scale = g_ref[...] * lax.rsqrt(var + 1e-5)
    shift = be_ref[...] - mu * scale
    y = jnp.maximum(h_ref[...] * scale + shift, 0.0)
    y_ref[0] = jnp.dot(y, wls_ref[0], preferred_element_type=jnp.float32)
    y_ref[1] = jnp.dot(y, wls_ref[1], preferred_element_type=jnp.float32)
    r_ref[...] = jnp.dot(y, wr_ref[...], preferred_element_type=jnp.float32)


def _final_body(acc_ref, deg_ref, r_ref, bl_ref, wc_ref, bc_ref, o_ref):
    inv = _inv_deg(deg_ref)
    h = (jnp.concatenate([acc_ref[0], acc_ref[1]], axis=1) * inv
         + r_ref[...] + bl_ref[...])
    h = jnp.maximum(h, 0.0)
    logits = jnp.dot(h, wc_ref[...], preferred_element_type=jnp.float32) + bc_ref[...]
    o_ref[...] = 1.0 / (1.0 + jnp.exp(-logits))


def _full(shape):
    return pl.BlockSpec(shape, lambda i: (0,) * len(shape))


def _rows3(nlead, width):
    return pl.BlockSpec((nlead, ROWS, width), lambda i: (0, i, 0))


def _rows2(width):
    return pl.BlockSpec((ROWS, width), lambda i: (i, 0))



def kernel(x, edge_index, Wl1, bl1, Wr1, g1, be1, Wl2, bl2, Wr2, g2, be2,
           Wl3, bl3, Wr3, Wc, bc):
    n, d_in = x.shape
    e = edge_index.shape[1]
    h1w = Wl1.shape[1]
    h2w = Wl2.shape[1]
    h3w = Wl3.shape[1]
    grid = n // ROWS

    src = edge_index[0]
    dst = edge_index[1]
    src2d = jnp.stack([src, src + n]).reshape(NC, e // EB, EB)
    dst2d = dst.reshape(e // EB, EB)
    n_pad = ((n + NS - 1) // NS) * NS
    rpt = n_pad // NS

    zeros_rows = jnp.zeros((rpt, d_in // 2), jnp.float32)
    zeros_rows3 = jnp.zeros((rpt, h3w // 2), jnp.float32)
    zeros_deg = jnp.zeros((rpt, 16), jnp.float32)
    ones_deg = jnp.ones((EB, 16), jnp.float32)

    wl2s = jnp.stack([Wl2[:, :h2w // 2], Wl2[:, h2w // 2:]])
    wl3s = jnp.stack([Wl3[:, :h3w // 2], Wl3[:, h3w // 2:]])

    x2 = jnp.concatenate([x[:, :d_in // 2], x[:, d_in // 2:]], axis=0)
    acc1, deg = _seg_sum(x2, src2d, dst2d, zeros_rows, zeros_deg, ones_deg,
                         n_nodes=n, n_pad=n_pad, width=d_in // 2,
                         with_deg=True)

    h1, st1 = pl.pallas_call(
        _sage1_body,
        grid=(grid,),
        in_specs=[_rows3(NC, d_in // 2), _rows3(NC, 16), _rows2(d_in),
                  _full((d_in, h1w)), _full((1, h1w)), _full((d_in, h1w))],
        out_specs=[_rows2(h1w), _full((8, h1w))],
        out_shape=[jax.ShapeDtypeStruct((n, h1w), jnp.float32),
                   jax.ShapeDtypeStruct((8, h1w), jnp.float32)],
    )(acc1, deg, x, Wl1, bl1.reshape(1, -1), Wr1)

    def bn_project(h, st, g, be, wls, wr, hw, ow):
        return pl.pallas_call(
            lambda *a: _bn_project_body(*a, n_nodes=n),
            grid=(grid,),
            in_specs=[_rows2(hw), _full((8, hw)), _full((1, hw)),
                      _full((1, hw)), _full(wls.shape), _full(wr.shape)],
            out_specs=[_rows3(2, ow // 2), _rows2(ow)],
            out_shape=[jax.ShapeDtypeStruct((2, n, ow // 2), jnp.float32),
                       jax.ShapeDtypeStruct((n, ow), jnp.float32)],
        )(h, st, g.reshape(1, -1), be.reshape(1, -1), wls, wr)

    y2, r2 = bn_project(h1, st1, g1, be1, wl2s, Wr2, h1w, h2w)

    acc2 = _seg_sum(y2.reshape(2 * n, h2w // 2), src2d, dst2d,
                    zeros_rows, zeros_deg, ones_deg,
                    n_nodes=n, n_pad=n_pad, width=h2w // 2,
                    with_deg=False)[0]

    h2, st2 = pl.pallas_call(
        _combine_body,
        grid=(grid,),
        in_specs=[_rows3(NC, h2w // 2), _rows3(NC, 16), _rows2(h2w),
                  _full((1, h2w))],
        out_specs=[_rows2(h2w), _full((8, h2w))],
        out_shape=[jax.ShapeDtypeStruct((n, h2w), jnp.float32),
                   jax.ShapeDtypeStruct((8, h2w), jnp.float32)],
    )(acc2, deg, r2, bl2.reshape(1, -1))

    y3, r3 = bn_project(h2, st2, g2, be2, wl3s, Wr3, h2w, h3w)

    acc3 = _seg_sum(y3.reshape(2 * n, h3w // 2), src2d, dst2d,
                    zeros_rows3, zeros_deg, ones_deg,
                    n_nodes=n, n_pad=n_pad, width=h3w // 2,
                    with_deg=False)[0]

    wc_pad = jnp.pad(Wc, ((0, 0), (0, 128 - Wc.shape[1])))
    out_full = pl.pallas_call(
        _final_body,
        grid=(grid,),
        in_specs=[_rows3(NC, h3w // 2), _rows3(NC, 16), _rows2(h3w),
                  _full((1, h3w)), _full((h3w, 128)), _full((1, 1))],
        out_specs=_rows2(128),
        out_shape=jax.ShapeDtypeStruct((n, 128), jnp.float32),
    )(acc3, deg, r3, bl3.reshape(1, -1), wc_pad, bc.reshape(1, 1))

    return out_full[:, 0]

# --- scband reference (transcript-rebuilt; emitter-appended) ---
"""Pipeline reference for scband-gstfraud-gnn-5334349381900 (READ-ONLY COPY).

The authoritative reference and input builder live on the scoring server;
editing this copy changes nothing except your own understanding.
"""

import jax, jax.numpy as jnp
import numpy as np

N = 10000
E = 320000
D_IN, H1, H2, H3 = 128, 256, 128, 64


def _init_w(key, fan_in, fan_out):
    return jax.random.normal(key, (fan_in, fan_out), dtype=jnp.float32) * (1.0 / np.sqrt(fan_in))


def setup_inputs(seed: int = 0) -> dict:
    key = jax.random.key(seed)
    ks = jax.random.split(key, 20)
    x = jax.random.normal(ks[0], (N, D_IN), dtype=jnp.float32)
    edge_index = jax.random.randint(ks[1], (2, E), 0, N, dtype=jnp.int32)
    return {
        'x': x,
        'edge_index': edge_index,
        # SAGEConv layer 1 (lin_l on aggregated neighbors w/ bias, lin_r on root no bias)
        'Wl1': _init_w(ks[2], D_IN, H1), 'bl1': jnp.zeros((H1,), jnp.float32), 'Wr1': _init_w(ks[3], D_IN, H1),
        'g1': jnp.ones((H1,), jnp.float32), 'be1': jnp.zeros((H1,), jnp.float32),
        # SAGEConv layer 2
        'Wl2': _init_w(ks[4], H1, H2), 'bl2': jnp.zeros((H2,), jnp.float32), 'Wr2': _init_w(ks[5], H1, H2),
        'g2': jnp.ones((H2,), jnp.float32), 'be2': jnp.zeros((H2,), jnp.float32),
        # SAGEConv layer 3
        'Wl3': _init_w(ks[6], H2, H3), 'bl3': jnp.zeros((H3,), jnp.float32), 'Wr3': _init_w(ks[7], H2, H3),
        # classifier
        'Wc': _init_w(ks[8], H3, 1), 'bc': jnp.zeros((1,), jnp.float32),
    }


def _sage_conv(x, src, dst, Wl, bl, Wr):
    # mean aggregation of source-node features into destination nodes
    msgs = x[src]
    agg = jax.ops.segment_sum(msgs, dst, num_segments=N)
    deg = jax.ops.segment_sum(jnp.ones((src.shape[0],), x.dtype), dst, num_segments=N)
    mean = agg / jnp.clip(deg, 1.0)[:, None]
    return mean @ Wl + bl + x @ Wr


def _batch_norm(h, gamma, beta, eps=1e-5):
    mu = jnp.mean(h, axis=0)
    var = jnp.var(h, axis=0)
    return (h - mu) / jnp.sqrt(var + eps) * gamma + beta


def reference(x, edge_index, Wl1, bl1, Wr1, g1, be1, Wl2, bl2, Wr2, g2, be2, Wl3, bl3, Wr3, Wc, bc):
    src = edge_index[0]
    dst = edge_index[1]
    h = _sage_conv(x, src, dst, Wl1, bl1, Wr1)
    h = _batch_norm(h, g1, be1)
    h = jax.nn.relu(h)
    # dropout is identity in eval / deterministic reference
    h = _sage_conv(h, src, dst, Wl2, bl2, Wr2)
    h = _batch_norm(h, g2, be2)
    h = jax.nn.relu(h)
    h = _sage_conv(h, src, dst, Wl3, bl3, Wr3)
    h = jax.nn.relu(h)
    logits = (h @ Wc + bc).squeeze(-1)
    return jax.nn.sigmoid(logits)

if __name__ == "__main__":
    import jax
    _d = setup_inputs()
    print(jax.jit(kernel)(*tuple(_d.values())))

</pallas_src>

<mosaic_0001>
#map = affine_map<(d0, d1) -> (0, 0)>
#map1 = affine_map<(d0, d1) -> (0, 0, 0)>
module attributes {stable_mosaic.version = 14 : i64} {
  func.func @body(%arg0: i32, %arg1: i32, %arg2: memref<20000x64xf32, #tpu.memory_space<hbm>>, %arg3: memref<2x8000x40xi32, #tpu.memory_space<hbm>>, %arg4: memref<8000x40xi32, #tpu.memory_space<hbm>>, %arg5: memref<625x64xf32, #tpu.memory_space<hbm>>, %arg6: memref<625x16xf32, #tpu.memory_space<hbm>>, %arg7: memref<40x16xf32, #tpu.memory_space<hbm>>, %arg8: memref<2x10000x64xf32, #tpu.memory_space<hbm>>, %arg9: memref<2x10000x16xf32, #tpu.memory_space<hbm>>, %arg10: memref<500x40xi32, #tpu.memory_space<vmem>>, %arg11: memref<4x40xi32, #tpu.memory_space<vmem>>, %arg12: memref<160x64xf32, #tpu.memory_space<vmem>>, %arg13: memref<625x64xf32, #tpu.memory_space<vmem>>, %arg14: memref<10000x64xf32, #tpu.memory_space<vmem_shared>>, %arg15: memref<!tpu.dma_semaphore, #tpu.memory_space<semaphore_mem>>, %arg16: memref<!tpu.dma_semaphore, #tpu.memory_space<semaphore_mem>>, %arg17: memref<!tpu.dma_semaphore, #tpu.memory_space<semaphore_mem>>, %arg18: memref<!tpu.dma_semaphore, #tpu.memory_space<semaphore_mem>>, %arg19: memref<!tpu.dma_semaphore, #tpu.memory_space<semaphore_mem>>, %arg20: memref<!tpu.dma_semaphore, #tpu.memory_space<semaphore_mem>>, %arg21: memref<!tpu.dma_semaphore, #tpu.memory_space<semaphore_mem>>, %arg22: memref<!tpu.dma_semaphore, #tpu.memory_space<semaphore_mem>>, %arg23: memref<!tpu.dma_semaphore, #tpu.memory_space<semaphore_mem>>, %arg24: memref<!tpu.dma_semaphore, #tpu.memory_space<semaphore_mem>>, %arg25: memref<!tpu.dma_semaphore, #tpu.memory_space<semaphore_mem>>, %arg26: memref<!tpu.dma_semaphore, #tpu.memory_space<semaphore_mem>>, %arg27: memref<!tpu.dma_semaphore, #tpu.memory_space<semaphore_mem>>, %arg28: memref<40x16xf32, #tpu.memory_space<vmem>>, %arg29: memref<625x16xf32, #tpu.memory_space<vmem>>, %arg30: memref<10000x16xf32, #tpu.memory_space<vmem_shared>>, %arg31: memref<!tpu.dma_semaphore, #tpu.memory_space<semaphore_mem>>, %arg32: memref<!tpu.dma_semaphore, #tpu.memory_space<semaphore_mem>>, %arg33: memref<!tpu.dma_semaphore, #tpu.memory_space<semaphore_mem>>, %arg34: memref<!tpu.dma_semaphore, #tpu.memory_space<semaphore_mem>>) attributes {dimension_semantics = [#tpu.dimension_semantics<core_parallel>, #tpu.dimension_semantics<subcore_parallel>], iteration_bounds = array<i64: 2, 16>, scalar_prefetch = 0 : i64, scratch_operands = 25 : i64, tpu.core_type = #tpu.core_type<sc_vector_subcore>, window_params = [{transform_indices = #map}, {transform_indices = #map1}, {transform_indices = #map}, {transform_indices = #map}, {transform_indices = #map}, {transform_indices = #map}, {transform_indices = #map1}, {transform_indices = #map1}]} {
    %mul3A = arith.constant 625 : i32
    %mul3A_0 = arith.muli %arg1, %mul3A : i32
    %mul3A_1 = arith.constant 500 : i32
    %mul3A_2 = arith.muli %arg1, %mul3A_1 : i32
    %dma_start3A = arith.constant 0 : i32
    %dma_start3A_3 = tpu.memref_slice %arg3[%arg0, %mul3A_2, %dma_start3A] : memref<2x8000x40xi32, #tpu.memory_space<hbm>> -> memref<1x500x40xi32, #tpu.memory_space<hbm>>
    %dma_start3A_4 = tpu.memref_squeeze %dma_start3A_3 : memref<1x500x40xi32, #tpu.memory_space<hbm>> -> memref<500x40xi32, #tpu.memory_space<hbm>>
    %dma_start3A_5 = arith.constant 0 : i32
    %dma_start3A_6 = tpu.memref_slice %arg3[%arg0, %mul3A_2, %dma_start3A_5] : memref<2x8000x40xi32, #tpu.memory_space<hbm>> -> memref<1x500x40xi32, #tpu.memory_space<hbm>>
    %dma_start3A_7 = tpu.memref_squeeze %dma_start3A_6 : memref<1x500x40xi32, #tpu.memory_space<hbm>> -> memref<500x40xi32, #tpu.memory_space<hbm>>
    tpu.enqueue_dma source(%dma_start3A_7 : memref<500x40xi32, #tpu.memory_space<hbm>>) target(%arg10 : memref<500x40xi32, #tpu.memory_space<vmem>>) target_semaphore(%arg27 : memref<!tpu.dma_semaphore, #tpu.memory_space<semaphore_mem>>)
    "tpu.region"() ({
      %run_scoped3A = tpu.sem_alloc : memref<!tpu.dma_semaphore, #tpu.memory_space<semaphore_mem>>
      tpu.enqueue_dma source(%arg5 : memref<625x64xf32, #tpu.memory_space<hbm>>) target(%arg13 : memref<625x64xf32, #tpu.memory_space<vmem>>) target_semaphore(%run_scoped3A : memref<!tpu.dma_semaphore, #tpu.memory_space<semaphore_mem>>)
      tpu.wait_dma2 semaphore(%run_scoped3A : memref<!tpu.dma_semaphore, #tpu.memory_space<semaphore_mem>>) src(%arg5 : memref<625x64xf32, #tpu.memory_space<hbm>>) dst(%arg13 : memref<625x64xf32, #tpu.memory_space<vmem>>)
      tpu.yield
    }) : () -> ()
    "tpu.region"() ({
      %run_scoped3A = tpu.sem_alloc : memref<!tpu.dma_semaphore, #tpu.memory_space<semaphore_mem>>
      %dma_start3A_101 = arith.constant 0 : i32
      %dma_start3A_102 = tpu.memref_slice %arg14[%mul3A_0, %dma_start3A_101] : memref<10000x64xf32, #tpu.memory_space<vmem_shared>> -> memref<625x64xf32, #tpu.memory_space<vmem_shared>>
      %dma_start3A_103 = arith.constant 0 : i32
      %dma_start3A_104 = tpu.memref_slice %arg14[%mul3A_0, %dma_start3A_103] : memref<10000x64xf32, #tpu.memory_space<vmem_shared>> -> memref<625x64xf32, #tpu.memory_space<vmem_shared>>
      tpu.enqueue_dma source(%arg13 : memref<625x64xf32, #tpu.memory_space<vmem>>) target(%dma_start3A_104 : memref<625x64xf32, #tpu.memory_space<vmem_shared>>) target_semaphore(%run_scoped3A : memref<!tpu.dma_semaphore, #tpu.memory_space<semaphore_mem>>)
      %dma_wait3A_105 = arith.constant 0 : i32
      %dma_wait3A_106 = tpu.memref_slice %arg14[%mul3A_0, %dma_wait3A_105] : memref<10000x64xf32, #tpu.memory_space<vmem_shared>> -> memref<625x64xf32, #tpu.memory_space<vmem_shared>>
      %dma_wait3A_107 = arith.constant 0 : i32
      %dma_wait3A_108 = tpu.memref_slice %arg14[%mul3A_0, %dma_wait3A_107] : memref<10000x64xf32, #tpu.memory_space<vmem_shared>> -> memref<625x64xf32, #tpu.memory_space<vmem_shared>>
      tpu.wait_dma2 semaphore(%run_scoped3A : memref<!tpu.dma_semaphore, #tpu.memory_space<semaphore_mem>>) src(%arg13 : memref<625x64xf32, #tpu.memory_space<vmem>>) dst(%dma_wait3A_108 : memref<625x64xf32, #tpu.memory_space<vmem_shared>>)
      tpu.yield
    }) : () -> ()
    "tpu.region"() ({
      %run_scoped3A = tpu.sem_alloc : memref<!tpu.dma_semaphore, #tpu.memory_space<semaphore_mem>>
      tpu.enqueue_dma source(%arg6 : memref<625x16xf32, #tpu.memory_space<hbm>>) target(%arg29 : memref<625x16xf32, #tpu.memory_space<vmem>>) target_semaphore(%run_scoped3A : memref<!tpu.dma_semaphore, #tpu.memory_space<semaphore_mem>>)
      tpu.wait_dma2 semaphore(%run_scoped3A : memref<!tpu.dma_semaphore, #tpu.memory_space<semaphore_mem>>) src(%arg6 : memref<625x16xf32, #tpu.memory_space<hbm>>) dst(%arg29 : memref<625x16xf32, #tpu.memory_space<vmem>>)
      tpu.yield
    }) : () -> ()
    "tpu.region"() ({
      %run_scoped3A = tpu.sem_alloc : memref<!tpu.dma_semaphore, #tpu.memory_space<semaphore_mem>>
      %dma_start3A_101 = arith.constant 0 : i32
      %dma_start3A_102 = tpu.memref_slice %arg30[%mul3A_0, %dma_start3A_101] : memref<10000x16xf32, #tpu.memory_space<vmem_shared>> -> memref<625x16xf32, #tpu.memory_space<vmem_shared>>
      %dma_start3A_103 = arith.constant 0 : i32
      %dma_start3A_104 = tpu.memref_slice %arg30[%mul3A_0, %dma_start3A_103] : memref<10000x16xf32, #tpu.memory_space<vmem_shared>> -> memref<625x16xf32, #tpu.memory_space<vmem_shared>>
      tpu.enqueue_dma source(%arg29 : memref<625x16xf32, #tpu.memory_space<vmem>>) target(%dma_start3A_104 : memref<625x16xf32, #tpu.memory_space<vmem_shared>>) target_semaphore(%run_scoped3A : memref<!tpu.dma_semaphore, #tpu.memory_space<semaphore_mem>>)
      %dma_wait3A_105 = arith.constant 0 : i32
      %dma_wait3A_106 = tpu.memref_slice %arg30[%mul3A_0, %dma_wait3A_105] : memref<10000x16xf32, #tpu.memory_space<vmem_shared>> -> memref<625x16xf32, #tpu.memory_space<vmem_shared>>
      %dma_wait3A_107 = arith.constant 0 : i32
      %dma_wait3A_108 = tpu.memref_slice %arg30[%mul3A_0, %dma_wait3A_107] : memref<10000x16xf32, #tpu.memory_space<vmem_shared>> -> memref<625x16xf32, #tpu.memory_space<vmem_shared>>
      tpu.wait_dma2 semaphore(%run_scoped3A : memref<!tpu.dma_semaphore, #tpu.memory_space<semaphore_mem>>) src(%arg29 : memref<625x16xf32, #tpu.memory_space<vmem>>) dst(%dma_wait3A_108 : memref<625x16xf32, #tpu.memory_space<vmem_shared>>)
      tpu.yield
    }) : () -> ()
    "tpu.region"() ({
      %run_scoped3A = tpu.sem_alloc : memref<!tpu.dma_semaphore, #tpu.memory_space<semaphore_mem>>
      tpu.enqueue_dma source(%arg7 : memref<40x16xf32, #tpu.memory_space<hbm>>) target(%arg28 : memref<40x16xf32, #tpu.memory_space<vmem>>) target_semaphore(%run_scoped3A : memref<!tpu.dma_semaphore, #tpu.memory_space<semaphore_mem>>)
      tpu.wait_dma2 semaphore(%run_scoped3A : memref<!tpu.dma_semaphore, #tpu.memory_space<semaphore_mem>>) src(%arg7 : memref<40x16xf32, #tpu.memory_space<hbm>>) dst(%arg28 : memref<40x16xf32, #tpu.memory_space<vmem>>)
      tpu.yield
    }) : () -> ()
    %dma_wait3A = arith.constant 0 : i32
    %dma_wait3A_8 = tpu.memref_slice %arg3[%arg0, %mul3A_2, %dma_wait3A] : memref<2x8000x40xi32, #tpu.memory_space<hbm>> -> memref<1x500x40xi32, #tpu.memory_space<hbm>>
    %dma_wait3A_9 = tpu.memref_squeeze %dma_wait3A_8 : memref<1x500x40xi32, #tpu.memory_space<hbm>> -> memref<500x40xi32, #tpu.memory_space<hbm>>
    %dma_wait3A_10 = arith.constant 0 : i32
    %dma_wait3A_11 = tpu.memref_slice %arg3[%arg0, %mul3A_2, %dma_wait3A_10] : memref<2x8000x40xi32, #tpu.memory_space<hbm>> -> memref<1x500x40xi32, #tpu.memory_space<hbm>>
    %dma_wait3A_12 = tpu.memref_squeeze %dma_wait3A_11 : memref<1x500x40xi32, #tpu.memory_space<hbm>> -> memref<500x40xi32, #tpu.memory_space<hbm>>
    tpu.wait_dma2 semaphore(%arg27 : memref<!tpu.dma_semaphore, #tpu.memory_space<semaphore_mem>>) src(%dma_wait3A_12 : memref<500x40xi32, #tpu.memory_space<hbm>>) dst(%arg10 : memref<500x40xi32, #tpu.memory_space<vmem>>)
    %barrier3A = arith.constant 0 : index
    tpu.barrier barrier_id(%barrier3A)
    %add3A = arith.constant 0 : i32
    %add3A_13 = arith.addi %mul3A_2, %add3A : i32
    %dma_start3A_14 = arith.constant 0 : i32
    %dma_start3A_15 = arith.constant 0 : i32
    %dma_start3A_16 = tpu.memref_slice %arg11[%dma_start3A_14, %dma_start3A_15] : memref<4x40xi32, #tpu.memory_space<vmem>> -> memref<1x40xi32, #tpu.memory_space<vmem>>
    %dma_start3A_17 = arith.constant 0 : i32
    %dma_start3A_18 = tpu.memref_slice %arg4[%add3A_13, %dma_start3A_17] : memref<8000x40xi32, #tpu.memory_space<hbm>> -> memref<1x40xi32, #tpu.memory_space<hbm>>
    %dma_start3A_19 = arith.constant 0 : i32
    %dma_start3A_20 = arith.constant 0 : i32
    %dma_start3A_21 = tpu.memref_slice %arg11[%dma_start3A_19, %dma_start3A_20] : memref<4x40xi32, #tpu.memory_space<vmem>> -> memref<1x40xi32, #tpu.memory_space<vmem>>
    %dma_start3A_22 = arith.constant 0 : i32
    %dma_start3A_23 = tpu.memref_slice %arg4[%add3A_13, %dma_start3A_22] : memref<8000x40xi32, #tpu.memory_space<hbm>> -> memref<1x40xi32, #tpu.memory_space<hbm>>
    tpu.enqueue_dma source(%dma_start3A_23 : memref<1x40xi32, #tpu.memory_space<hbm>>) target(%dma_start3A_21 : memref<1x40xi32, #tpu.memory_space<vmem>>) target_semaphore(%arg23 : memref<!tpu.dma_semaphore, #tpu.memory_space<semaphore_mem>>)
    %dma_start3A_24 = arith.constant 0 : i32
    %dma_start3A_25 = arith.constant 0 : i32
    %dma_start3A_26 = arith.constant 0 : i32
    %dma_start3A_27 = tpu.memref_slice %arg12[%dma_start3A_25, %dma_start3A_26] : memref<160x64xf32, #tpu.memory_space<vmem>> -> memref<40x64xf32, #tpu.memory_space<vmem>>
    %dma_start3A_28 = arith.constant 0 : i32
    %dma_start3A_29 = tpu.memref_slice %arg10[%dma_start3A_24, %dma_start3A_28] : memref<500x40xi32, #tpu.memory_space<vmem>> -> memref<1x40xi32, #tpu.memory_space<vmem>>
    %dma_start3A_30 = tpu.memref_squeeze %dma_start3A_29 : memref<1x40xi32, #tpu.memory_space<vmem>> -> memref<40xi32, #tpu.memory_space<vmem>>
    %dma_start3A_31 = arith.constant 0 : i32
    %dma_start3A_32 = arith.constant 0 : i32
    %dma_start3A_33 = tpu.memref_slice %arg2[%dma_start3A_31, %dma_start3A_32] : memref<20000x64xf32, #tpu.memory_space<hbm>> -> memref<20000x64xf32, #tpu.memory_space<hbm>>
    tpu.enqueue_indirect_dma source(%dma_start3A_33 : memref<20000x64xf32, #tpu.memory_space<hbm>>) target(%dma_start3A_27 : memref<40x64xf32, #tpu.memory_space<vmem>>) offsets(%dma_start3A_30 : memref<40xi32, #tpu.memory_space<vmem>>) semaphore(%arg15 : memref<!tpu.dma_semaphore, #tpu.memory_space<semaphore_mem>>)
    %add3A_34 = arith.constant 1 : i32
    %add3A_35 = arith.addi %mul3A_2, %add3A_34 : i32
    %dma_start3A_36 = arith.constant 1 : i32
    %dma_start3A_37 = arith.constant 0 : i32
    %dma_start3A_38 = tpu.memref_slice %arg11[%dma_start3A_36, %dma_start3A_37] : memref<4x40xi32, #tpu.memory_space<vmem>> -> memref<1x40xi32, #tpu.memory_space<vmem>>
    %dma_start3A_39 = arith.constant 0 : i32
    %dma_start3A_40 = tpu.memref_slice %arg4[%add3A_35, %dma_start3A_39] : memref<8000x40xi32, #tpu.memory_space<hbm>> -> memref<1x40xi32, #tpu.memory_space<hbm>>
    %dma_start3A_41 = arith.constant 1 : i32
    %dma_start3A_42 = arith.constant 0 : i32
    %dma_start3A_43 = tpu.memref_slice %arg11[%dma_start3A_41, %dma_start3A_42] : memref<4x40xi32, #tpu.memory_space<vmem>> -> memref<1x40xi32, #tpu.memory_space<vmem>>
    %dma_start3A_44 = arith.constant 0 : i32
    %dma_start3A_45 = tpu.memref_slice %arg4[%add3A_35, %dma_start3A_44] : memref<8000x40xi32, #tpu.memory_space<hbm>> -> memref<1x40xi32, #tpu.memory_space<hbm>>
    tpu.enqueue_dma source(%dma_start3A_45 : memref<1x40xi32, #tpu.memory_space<hbm>>) target(%dma_start3A_43 : memref<1x40xi32, #tpu.memory_space<vmem>>) target_semaphore(%arg24 : memref<!tpu.dma_semaphore, #tpu.memory_space<semaphore_mem>>)
    %dma_start3A_46 = arith.constant 1 : i32
    %dma_start3A_47 = arith.constant 40 : i32
    %dma_start3A_48 = arith.constant 0 : i32
    %dma_start3A_49 = tpu.memref_slice %arg12[%dma_start3A_47, %dma_start3A_48] : memref<160x64xf32, #tpu.memory_space<vmem>> -> memref<40x64xf32, #tpu.memory_space<vmem>>
    %dma_start3A_50 = arith.constant 0 : i32
    %dma_start3A_51 = tpu.memref_slice %arg10[%dma_start3A_46, %dma_start3A_50] : memref<500x40xi32, #tpu.memory_space<vmem>> -> memref<1x40xi32, #tpu.memory_space<vmem>>
    %dma_start3A_52 = tpu.memref_squeeze %dma_start3A_51 : memref<1x40xi32, #tpu.memory_space<vmem>> -> memref<40xi32, #tpu.memory_space<vmem>>
    %dma_start3A_53 = arith.constant 0 : i32
    %dma_start3A_54 = arith.constant 0 : i32
    %dma_start3A_55 = tpu.memref_slice %arg2[%dma_start3A_53, %dma_start3A_54] : memref<20000x64xf32, #tpu.memory_space<hbm>> -> memref<20000x64xf32, #tpu.memory_space<hbm>>
    tpu.enqueue_indirect_dma source(%dma_start3A_55 : memref<20000x64xf32, #tpu.memory_space<hbm>>) target(%dma_start3A_49 : memref<40x64xf32, #tpu.memory_space<vmem>>) offsets(%dma_start3A_52 : memref<40xi32, #tpu.memory_space<vmem>>) semaphore(%arg16 : memref<!tpu.dma_semaphore, #tpu.memory_space<semaphore_mem>>)
    %add3A_56 = arith.constant 2 : i32
    %add3A_57 = arith.addi %mul3A_2, %add3A_56 : i32
    %dma_start3A_58 = arith.constant 2 : i32
    %dma_start3A_59 = arith.constant 0 : i32
    %dma_start3A_60 = tpu.memref_slice %arg11[%dma_start3A_58, %dma_start3A_59] : memref<4x40xi32, #tpu.memory_space<vmem>> -> memref<1x40xi32, #tpu.memory_space<vmem>>
    %dma_start3A_61 = arith.constant 0 : i32
    %dma_start3A_62 = tpu.memref_slice %arg4[%add3A_57, %dma_start3A_61] : memref<8000x40xi32, #tpu.memory_space<hbm>> -> memref<1x40xi32, #tpu.memory_space<hbm>>
    %dma_start3A_63 = arith.constant 2 : i32
    %dma_start3A_64 = arith.constant 0 : i32
    %dma_start3A_65 = tpu.memref_slice %arg11[%dma_start3A_63, %dma_start3A_64] : memref<4x40xi32, #tpu.memory_space<vmem>> -> memref<1x40xi32, #tpu.memory_space<vmem>>
    %dma_start3A_66 = arith.constant 0 : i32
    %dma_start3A_67 = tpu.memref_slice %arg4[%add3A_57, %dma_start3A_66] : memref<8000x40xi32, #tpu.memory_space<hbm>> -> memref<1x40xi32, #tpu.memory_space<hbm>>
    tpu.enqueue_dma source(%dma_start3A_67 : memref<1x40xi32, #tpu.memory_space<hbm>>) target(%dma_start3A_65 : memref<1x40xi32, #tpu.memory_space<vmem>>) target_semaphore(%arg25 : memref<!tpu.dma_semaphore, #tpu.memory_space<semaphore_mem>>)
    %dma_start3A_68 = arith.constant 2 : i32
    %dma_start3A_69 = arith.constant 80 : i32
    %dma_start3A_70 = arith.constant 0 : i32
    %dma_start3A_71 = tpu.memref_slice %arg12[%dma_start3A_69, %dma_start3A_70] : memref<160x64xf32, #tpu.memory_space<vmem>> -> memref<40x64xf32, #tpu.memory_space<vmem>>
    %dma_start3A_72 = arith.constant 0 : i32
    %dma_start3A_73 = tpu.memref_slice %arg10[%dma_start3A_68, %dma_start3A_72] : memref<500x40xi32, #tpu.memory_space<vmem>> -> memref<1x40xi32, #tpu.memory_space<vmem>>
    %dma_start3A_74 = tpu.memref_squeeze %dma_start3A_73 : memref<1x40xi32, #tpu.memory_space<vmem>> -> memref<40xi32, #tpu.memory_space<vmem>>
    %dma_start3A_75 = arith.constant 0 : i32
    %dma_start3A_76 = arith.constant 0 : i32
    %dma_start3A_77 = tpu.memref_slice %arg2[%dma_start3A_75, %dma_start3A_76] : memref<20000x64xf32, #tpu.memory_space<hbm>> -> memref<20000x64xf32, #tpu.memory_space<hbm>>
    tpu.enqueue_indirect_dma source(%dma_start3A_77 : memref<20000x64xf32, #tpu.memory_space<hbm>>) target(%dma_start3A_71 : memref<40x64xf32, #tpu.memory_space<vmem>>) offsets(%dma_start3A_74 : memref<40xi32, #tpu.memory_space<vmem>>) semaphore(%arg17 : memref<!tpu.dma_semaphore, #tpu.memory_space<semaphore_mem>>)
    %scan3A = arith.constant 0 : i32
    %scan3A_78 = arith.constant 0 : i32
    %scan3A_79 = arith.constant 125 : i32
    %scan3A_80 = arith.addi %scan3A_78, %scan3A_79 : i32
    %scan3A_81 = arith.constant 1 : i32
    scf.for %scan3A_101 = %scan3A_78 to %scan3A_80 step %scan3A_81  : i32 {
      %mul3A_102 = arith.constant 4 : i32
      %mul3A_103 = arith.muli %scan3A_101, %mul3A_102 : i32
      %add3A_104 = arith.constant 0 : i32
      %add3A_105 = arith.addi %mul3A_103, %add3A_104 : i32
      %dma_wait3A_106 = arith.constant 0 : i32
      %dma_wait3A_107 = arith.constant 0 : i32
      %dma_wait3A_108 = arith.constant 0 : i32
      %dma_wait3A_109 = tpu.memref_slice %arg12[%dma_wait3A_107, %dma_wait3A_108] : memref<160x64xf32, #tpu.memory_space<vmem>> -> memref<40x64xf32, #tpu.memory_space<vmem>>
      %dma_wait3A_110 = arith.constant 0 : i32
      %dma_wait3A_111 = tpu.memref_slice %arg10[%dma_wait3A_106, %dma_wait3A_110] : memref<500x40xi32, #tpu.memory_space<vmem>> -> memref<1x40xi32, #tpu.memory_space<vmem>>
      %dma_wait3A_112 = tpu.memref_squeeze %dma_wait3A_111 : memref<1x40xi32, #tpu.memory_space<vmem>> -> memref<40xi32, #tpu.memory_space<vmem>>
      %dma_wait3A_113 = arith.constant 0 : i32
      %dma_wait3A_114 = arith.constant 0 : i32
      %dma_wait3A_115 = tpu.memref_slice %arg2[%dma_wait3A_113, %dma_wait3A_114] : memref<20000x64xf32, #tpu.memory_space<hbm>> -> memref<20000x64xf32, #tpu.memory_space<hbm>>
      tpu.wait_indirect_dma semaphore(%arg15 : memref<!tpu.dma_semaphore, #tpu.memory_space<semaphore_mem>>) src(%dma_wait3A_115 : memref<20000x64xf32, #tpu.memory_space<hbm>>) dst(%dma_wait3A_109 : memref<40x64xf32, #tpu.memory_space<vmem>>)
      %dma_wait3A_116 = arith.constant 0 : i32
      %dma_wait3A_117 = arith.constant 0 : i32
      %dma_wait3A_118 = tpu.memref_slice %arg11[%dma_wait3A_116, %dma_wait3A_117] : memref<4x40xi32, #tpu.memory_space<vmem>> -> memref<1x40xi32, #tpu.memory_space<vmem>>
      %dma_wait3A_119 = arith.constant 0 : i32
      %dma_wait3A_120 = tpu.memref_slice %arg4[%mul3A_2, %dma_wait3A_119] : memref<8000x40xi32, #tpu.memory_space<hbm>> -> memref<1x40xi32, #tpu.memory_space<hbm>>
      %dma_wait3A_121 = arith.constant 0 : i32
      %dma_wait3A_122 = arith.constant 0 : i32
      %dma_wait3A_123 = tpu.memref_slice %arg11[%dma_wait3A_121, %dma_wait3A_122] : memref<4x40xi32, #tpu.memory_space<vmem>> -> memref<1x40xi32, #tpu.memory_space<vmem>>
      %dma_wait3A_124 = arith.constant 0 : i32
      %dma_wait3A_125 = tpu.memref_slice %arg4[%mul3A_2, %dma_wait3A_124] : memref<8000x40xi32, #tpu.memory_space<hbm>> -> memref<1x40xi32, #tpu.memory_space<hbm>>
      tpu.wait_dma2 semaphore(%arg23 : memref<!tpu.dma_semaphore, #tpu.memory_space<semaphore_mem>>) src(%dma_wait3A_125 : memref<1x40xi32, #tpu.memory_space<hbm>>) dst(%dma_wait3A_123 : memref<1x40xi32, #tpu.memory_space<vmem>>)
      %dma_start3A_126 = arith.constant 0 : i32
      %dma_start3A_127 = arith.constant 0 : i32
      %dma_start3A_128 = arith.constant 0 : i32
      %dma_start3A_129 = tpu.memref_slice %arg12[%dma_start3A_127, %dma_start3A_128] : memref<160x64xf32, #tpu.memory_space<vmem>> -> memref<40x64xf32, #tpu.memory_space<vmem>>
      %dma_start3A_130 = arith.constant 0 : i32
      %dma_start3A_131 = tpu.memref_slice %arg11[%dma_start3A_126, %dma_start3A_130] : memref<4x40xi32, #tpu.memory_space<vmem>> -> memref<1x40xi32, #tpu.memory_space<vmem>>
      %dma_start3A_132 = tpu.memref_squeeze %dma_start3A_131 : memref<1x40xi32, #tpu.memory_space<vmem>> -> memref<40xi32, #tpu.memory_space<vmem>>
      %dma_start3A_133 = arith.constant 0 : i32
      %dma_start3A_134 = arith.constant 0 : i32
      %dma_start3A_135 = tpu.memref_slice %arg14[%dma_start3A_133, %dma_start3A_134] : memref<10000x64xf32, #tpu.memory_space<vmem_shared>> -> memref<10000x64xf32, #tpu.memory_space<vmem_shared>>
      tpu.enqueue_indirect_dma source(%dma_start3A_129 : memref<40x64xf32, #tpu.memory_space<vmem>>) target(%dma_start3A_135 : memref<10000x64xf32, #tpu.memory_space<vmem_shared>>) offsets(%dma_start3A_132 : memref<40xi32, #tpu.memory_space<vmem>>) semaphore(%arg19 : memref<!tpu.dma_semaphore, #tpu.memory_space<semaphore_mem>>) {add = true}
      %dma_start3A_136 = arith.constant 0 : i32
      %dma_start3A_137 = arith.constant 0 : i32
      %dma_start3A_138 = tpu.memref_slice %arg11[%dma_start3A_136, %dma_start3A_137] : memref<4x40xi32, #tpu.memory_space<vmem>> -> memref<1x40xi32, #tpu.memory_space<vmem>>
      %dma_start3A_139 = tpu.memref_squeeze %dma_start3A_138 : memref<1x40xi32, #tpu.memory_space<vmem>> -> memref<40xi32, #tpu.memory_space<vmem>>
      %dma_start3A_140 = arith.constant 0 : i32
      %dma_start3A_141 = arith.constant 0 : i32
      %dma_start3A_142 = tpu.memref_slice %arg30[%dma_start3A_140, %dma_start3A_141] : memref<10000x16xf32, #tpu.memory_space<vmem_shared>> -> memref<10000x16xf32, #tpu.memory_space<vmem_shared>>
      tpu.enqueue_indirect_dma source(%arg28 : memref<40x16xf32, #tpu.memory_space<vmem>>) target(%dma_start3A_142 : memref<10000x16xf32, #tpu.memory_space<vmem_shared>>) offsets(%dma_start3A_139 : memref<40xi32, #tpu.memory_space<vmem>>) semaphore(%arg31 : memref<!tpu.dma_semaphore, #tpu.memory_space<semaphore_mem>>) {add = true}
      %ge3A = arith.constant 1 : i32
      %ge3A_143 = arith.cmpi sge, %add3A_105, %ge3A : i32
      %convert_element_type3A = arith.extui %ge3A_143 : i1 to i32
      %cond3A = arith.constant 0 : i32
      %cond3A_144 = arith.cmpi ne, %convert_element_type3A, %cond3A : i32
      scf.if %cond3A_144 {
        %dma_wait3A_310 = arith.constant 0 : i32
        %dma_wait3A_311 = arith.constant 120 : i32
        %dma_wait3A_312 = arith.constant 0 : i32
        %dma_wait3A_313 = tpu.memref_slice %arg12[%dma_wait3A_311, %dma_wait3A_312] : memref<160x64xf32, #tpu.memory_space<vmem>> -> memref<40x64xf32, #tpu.memory_space<vmem>>
        %dma_wait3A_314 = arith.constant 0 : i32
        %dma_wait3A_315 = tpu.memref_slice %arg11[%dma_wait3A_310, %dma_wait3A_314] : memref<4x40xi32, #tpu.memory_space<vmem>> -> memref<1x40xi32, #tpu.memory_space<vmem>>
        %dma_wait3A_316 = tpu.memref_squeeze %dma_wait3A_315 : memref<1x40xi32, #tpu.memory_space<vmem>> -> memref<40xi32, #tpu.memory_space<vmem>>
        %dma_wait3A_317 = arith.constant 0 : i32
        %dma_wait3A_318 = arith.constant 0 : i32
        %dma_wait3A_319 = tpu.memref_slice %arg14[%dma_wait3A_317, %dma_wait3A_318] : memref<10000x64xf32, #tpu.memory_space<vmem_shared>> -> memref<10000x64xf32, #tpu.memory_space<vmem_shared>>
        tpu.wait_indirect_dma semaphore(%arg22 : memref<!tpu.dma_semaphore, #tpu.memory_space<semaphore_mem>>) src(%dma_wait3A_313 : memref<40x64xf32, #tpu.memory_space<vmem>>) dst(%dma_wait3A_319 : memref<10000x64xf32, #tpu.memory_space<vmem_shared>>)
        %dma_wait3A_320 = arith.constant 0 : i32
        %dma_wait3A_321 = arith.constant 0 : i32
        %dma_wait3A_322 = tpu.memref_slice %arg11[%dma_wait3A_320, %dma_wait3A_321] : memref<4x40xi32, #tpu.memory_space<vmem>> -> memref<1x40xi32, #tpu.memory_space<vmem>>
        %dma_wait3A_323 = tpu.memref_squeeze %dma_wait3A_322 : memref<1x40xi32, #tpu.memory_space<vmem>> -> memref<40xi32, #tpu.memory_space<vmem>>
        %dma_wait3A_324 = arith.constant 0 : i32
        %dma_wait3A_325 = arith.constant 0 : i32
        %dma_wait3A_326 = tpu.memref_slice %arg30[%dma_wait3A_324, %dma_wait3A_325] : memref<10000x16xf32, #tpu.memory_space<vmem_shared>> -> memref<10000x16xf32, #tpu.memory_space<vmem_shared>>
        tpu.wait_indirect_dma semaphore(%arg34 : memref<!tpu.dma_semaphore, #tpu.memory_space<semaphore_mem>>) src(%arg28 : memref<40x16xf32, #tpu.memory_space<vmem>>) dst(%dma_wait3A_326 : memref<10000x16xf32, #tpu.memory_space<vmem_shared>>)
      } else {
      }
      %add3A_145 = arith.constant 3 : i32
      %add3A_146 = arith.addi %add3A_105, %add3A_145 : i32
      %lt3A = arith.constant 500 : i32
      %lt3A_147 = arith.cmpi slt, %add3A_146, %lt3A : i32
      %convert_element_type3A_148 = arith.extui %lt3A_147 : i1 to i32
      %cond3A_149 = arith.constant 0 : i32
      %cond3A_150 = arith.cmpi ne, %convert_element_type3A_148, %cond3A_149 : i32
      scf.if %cond3A_150 {
        %add3A_310 = arith.constant 3 : i32
        %add3A_311 = arith.addi %add3A_105, %add3A_310 : i32
        %add3A_312 = arith.addi %mul3A_2, %add3A_311 : i32
        %dma_start3A_313 = arith.constant 3 : i32
        %dma_start3A_314 = arith.constant 0 : i32
        %dma_start3A_315 = tpu.memref_slice %arg11[%dma_start3A_313, %dma_start3A_314] : memref<4x40xi32, #tpu.memory_space<vmem>> -> memref<1x40xi32, #tpu.memory_space<vmem>>
        %dma_start3A_316 = arith.constant 0 : i32
        %dma_start3A_317 = tpu.memref_slice %arg4[%add3A_312, %dma_start3A_316] : memref<8000x40xi32, #tpu.memory_space<hbm>> -> memref<1x40xi32, #tpu.memory_space<hbm>>
        %dma_start3A_318 = arith.constant 3 : i32
        %dma_start3A_319 = arith.constant 0 : i32
        %dma_start3A_320 = tpu.memref_slice %arg11[%dma_start3A_318, %dma_start3A_319] : memref<4x40xi32, #tpu.memory_space<vmem>> -> memref<1x40xi32, #tpu.memory_space<vmem>>
        %dma_start3A_321 = arith.constant 0 : i32
        %dma_start3A_322 = tpu.memref_slice %arg4[%add3A_312, %dma_start3A_321] : memref<8000x40xi32, #tpu.memory_space<hbm>> -> memref<1x40xi32, #tpu.memory_space<hbm>>
        tpu.enqueue_dma source(%dma_start3A_322 : memref<1x40xi32, #tpu.memory_space<hbm>>) target(%dma_start3A_320 : memref<1x40xi32, #tpu.memory_space<vmem>>) target_semaphore(%arg26 : memref<!tpu.dma_semaphore, #tpu.memory_space<semaphore_mem>>)
        %add3A_323 = arith.constant 3 : i32
        %add3A_324 = arith.addi %add3A_105, %add3A_323 : i32
        %dma_start3A_325 = arith.constant 120 : i32
        %dma_start3A_326 = arith.constant 0 : i32
        %dma_start3A_327 = tpu.memref_slice %arg12[%dma_start3A_325, %dma_start3A_326] : memref<160x64xf32, #tpu.memory_space<vmem>> -> memref<40x64xf32, #tpu.memory_space<vmem>>
        %dma_start3A_328 = arith.constant 0 : i32
        %dma_start3A_329 = tpu.memref_slice %arg10[%add3A_324, %dma_start3A_328] : memref<500x40xi32, #tpu.memory_space<vmem>> -> memref<1x40xi32, #tpu.memory_space<vmem>>
        %dma_start3A_330 = tpu.memref_squeeze %dma_start3A_329 : memref<1x40xi32, #tpu.memory_space<vmem>> -> memref<40xi32, #tpu.memory_space<vmem>>
        %dma_start3A_331 = arith.constant 0 : i32
        %dma_start3A_332 = arith.constant 0 : i32
        %dma_start3A_333 = tpu.memref_slice %arg2[%dma_start3A_331, %dma_start3A_332] : memref<20000x64xf32, #tpu.memory_space<hbm>> -> memref<20000x64xf32, #tpu.memory_space<hbm>>
        tpu.enqueue_indirect_dma source(%dma_start3A_333 : memref<20000x64xf32, #tpu.memory_space<hbm>>) target(%dma_start3A_327 : memref<40x64xf32, #tpu.memory_space<vmem>>) offsets(%dma_start3A_330 : memref<40xi32, #tpu.memory_space<vmem>>) semaphore(%arg18 : memref<!tpu.dma_semaphore, #tpu.memory_space<semaphore_mem>>)
      } else {
      }
      %mul3A_151 = arith.constant 4 : i32
      %mul3A_152 = arith.muli %scan3A_101, %mul3A_151 : i32
      %add3A_153 = arith.constant 1 : i32
      %add3A_154 = arith.addi %mul3A_152, %add3A_153 : i32
      %dma_wait3A_155 = arith.constant 0 : i32
      %dma_wait3A_156 = arith.constant 40 : i32
      %dma_wait3A_157 = arith.constant 0 : i32
      %dma_wait3A_158 = tpu.memref_slice %arg12[%dma_wait3A_156, %dma_wait3A_157] : memref<160x64xf32, #tpu.memory_space<vmem>> -> memref<40x64xf32, #tpu.memory_space<vmem>>
      %dma_wait3A_159 = arith.constant 0 : i32
      %dma_wait3A_160 = tpu.memref_slice %arg10[%dma_wait3A_155, %dma_wait3A_159] : memref<500x40xi32, #tpu.memory_space<vmem>> -> memref<1x40xi32, #tpu.memory_space<vmem>>
      %dma_wait3A_161 = tpu.memref_squeeze %dma_wait3A_160 : memref<1x40xi32, #tpu.memory_space<vmem>> -> memref<40xi32, #tpu.memory_space<vmem>>
      %dma_wait3A_162 = arith.constant 0 : i32
      %dma_wait3A_163 = arith.constant 0 : i32
      %dma_wait3A_164 = tpu.memref_slice %arg2[%dma_wait3A_162, %dma_wait3A_163] : memref<20000x64xf32, #tpu.memory_space<hbm>> -> memref<20000x64xf32, #tpu.memory_space<hbm>>
      tpu.wait_indirect_dma semaphore(%arg16 : memref<!tpu.dma_semaphore, #tpu.memory_space<semaphore_mem>>) src(%dma_wait3A_164 : memref<20000x64xf32, #tpu.memory_space<hbm>>) dst(%dma_wait3A_158 : memref<40x64xf32, #tpu.memory_space<vmem>>)
      %dma_wait3A_165 = arith.constant 1 : i32
      %dma_wait3A_166 = arith.constant 0 : i32
      %dma_wait3A_167 = tpu.memref_slice %arg11[%dma_wait3A_165, %dma_wait3A_166] : memref<4x40xi32, #tpu.memory_space<vmem>> -> memref<1x40xi32, #tpu.memory_space<vmem>>
      %dma_wait3A_168 = arith.constant 0 : i32
      %dma_wait3A_169 = tpu.memref_slice %arg4[%mul3A_2, %dma_wait3A_168] : memref<8000x40xi32, #tpu.memory_space<hbm>> -> memref<1x40xi32, #tpu.memory_space<hbm>>
      %dma_wait3A_170 = arith.constant 1 : i32
      %dma_wait3A_171 = arith.constant 0 : i32
      %dma_wait3A_172 = tpu.memref_slice %arg11[%dma_wait3A_170, %dma_wait3A_171] : memref<4x40xi32, #tpu.memory_space<vmem>> -> memref<1x40xi32, #tpu.memory_space<vmem>>
      %dma_wait3A_173 = arith.constant 0 : i32
      %dma_wait3A_174 = tpu.memref_slice %arg4[%mul3A_2, %dma_wait3A_173] : memref<8000x40xi32, #tpu.memory_space<hbm>> -> memref<1x40xi32, #tpu.memory_space<hbm>>
      tpu.wait_dma2 semaphore(%arg24 : memref<!tpu.dma_semaphore, #tpu.memory_space<semaphore_mem>>) src(%dma_wait3A_174 : memref<1x40xi32, #tpu.memory_space<hbm>>) dst(%dma_wait3A_172 : memref<1x40xi32, #tpu.memory_space<vmem>>)
      %dma_start3A_175 = arith.constant 1 : i32
      %dma_start3A_176 = arith.constant 40 : i32
      %dma_start3A_177 = arith.constant 0 : i32
      %dma_start3A_178 = tpu.memref_slice %arg12[%dma_start3A_176, %dma_start3A_177] : memref<160x64xf32, #tpu.memory_space<vmem>> -> memref<40x64xf32, #tpu.memory_space<vmem>>
      %dma_start3A_179 = arith.constant 0 : i32
      %dma_start3A_180 = tpu.memref_slice %arg11[%dma_start3A_175, %dma_start3A_179] : memref<4x40xi32, #tpu.memory_space<vmem>> -> memref<1x40xi32, #tpu.memory_space<vmem>>
      %dma_start3A_181 = tpu.memref_squeeze %dma_start3A_180 : memref<1x40xi32, #tpu.memory_space<vmem>> -> memref<40xi32, #tpu.memory_space<vmem>>
      %dma_start3A_182 = arith.constant 0 : i32
      %dma_start3A_183 = arith.constant 0 : i32
      %dma_start3A_184 = tpu.memref_slice %arg14[%dma_start3A_182, %dma_start3A_183] : memref<10000x64xf32, #tpu.memory_space<vmem_shared>> -> memref<10000x64xf32, #tpu.memory_space<vmem_shared>>
      tpu.enqueue_indirect_dma source(%dma_start3A_178 : memref<40x64xf32, #tpu.memory_space<vmem>>) target(%dma_start3A_184 : memref<10000x64xf32, #tpu.memory_space<vmem_shared>>) offsets(%dma_start3A_181 : memref<40xi32, #tpu.memory_space<vmem>>) semaphore(%arg20 : memref<!tpu.dma_semaphore, #tpu.memory_space<semaphore_mem>>) {add = true}
      %dma_start3A_185 = arith.constant 1 : i32
      %dma_start3A_186 = arith.constant 0 : i32
      %dma_start3A_187 = tpu.memref_slice %arg11[%dma_start3A_185, %dma_start3A_186] : memref<4x40xi32, #tpu.memory_space<vmem>> -> memref<1x40xi32, #tpu.memory_space<vmem>>
      %dma_start3A_188 = tpu.memref_squeeze %dma_start3A_187 : memref<1x40xi32, #tpu.memory_space<vmem>> -> memref<40xi32, #tpu.memory_space<vmem>>
      %dma_start3A_189 = arith.constant 0 : i32
      %dma_start3A_190 = arith.constant 0 : i32
      %dma_start3A_191 = tpu.memref_slice %arg30[%dma_start3A_189, %dma_start3A_190] : memref<10000x16xf32, #tpu.memory_space<vmem_shared>> -> memref<10000x16xf32, #tpu.memory_space<vmem_shared>>
      tpu.enqueue_indirect_dma source(%arg28 : memref<40x16xf32, #tpu.memory_space<vmem>>) target(%dma_start3A_191 : memref<10000x16xf32, #tpu.memory_space<vmem_shared>>) offsets(%dma_start3A_188 : memref<40xi32, #tpu.memory_space<vmem>>) semaphore(%arg32 : memref<!tpu.dma_semaphore, #tpu.memory_space<semaphore_mem>>) {add = true}
      %ge3A_192 = arith.constant 1 : i32
      %ge3A_193 = arith.cmpi sge, %add3A_154, %ge3A_192 : i32
      %convert_element_type3A_194 = arith.extui %ge3A_193 : i1 to i32
      %cond3A_195 = arith.constant 0 : i32
      %cond3A_196 = arith.cmpi ne, %convert_element_type3A_194, %cond3A_195 : i32
      scf.if %cond3A_196 {
        %dma_wait3A_310 = arith.constant 0 : i32
        %dma_wait3A_311 = arith.constant 0 : i32
        %dma_wait3A_312 = arith.constant 0 : i32
        %dma_wait3A_313 = tpu.memref_slice %arg12[%dma_wait3A_311, %dma_wait3A_312] : memref<160x64xf32, #tpu.memory_space<vmem>> -> memref<40x64xf32, #tpu.memory_space<vmem>>
        %dma_wait3A_314 = arith.constant 0 : i32
        %dma_wait3A_315 = tpu.memref_slice %arg11[%dma_wait3A_310, %dma_wait3A_314] : memref<4x40xi32, #tpu.memory_space<vmem>> -> memref<1x40xi32, #tpu.memory_space<vmem>>
        %dma_wait3A_316 = tpu.memref_squeeze %dma_wait3A_315 : memref<1x40xi32, #tpu.memory_space<vmem>> -> memref<40xi32, #tpu.memory_space<vmem>>
        %dma_wait3A_317 = arith.constant 0 : i32
        %dma_wait3A_318 = arith.constant 0 : i32
        %dma_wait3A_319 = tpu.memref_slice %arg14[%dma_wait3A_317, %dma_wait3A_318] : memref<10000x64xf32, #tpu.memory_space<vmem_shared>> -> memref<10000x64xf32, #tpu.memory_space<vmem_shared>>
        tpu.wait_indirect_dma semaphore(%arg19 : memref<!tpu.dma_semaphore, #tpu.memory_space<semaphore_mem>>) src(%dma_wait3A_313 : memref<40x64xf32, #tpu.memory_space<vmem>>) dst(%dma_wait3A_319 : memref<10000x64xf32, #tpu.memory_space<vmem_shared>>)
        %dma_wait3A_320 = arith.constant 0 : i32
        %dma_wait3A_321 = arith.constant 0 : i32
        %dma_wait3A_322 = tpu.memref_slice %arg11[%dma_wait3A_320, %dma_wait3A_321] : memref<4x40xi32, #tpu.memory_space<vmem>> -> memref<1x40xi32, #tpu.memory_space<vmem>>
        %dma_wait3A_323 = tpu.memref_squeeze %dma_wait3A_322 : memref<1x40xi32, #tpu.memory_space<vmem>> -> memref<40xi32, #tpu.memory_space<vmem>>
        %dma_wait3A_324 = arith.constant 0 : i32
        %dma_wait3A_325 = arith.constant 0 : i32
        %dma_wait3A_326 = tpu.memref_slice %arg30[%dma_wait3A_324, %dma_wait3A_325] : memref<10000x16xf32, #tpu.memory_space<vmem_shared>> -> memref<10000x16xf32, #tpu.memory_space<vmem_shared>>
        tpu.wait_indirect_dma semaphore(%arg31 : memref<!tpu.dma_semaphore, #tpu.memory_space<semaphore_mem>>) src(%arg28 : memref<40x16xf32, #tpu.memory_space<vmem>>) dst(%dma_wait3A_326 : memref<10000x16xf32, #tpu.memory_space<vmem_shared>>)
      } else {
      }
      %add3A_197 = arith.constant 3 : i32
      %add3A_198 = arith.addi %add3A_154, %add3A_197 : i32
      %lt3A_199 = arith.constant 500 : i32
      %lt3A_200 = arith.cmpi slt, %add3A_198, %lt3A_199 : i32
      %convert_element_type3A_201 = arith.extui %lt3A_200 : i1 to i32
      %cond3A_202 = arith.constant 0 : i32
      %cond3A_203 = arith.cmpi ne, %convert_element_type3A_201, %cond3A_202 : i32
      scf.if %cond3A_203 {
        %add3A_310 = arith.constant 3 : i32
        %add3A_311 = arith.addi %add3A_154, %add3A_310 : i32
        %add3A_312 = arith.addi %mul3A_2, %add3A_311 : i32
        %dma_start3A_313 = arith.constant 0 : i32
        %dma_start3A_314 = arith.constant 0 : i32
        %dma_start3A_315 = tpu.memref_slice %arg11[%dma_start3A_313, %dma_start3A_314] : memref<4x40xi32, #tpu.memory_space<vmem>> -> memref<1x40xi32, #tpu.memory_space<vmem>>
        %dma_start3A_316 = arith.constant 0 : i32
        %dma_start3A_317 = tpu.memref_slice %arg4[%add3A_312, %dma_start3A_316] : memref<8000x40xi32, #tpu.memory_space<hbm>> -> memref<1x40xi32, #tpu.memory_space<hbm>>
        %dma_start3A_318 = arith.constant 0 : i32
        %dma_start3A_319 = arith.constant 0 : i32
        %dma_start3A_320 = tpu.memref_slice %arg11[%dma_start3A_318, %dma_start3A_319] : memref<4x40xi32, #tpu.memory_space<vmem>> -> memref<1x40xi32, #tpu.memory_space<vmem>>
        %dma_start3A_321 = arith.constant 0 : i32
        %dma_start3A_322 = tpu.memref_slice %arg4[%add3A_312, %dma_start3A_321] : memref<8000x40xi32, #tpu.memory_space<hbm>> -> memref<1x40xi32, #tpu.memory_space<hbm>>
        tpu.enqueue_dma source(%dma_start3A_322 : memref<1x40xi32, #tpu.memory_space<hbm>>) target(%dma_start3A_320 : memref<1x40xi32, #tpu.memory_space<vmem>>) target_semaphore(%arg23 : memref<!tpu.dma_semaphore, #tpu.memory_space<semaphore_mem>>)
        %add3A_323 = arith.constant 3 : i32
        %add3A_324 = arith.addi %add3A_154, %add3A_323 : i32
        %dma_start3A_325 = arith.constant 0 : i32
        %dma_start3A_326 = arith.constant 0 : i32
        %dma_start3A_327 = tpu.memref_slice %arg12[%dma_start3A_325, %dma_start3A_326] : memref<160x64xf32, #tpu.memory_space<vmem>> -> memref<40x64xf32, #tpu.memory_space<vmem>>
        %dma_start3A_328 = arith.constant 0 : i32
        %dma_start3A_329 = tpu.memref_slice %arg10[%add3A_324, %dma_start3A_328] : memref<500x40xi32, #tpu.memory_space<vmem>> -> memref<1x40xi32, #tpu.memory_space<vmem>>
        %dma_start3A_330 = tpu.memref_squeeze %dma_start3A_329 : memref<1x40xi32, #tpu.memory_space<vmem>> -> memref<40xi32, #tpu.memory_space<vmem>>
        %dma_start3A_331 = arith.constant 0 : i32
        %dma_start3A_332 = arith.constant 0 : i32
        %dma_start3A_333 = tpu.memref_slice %arg2[%dma_start3A_331, %dma_start3A_332] : memref<20000x64xf32, #tpu.memory_space<hbm>> -> memref<20000x64xf32, #tpu.memory_space<hbm>>
        tpu.enqueue_indirect_dma source(%dma_start3A_333 : memref<20000x64xf32, #tpu.memory_space<hbm>>) target(%dma_start3A_327 : memref<40x64xf32, #tpu.memory_space<vmem>>) offsets(%dma_start3A_330 : memref<40xi32, #tpu.memory_space<vmem>>) semaphore(%arg15 : memref<!tpu.dma_semaphore, #tpu.memory_space<semaphore_mem>>)
      } else {
      }
      %mul3A_204 = arith.constant 4 : i32
      %mul3A_205 = arith.muli %scan3A_101, %mul3A_204 : i32
      %add3A_206 = arith.constant 2 : i32
      %add3A_207 = arith.addi %mul3A_205, %add3A_206 : i32
      %dma_wait3A_208 = arith.constant 0 : i32
      %dma_wait3A_209 = arith.constant 80 : i32
      %dma_wait3A_210 = arith.constant 0 : i32
      %dma_wait3A_211 = tpu.memref_slice %arg12[%dma_wait3A_209, %dma_wait3A_210] : memref<160x64xf32, #tpu.memory_space<vmem>> -> memref<40x64xf32, #tpu.memory_space<vmem>>
      %dma_wait3A_212 = arith.constant 0 : i32
      %dma_wait3A_213 = tpu.memref_slice %arg10[%dma_wait3A_208, %dma_wait3A_212] : memref<500x40xi32, #tpu.memory_space<vmem>> -> memref<1x40xi32, #tpu.memory_space<vmem>>
      %dma_wait3A_214 = tpu.memref_squeeze %dma_wait3A_213 : memref<1x40xi32, #tpu.memory_space<vmem>> -> memref<40xi32, #tpu.memory_space<vmem>>
      %dma_wait3A_215 = arith.constant 0 : i32
      %dma_wait3A_216 = arith.constant 0 : i32
      %dma_wait3A_217 = tpu.memref_slice %arg2[%dma_wait3A_215, %dma_wait3A_216] : memref<20000x64xf32, #tpu.memory_space<hbm>> -> memref<20000x64xf32, #tpu.memory_space<hbm>>
      tpu.wait_indirect_dma semaphore(%arg17 : memref<!tpu.dma_semaphore, #tpu.memory_space<semaphore_mem>>) src(%dma_wait3A_217 : memref<20000x64xf32, #tpu.memory_space<hbm>>) dst(%dma_wait3A_211 : memref<40x64xf32, #tpu.memory_space<vmem>>)
      %dma_wait3A_218 = arith.constant 2 : i32
      %dma_wait3A_219 = arith.constant 0 : i32
      %dma_wait3A_220 = tpu.memref_slice %arg11[%dma_wait3A_218, %dma_wait3A_219] : memref<4x40xi32, #tpu.memory_space<vmem>> -> memref<1x40xi32, #tpu.memory_space<vmem>>
      %dma_wait3A_221 = arith.constant 0 : i32
      %dma_wait3A_222 = tpu.memref_slice %arg4[%mul3A_2, %dma_wait3A_221] : memref<8000x40xi32, #tpu.memory_space<hbm>> -> memref<1x40xi32, #tpu.memory_space<hbm>>
      %dma_wait3A_223 = arith.constant 2 : i32
      %dma_wait3A_224 = arith.constant 0 : i32
      %dma_wait3A_225 = tpu.memref_slice %arg11[%dma_wait3A_223, %dma_wait3A_224] : memref<4x40xi32, #tpu.memory_space<vmem>> -> memref<1x40xi32, #tpu.memory_space<vmem>>
      %dma_wait3A_226 = arith.constant 0 : i32
      %dma_wait3A_227 = tpu.memref_slice %arg4[%mul3A_2, %dma_wait3A_226] : memref<8000x40xi32, #tpu.memory_space<hbm>> -> memref<1x40xi32, #tpu.memory_space<hbm>>
      tpu.wait_dma2 semaphore(%arg25 : memref<!tpu.dma_semaphore, #tpu.memory_space<semaphore_mem>>) src(%dma_wait3A_227 : memref<1x40xi32, #tpu.memory_space<hbm>>) dst(%dma_wait3A_225 : memref<1x40xi32, #tpu.memory_space<vmem>>)
      %dma_start3A_228 = arith.constant 2 : i32
      %dma_start3A_229 = arith.constant 80 : i32
      %dma_start3A_230 = arith.constant 0 : i32
      %dma_start3A_231 = tpu.memref_slice %arg12[%dma_start3A_229, %dma_start3A_230] : memref<160x64xf32, #tpu.memory_space<vmem>> -> memref<40x64xf32, #tpu.memory_space<vmem>>
      %dma_start3A_232 = arith.constant 0 : i32
      %dma_start3A_233 = tpu.memref_slice %arg11[%dma_start3A_228, %dma_start3A_232] : memref<4x40xi32, #tpu.memory_space<vmem>> -> memref<1x40xi32, #tpu.memory_space<vmem>>
      %dma_start3A_234 = tpu.memref_squeeze %dma_start3A_233 : memref<1x40xi32, #tpu.memory_space<vmem>> -> memref<40xi32, #tpu.memory_space<vmem>>
      %dma_start3A_235 = arith.constant 0 : i32
      %dma_start3A_236 = arith.constant 0 : i32
      %dma_start3A_237 = tpu.memref_slice %arg14[%dma_start3A_235, %dma_start3A_236] : memref<10000x64xf32, #tpu.memory_space<vmem_shared>> -> memref<10000x64xf32, #tpu.memory_space<vmem_shared>>
      tpu.enqueue_indirect_dma source(%dma_start3A_231 : memref<40x64xf32, #tpu.memory_space<vmem>>) target(%dma_start3A_237 : memref<10000x64xf32, #tpu.memory_space<vmem_shared>>) offsets(%dma_start3A_234 : memref<40xi32, #tpu.memory_space<vmem>>) semaphore(%arg21 : memref<!tpu.dma_semaphore, #tpu.memory_space<semaphore_mem>>) {add = true}
      %dma_start3A_238 = arith.constant 2 : i32
      %dma_start3A_239 = arith.constant 0 : i32
      %dma_start3A_240 = tpu.memref_slice %arg11[%dma_start3A_238, %dma_start3A_239] : memref<4x40xi32, #tpu.memory_space<vmem>> -> memref<1x40xi32, #tpu.memory_space<vmem>>
      %dma_start3A_241 = tpu.memref_squeeze %dma_start3A_240 : memref<1x40xi32, #tpu.memory_space<vmem>> -> memref<40xi32, #tpu.memory_space<vmem>>
      %dma_start3A_242 = arith.constant 0 : i32
      %dma_start3A_243 = arith.constant 0 : i32
      %dma_start3A_244 = tpu.memref_slice %arg30[%dma_start3A_242, %dma_start3A_243] : memref<10000x16xf32, #tpu.memory_space<vmem_shared>> -> memref<10000x16xf32, #tpu.memory_space<vmem_shared>>
      tpu.enqueue_indirect_dma source(%arg28 : memref<40x16xf32, #tpu.memory_space<vmem>>) target(%dma_start3A_244 : memref<10000x16xf32, #tpu.memory_space<vmem_shared>>) offsets(%dma_start3A_241 : memref<40xi32, #tpu.memory_space<vmem>>) semaphore(%arg33 : memref<!tpu.dma_semaphore, #tpu.memory_space<semaphore_mem>>) {add = true}
      %ge3A_245 = arith.constant 1 : i32
      %ge3A_246 = arith.cmpi sge, %add3A_207, %ge3A_245 : i32
      %convert_element_type3A_247 = arith.extui %ge3A_246 : i1 to i32
      %cond3A_248 = arith.constant 0 : i32
      %cond3A_249 = arith.cmpi ne, %convert_element_type3A_247, %cond3A_248 : i32
      scf.if %cond3A_249 {
        %dma_wait3A_310 = arith.constant 0 : i32
        %dma_wait3A_311 = arith.constant 40 : i32
        %dma_wait3A_312 = arith.constant 0 : i32
        %dma_wait3A_313 = tpu.memref_slice %arg12[%dma_wait3A_311, %dma_wait3A_312] : memref<160x64xf32, #tpu.memory_space<vmem>> -> memref<40x64xf32, #tpu.memory_space<vmem>>
        %dma_wait3A_314 = arith.constant 0 : i32
        %dma_wait3A_315 = tpu.memref_slice %arg11[%dma_wait3A_310, %dma_wait3A_314] : memref<4x40xi32, #tpu.memory_space<vmem>> -> memref<1x40xi32, #tpu.memory_space<vmem>>
        %dma_wait3A_316 = tpu.memref_squeeze %dma_wait3A_315 : memref<1x40xi32, #tpu.memory_space<vmem>> -> memref<40xi32, #tpu.memory_space<vmem>>
        %dma_wait3A_317 = arith.constant 0 : i32
        %dma_wait3A_318 = arith.constant 0 : i32
        %dma_wait3A_319 = tpu.memref_slice %arg14[%dma_wait3A_317, %dma_wait3A_318] : memref<10000x64xf32, #tpu.memory_space<vmem_shared>> -> memref<10000x64xf32, #tpu.memory_space<vmem_shared>>
        tpu.wait_indirect_dma semaphore(%arg20 : memref<!tpu.dma_semaphore, #tpu.memory_space<semaphore_mem>>) src(%dma_wait3A_313 : memref<40x64xf32, #tpu.memory_space<vmem>>) dst(%dma_wait3A_319 : memref<10000x64xf32, #tpu.memory_space<vmem_shared>>)
        %dma_wait3A_320 = arith.constant 0 : i32
        %dma_wait3A_321 = arith.constant 0 : i32
        %dma_wait3A_322 = tpu.memref_slice %arg11[%dma_wait3A_320, %dma_wait3A_321] : memref<4x40xi32, #tpu.memory_space<vmem>> -> memref<1x40xi32, #tpu.memory_space<vmem>>
        %dma_wait3A_323 = tpu.memref_squeeze %dma_wait3A_322 : memref<1x40xi32, #tpu.memory_space<vmem>> -> memref<40xi32, #tpu.memory_space<vmem>>
        %dma_wait3A_324 = arith.constant 0 : i32
        %dma_wait3A_325 = arith.constant 0 : i32
        %dma_wait3A_326 = tpu.memref_slice %arg30[%dma_wait3A_324, %dma_wait3A_325] : memref<10000x16xf32, #tpu.memory_space<vmem_shared>> -> memref<10000x16xf32, #tpu.memory_space<vmem_shared>>
        tpu.wait_indirect_dma semaphore(%arg32 : memref<!tpu.dma_semaphore, #tpu.memory_space<semaphore_mem>>) src(%arg28 : memref<40x16xf32, #tpu.memory_space<vmem>>) dst(%dma_wait3A_326 : memref<10000x16xf32, #tpu.memory_space<vmem_shared>>)
      } else {
      }
      %add3A_250 = arith.constant 3 : i32
      %add3A_251 = arith.addi %add3A_207, %add3A_250 : i32
      %lt3A_252 = arith.constant 500 : i32
      %lt3A_253 = arith.cmpi slt, %add3A_251, %lt3A_252 : i32
      %convert_element_type3A_254 = arith.extui %lt3A_253 : i1 to i32
      %cond3A_255 = arith.constant 0 : i32
      %cond3A_256 = arith.cmpi ne, %convert_element_type3A_254, %cond3A_255 : i32
      scf.if %cond3A_256 {
        %add3A_310 = arith.constant 3 : i32
        %add3A_311 = arith.addi %add3A_207, %add3A_310 : i32
        %add3A_312 = arith.addi %mul3A_2, %add3A_311 : i32
        %dma_start3A_313 = arith.constant 1 : i32
        %dma_start3A_314 = arith.constant 0 : i32
        %dma_start3A_315 = tpu.memref_slice %arg11[%dma_start3A_313, %dma_start3A_314] : memref<4x40xi32, #tpu.memory_space<vmem>> -> memref<1x40xi32, #tpu.memory_space<vmem>>
        %dma_start3A_316 = arith.constant 0 : i32
        %dma_start3A_317 = tpu.memref_slice %arg4[%add3A_312, %dma_start3A_316] : memref<8000x40xi32, #tpu.memory_space<hbm>> -> memref<1x40xi32, #tpu.memory_space<hbm>>
        %dma_start3A_318 = arith.constant 1 : i32
        %dma_start3A_319 = arith.constant 0 : i32
        %dma_start3A_320 = tpu.memref_slice %arg11[%dma_start3A_318, %dma_start3A_319] : memref<4x40xi32, #tpu.memory_space<vmem>> -> memref<1x40xi32, #tpu.memory_space<vmem>>
        %dma_start3A_321 = arith.constant 0 : i32
        %dma_start3A_322 = tpu.memref_slice %arg4[%add3A_312, %dma_start3A_321] : memref<8000x40xi32, #tpu.memory_space<hbm>> -> memref<1x40xi32, #tpu.memory_space<hbm>>
        tpu.enqueue_dma source(%dma_start3A_322 : memref<1x40xi32, #tpu.memory_space<hbm>>) target(%dma_start3A_320 : memref<1x40xi32, #tpu.memory_space<vmem>>) target_semaphore(%arg24 : memref<!tpu.dma_semaphore, #tpu.memory_space<semaphore_mem>>)
        %add3A_323 = arith.constant 3 : i32
        %add3A_324 = arith.addi %add3A_207, %add3A_323 : i32
        %dma_start3A_325 = arith.constant 40 : i32
        %dma_start3A_326 = arith.constant 0 : i32
        %dma_start3A_327 = tpu.memref_slice %arg12[%dma_start3A_325, %dma_start3A_326] : memref<160x64xf32, #tpu.memory_space<vmem>> -> memref<40x64xf32, #tpu.memory_space<vmem>>
        %dma_start3A_328 = arith.constant 0 : i32
        %dma_start3A_329 = tpu.memref_slice %arg10[%add3A_324, %dma_start3A_328] : memref<500x40xi32, #tpu.memory_space<vmem>> -> memref<1x40xi32, #tpu.memory_space<vmem>>
        %dma_start3A_330 = tpu.memref_squeeze %dma_start3A_329 : memref<1x40xi32, #tpu.memory_space<vmem>> -> memref<40xi32, #tpu.memory_space<vmem>>
        %dma_start3A_331 = arith.constant 0 : i32
        %dma_start3A_332 = arith.constant 0 : i32
        %dma_start3A_333 = tpu.memref_slice %arg2[%dma_start3A_331, %dma_start3A_332] : memref<20000x64xf32, #tpu.memory_space<hbm>> -> memref<20000x64xf32, #tpu.memory_space<hbm>>
        tpu.enqueue_indirect_dma source(%dma_start3A_333 : memref<20000x64xf32, #tpu.memory_space<hbm>>) target(%dma_start3A_327 : memref<40x64xf32, #tpu.memory_space<vmem>>) offsets(%dma_start3A_330 : memref<40xi32, #tpu.memory_space<vmem>>) semaphore(%arg16 : memref<!tpu.dma_semaphore, #tpu.memory_space<semaphore_mem>>)
      } else {
      }
      %mul3A_257 = arith.constant 4 : i32
      %mul3A_258 = arith.muli %scan3A_101, %mul3A_257 : i32
      %add3A_259 = arith.constant 3 : i32
      %add3A_260 = arith.addi %mul3A_258, %add3A_259 : i32
      %dma_wait3A_261 = arith.constant 0 : i32
      %dma_wait3A_262 = arith.constant 120 : i32
      %dma_wait3A_263 = arith.constant 0 : i32
      %dma_wait3A_264 = tpu.memref_slice %arg12[%dma_wait3A_262, %dma_wait3A_263] : memref<160x64xf32, #tpu.memory_space<vmem>> -> memref<40x64xf32, #tpu.memory_space<vmem>>
      %dma_wait3A_265 = arith.constant 0 : i32
      %dma_wait3A_266 = tpu.memref_slice %arg10[%dma_wait3A_261, %dma_wait3A_265] : memref<500x40xi32, #tpu.memory_space<vmem>> -> memref<1x40xi32, #tpu.memory_space<vmem>>
      %dma_wait3A_267 = tpu.memref_squeeze %dma_wait3A_266 : memref<1x40xi32, #tpu.memory_space<vmem>> -> memref<40xi32, #tpu.memory_space<vmem>>
      %dma_wait3A_268 = arith.constant 0 : i32
      %dma_wait3A_269 = arith.constant 0 : i32
      %dma_wait3A_270 = tpu.memref_slice %arg2[%dma_wait3A_268, %dma_wait3A_269] : memref<20000x64xf32, #tpu.memory_space<hbm>> -> memref<20000x64xf32, #tpu.memory_space<hbm>>
      tpu.wait_indirect_dma semaphore(%arg18 : memref<!tpu.dma_semaphore, #tpu.memory_space<semaphore_mem>>) src(%dma_wait3A_270 : memref<20000x64xf32, #tpu.memory_space<hbm>>) dst(%dma_wait3A_264 : memref<40x64xf32, #tpu.memory_space<vmem>>)
      %dma_wait3A_271 = arith.constant 3 : i32
      %dma_wait3A_272 = arith.constant 0 : i32
      %dma_wait3A_273 = tpu.memref_slice %arg11[%dma_wait3A_271, %dma_wait3A_272] : memref<4x40xi32, #tpu.memory_space<vmem>> -> memref<1x40xi32, #tpu.memory_space<vmem>>
      %dma_wait3A_274 = arith.constant 0 : i32
      %dma_wait3A_275 = tpu.memref_slice %arg4[%mul3A_2, %dma_wait3A_274] : memref<8000x40xi32, #tpu.memory_space<hbm>> -> memref<1x40xi32, #tpu.memory_space<hbm>>
      %dma_wait3A_276 = arith.constant 3 : i32
      %dma_wait3A_277 = arith.constant 0 : i32
      %dma_wait3A_278 = tpu.memref_slice %arg11[%dma_wait3A_276, %dma_wait3A_277] : memref<4x40xi32, #tpu.memory_space<vmem>> -> memref<1x40xi32, #tpu.memory_space<vmem>>
      %dma_wait3A_279 = arith.constant 0 : i32
      %dma_wait3A_280 = tpu.memref_slice %arg4[%mul3A_2, %dma_wait3A_279] : memref<8000x40xi32, #tpu.memory_space<hbm>> -> memref<1x40xi32, #tpu.memory_space<hbm>>
      tpu.wait_dma2 semaphore(%arg26 : memref<!tpu.dma_semaphore, #tpu.memory_space<semaphore_mem>>) src(%dma_wait3A_280 : memref<1x40xi32, #tpu.memory_space<hbm>>) dst(%dma_wait3A_278 : memref<1x40xi32, #tpu.memory_space<vmem>>)
      %dma_start3A_281 = arith.constant 3 : i32
      %dma_start3A_282 = arith.constant 120 : i32
      %dma_start3A_283 = arith.constant 0 : i32
      %dma_start3A_284 = tpu.memref_slice %arg12[%dma_start3A_282, %dma_start3A_283] : memref<160x64xf32, #tpu.memory_space<vmem>> -> memref<40x64xf32, #tpu.memory_space<vmem>>
      %dma_start3A_285 = arith.constant 0 : i32
      %dma_start3A_286 = tpu.memref_slice %arg11[%dma_start3A_281, %dma_start3A_285] : memref<4x40xi32, #tpu.memory_space<vmem>> -> memref<1x40xi32, #tpu.memory_space<vmem>>
      %dma_start3A_287 = tpu.memref_squeeze %dma_start3A_286 : memref<1x40xi32, #tpu.memory_space<vmem>> -> memref<40xi32, #tpu.memory_space<vmem>>
      %dma_start3A_288 = arith.constant 0 : i32
      %dma_start3A_289 = arith.constant 0 : i32
      %dma_start3A_290 = tpu.memref_slice %arg14[%dma_start3A_288, %dma_start3A_289] : memref<10000x64xf32, #tpu.memory_space<vmem_shared>> -> memref<10000x64xf32, #tpu.memory_space<vmem_shared>>
      tpu.enqueue_indirect_dma source(%dma_start3A_284 : memref<40x64xf32, #tpu.memory_space<vmem>>) target(%dma_start3A_290 : memref<10000x64xf32, #tpu.memory_space<vmem_shared>>) offsets(%dma_start3A_287 : memref<40xi32, #tpu.memory_space<vmem>>) semaphore(%arg22 : memref<!tpu.dma_semaphore, #tpu.memory_space<semaphore_mem>>) {add = true}
      %dma_start3A_291 = arith.constant 3 : i32
      %dma_start3A_292 = arith.constant 0 : i32
      %dma_start3A_293 = tpu.memref_slice %arg11[%dma_start3A_291, %dma_start3A_292] : memref<4x40xi32, #tpu.memory_space<vmem>> -> memref<1x40xi32, #tpu.memory_space<vmem>>
      %dma_start3A_294 = tpu.memref_squeeze %dma_start3A_293 : memref<1x40xi32, #tpu.memory_space<vmem>> -> memref<40xi32, #tpu.memory_space<vmem>>
      %dma_start3A_295 = arith.constant 0 : i32
      %dma_start3A_296 = arith.constant 0 : i32
      %dma_start3A_297 = tpu.memref_slice %arg30[%dma_start3A_295, %dma_start3A_296] : memref<10000x16xf32, #tpu.memory_space<vmem_shared>> -> memref<10000x16xf32, #tpu.memory_space<vmem_shared>>
      tpu.enqueue_indirect_dma source(%arg28 : memref<40x16xf32, #tpu.memory_space<vmem>>) target(%dma_start3A_297 : memref<10000x16xf32, #tpu.memory_space<vmem_shared>>) offsets(%dma_start3A_294 : memref<40xi32, #tpu.memory_space<vmem>>) semaphore(%arg34 : memref<!tpu.dma_semaphore, #tpu.memory_space<semaphore_mem>>) {add = true}
      %ge3A_298 = arith.constant 1 : i32
      %ge3A_299 = arith.cmpi sge, %add3A_260, %ge3A_298 : i32
      %convert_element_type3A_300 = arith.extui %ge3A_299 : i1 to i32
      %cond3A_301 = arith.constant 0 : i32
      %cond3A_302 = arith.cmpi ne, %convert_element_type3A_300, %cond3A_301 : i32
      scf.if %cond3A_302 {
        %dma_wait3A_310 = arith.constant 0 : i32
        %dma_wait3A_311 = arith.constant 80 : i32
        %dma_wait3A_312 = arith.constant 0 : i32
        %dma_wait3A_313 = tpu.memref_slice %arg12[%dma_wait3A_311, %dma_wait3A_312] : memref<160x64xf32, #tpu.memory_space<vmem>> -> memref<40x64xf32, #tpu.memory_space<vmem>>
        %dma_wait3A_314 = arith.constant 0 : i32
        %dma_wait3A_315 = tpu.memref_slice %arg11[%dma_wait3A_310, %dma_wait3A_314] : memref<4x40xi32, #tpu.memory_space<vmem>> -> memref<1x40xi32, #tpu.memory_space<vmem>>
        %dma_wait3A_316 = tpu.memref_squeeze %dma_wait3A_315 : memref<1x40xi32, #tpu.memory_space<vmem>> -> memref<40xi32, #tpu.memory_space<vmem>>
        %dma_wait3A_317 = arith.constant 0 : i32
        %dma_wait3A_318 = arith.constant 0 : i32
        %dma_wait3A_319 = tpu.memref_slice %arg14[%dma_wait3A_317, %dma_wait3A_318] : memref<10000x64xf32, #tpu.memory_space<vmem_shared>> -> memref<10000x64xf32, #tpu.memory_space<vmem_shared>>
        tpu.wait_indirect_dma semaphore(%arg21 : memref<!tpu.dma_semaphore, #tpu.memory_space<semaphore_mem>>) src(%dma_wait3A_313 : memref<40x64xf32, #tpu.memory_space<vmem>>) dst(%dma_wait3A_319 : memref<10000x64xf32, #tpu.memory_space<vmem_shared>>)
        %dma_wait3A_320 = arith.constant 0 : i32
        %dma_wait3A_321 = arith.constant 0 : i32
        %dma_wait3A_322 = tpu.memref_slice %arg11[%dma_wait3A_320, %dma_wait3A_321] : memref<4x40xi32, #tpu.memory_space<vmem>> -> memref<1x40xi32, #tpu.memory_space<vmem>>
        %dma_wait3A_323 = tpu.memref_squeeze %dma_wait3A_322 : memref<1x40xi32, #tpu.memory_space<vmem>> -> memref<40xi32, #tpu.memory_space<vmem>>
        %dma_wait3A_324 = arith.constant 0 : i32
        %dma_wait3A_325 = arith.constant 0 : i32
        %dma_wait3A_326 = tpu.memref_slice %arg30[%dma_wait3A_324, %dma_wait3A_325] : memref<10000x16xf32, #tpu.memory_space<vmem_shared>> -> memref<10000x16xf32, #tpu.memory_space<vmem_shared>>
        tpu.wait_indirect_dma semaphore(%arg33 : memref<!tpu.dma_semaphore, #tpu.memory_space<semaphore_mem>>) src(%arg28 : memref<40x16xf32, #tpu.memory_space<vmem>>) dst(%dma_wait3A_326 : memref<10000x16xf32, #tpu.memory_space<vmem_shared>>)
      } else {
      }
      %add3A_303 = arith.constant 3 : i32
      %add3A_304 = arith.addi %add3A_260, %add3A_303 : i32
      %lt3A_305 = arith.constant 500 : i32
      %lt3A_306 = arith.cmpi slt, %add3A_304, %lt3A_305 : i32
      %convert_element_type3A_307 = arith.extui %lt3A_306 : i1 to i32
      %cond3A_308 = arith.constant 0 : i32
      %cond3A_309 = arith.cmpi ne, %convert_element_type3A_307, %cond3A_308 : i32
      scf.if %cond3A_309 {
        %add3A_310 = arith.constant 3 : i32
        %add3A_311 = arith.addi %add3A_260, %add3A_310 : i32
        %add3A_312 = arith.addi %mul3A_2, %add3A_311 : i32
        %dma_start3A_313 = arith.constant 2 : i32
        %dma_start3A_314 = arith.constant 0 : i32
        %dma_start3A_315 = tpu.memref_slice %arg11[%dma_start3A_313, %dma_start3A_314] : memref<4x40xi32, #tpu.memory_space<vmem>> -> memref<1x40xi32, #tpu.memory_space<vmem>>
        %dma_start3A_316 = arith.constant 0 : i32
        %dma_start3A_317 = tpu.memref_slice %arg4[%add3A_312, %dma_start3A_316] : memref<8000x40xi32, #tpu.memory_space<hbm>> -> memref<1x40xi32, #tpu.memory_space<hbm>>
        %dma_start3A_318 = arith.constant 2 : i32
        %dma_start3A_319 = arith.constant 0 : i32
        %dma_start3A_320 = tpu.memref_slice %arg11[%dma_start3A_318, %dma_start3A_319] : memref<4x40xi32, #tpu.memory_space<vmem>> -> memref<1x40xi32, #tpu.memory_space<vmem>>
        %dma_start3A_321 = arith.constant 0 : i32
        %dma_start3A_322 = tpu.memref_slice %arg4[%add3A_312, %dma_start3A_321] : memref<8000x40xi32, #tpu.memory_space<hbm>> -> memref<1x40xi32, #tpu.memory_space<hbm>>
        tpu.enqueue_dma source(%dma_start3A_322 : memref<1x40xi32, #tpu.memory_space<hbm>>) target(%dma_start3A_320 : memref<1x40xi32, #tpu.memory_space<vmem>>) target_semaphore(%arg25 : memref<!tpu.dma_semaphore, #tpu.memory_space<semaphore_mem>>)
        %add3A_323 = arith.constant 3 : i32
        %add3A_324 = arith.addi %add3A_260, %add3A_323 : i32
        %dma_start3A_325 = arith.constant 80 : i32
        %dma_start3A_326 = arith.constant 0 : i32
        %dma_start3A_327 = tpu.memref_slice %arg12[%dma_start3A_325, %dma_start3A_326] : memref<160x64xf32, #tpu.memory_space<vmem>> -> memref<40x64xf32, #tpu.memory_space<vmem>>
        %dma_start3A_328 = arith.constant 0 : i32
        %dma_start3A_329 = tpu.memref_slice %arg10[%add3A_324, %dma_start3A_328] : memref<500x40xi32, #tpu.memory_space<vmem>> -> memref<1x40xi32, #tpu.memory_space<vmem>>
        %dma_start3A_330 = tpu.memref_squeeze %dma_start3A_329 : memref<1x40xi32, #tpu.memory_space<vmem>> -> memref<40xi32, #tpu.memory_space<vmem>>
        %dma_start3A_331 = arith.constant 0 : i32
        %dma_start3A_332 = arith.constant 0 : i32
        %dma_start3A_333 = tpu.memref_slice %arg2[%dma_start3A_331, %dma_start3A_332] : memref<20000x64xf32, #tpu.memory_space<hbm>> -> memref<20000x64xf32, #tpu.memory_space<hbm>>
        tpu.enqueue_indirect_dma source(%dma_start3A_333 : memref<20000x64xf32, #tpu.memory_space<hbm>>) target(%dma_start3A_327 : memref<40x64xf32, #tpu.memory_space<vmem>>) offsets(%dma_start3A_330 : memref<40xi32, #tpu.memory_space<vmem>>) semaphore(%arg17 : memref<!tpu.dma_semaphore, #tpu.memory_space<semaphore_mem>>)
      } else {
      }
    }
    %scan3A_82 = arith.constant 125 : i32
    %dma_wait3A_83 = arith.constant 0 : i32
    %dma_wait3A_84 = arith.constant 120 : i32
    %dma_wait3A_85 = arith.constant 0 : i32
    %dma_wait3A_86 = tpu.memref_slice %arg12[%dma_wait3A_84, %dma_wait3A_85] : memref<160x64xf32, #tpu.memory_space<vmem>> -> memref<40x64xf32, #tpu.memory_space<vmem>>
    %dma_wait3A_87 = arith.constant 0 : i32
    %dma_wait3A_88 = tpu.memref_slice %arg11[%dma_wait3A_83, %dma_wait3A_87] : memref<4x40xi32, #tpu.memory_space<vmem>> -> memref<1x40xi32, #tpu.memory_space<vmem>>
    %dma_wait3A_89 = tpu.memref_squeeze %dma_wait3A_88 : memref<1x40xi32, #tpu.memory_space<vmem>> -> memref<40xi32, #tpu.memory_space<vmem>>
    %dma_wait3A_90 = arith.constant 0 : i32
    %dma_wait3A_91 = arith.constant 0 : i32
    %dma_wait3A_92 = tpu.memref_slice %arg14[%dma_wait3A_90, %dma_wait3A_91] : memref<10000x64xf32, #tpu.memory_space<vmem_shared>> -> memref<10000x64xf32, #tpu.memory_space<vmem_shared>>
    tpu.wait_indirect_dma semaphore(%arg22 : memref<!tpu.dma_semaphore, #tpu.memory_space<semaphore_mem>>) src(%dma_wait3A_86 : memref<40x64xf32, #tpu.memory_space<vmem>>) dst(%dma_wait3A_92 : memref<10000x64xf32, #tpu.memory_space<vmem_shared>>)
    %dma_wait3A_93 = arith.constant 0 : i32
    %dma_wait3A_94 = arith.constant 0 : i32
    %dma_wait3A_95 = tpu.memref_slice %arg11[%dma_wait3A_93, %dma_wait3A_94] : memref<4x40xi32, #tpu.memory_space<vmem>> -> memref<1x40xi32, #tpu.memory_space<vmem>>
    %dma_wait3A_96 = tpu.memref_squeeze %dma_wait3A_95 : memref<1x40xi32, #tpu.memory_space<vmem>> -> memref<40xi32, #tpu.memory_space<vmem>>
    %dma_wait3A_97 = arith.constant 0 : i32
    %dma_wait3A_98 = arith.constant 0 : i32
    %dma_wait3A_99 = tpu.memref_slice %arg30[%dma_wait3A_97, %dma_wait3A_98] : memref<10000x16xf32, #tpu.memory_space<vmem_shared>> -> memref<10000x16xf32, #tpu.memory_space<vmem_shared>>
    tpu.wait_indirect_dma semaphore(%arg34 : memref<!tpu.dma_semaphore, #tpu.memory_space<semaphore_mem>>) src(%arg28 : memref<40x16xf32, #tpu.memory_space<vmem>>) dst(%dma_wait3A_99 : memref<10000x16xf32, #tpu.memory_space<vmem_shared>>)
    %barrier3A_100 = arith.constant 0 : index
    tpu.barrier barrier_id(%barrier3A_100)
    "tpu.region"() ({
      %run_scoped3A = tpu.sem_alloc : memref<!tpu.dma_semaphore, #tpu.memory_space<semaphore_mem>>
      %dma_start3A_101 = arith.constant 0 : i32
      %dma_start3A_102 = tpu.memref_slice %arg14[%mul3A_0, %dma_start3A_101] : memref<10000x64xf32, #tpu.memory_space<vmem_shared>> -> memref<625x64xf32, #tpu.memory_space<vmem_shared>>
      %dma_start3A_103 = arith.constant 0 : i32
      %dma_start3A_104 = tpu.memref_slice %arg14[%mul3A_0, %dma_start3A_103] : memref<10000x64xf32, #tpu.memory_space<vmem_shared>> -> memref<625x64xf32, #tpu.memory_space<vmem_shared>>
      tpu.enqueue_dma source(%dma_start3A_104 : memref<625x64xf32, #tpu.memory_space<vmem_shared>>) target(%arg13 : memref<625x64xf32, #tpu.memory_space<vmem>>) target_semaphore(%run_scoped3A : memref<!tpu.dma_semaphore, #tpu.memory_space<semaphore_mem>>)
      %dma_wait3A_105 = arith.constant 0 : i32
      %dma_wait3A_106 = tpu.memref_slice %arg14[%mul3A_0, %dma_wait3A_105] : memref<10000x64xf32, #tpu.memory_space<vmem_shared>> -> memref<625x64xf32, #tpu.memory_space<vmem_shared>>
      %dma_wait3A_107 = arith.constant 0 : i32
      %dma_wait3A_108 = tpu.memref_slice %arg14[%mul3A_0, %dma_wait3A_107] : memref<10000x64xf32, #tpu.memory_space<vmem_shared>> -> memref<625x64xf32, #tpu.memory_space<vmem_shared>>
      tpu.wait_dma2 semaphore(%run_scoped3A : memref<!tpu.dma_semaphore, #tpu.memory_space<semaphore_mem>>) src(%dma_wait3A_108 : memref<625x64xf32, #tpu.memory_space<vmem_shared>>) dst(%arg13 : memref<625x64xf32, #tpu.memory_space<vmem>>)
      tpu.yield
    }) : () -> ()
    "tpu.region"() ({
      %run_scoped3A = tpu.sem_alloc : memref<!tpu.dma_semaphore, #tpu.memory_space<semaphore_mem>>
      %dma_start3A_101 = arith.constant 0 : i32
      %dma_start3A_102 = tpu.memref_slice %arg8[%arg0, %mul3A_0, %dma_start3A_101] : memref<2x10000x64xf32, #tpu.memory_space<hbm>> -> memref<1x625x64xf32, #tpu.memory_space<hbm>>
      %dma_start3A_103 = tpu.memref_squeeze %dma_start3A_102 : memref<1x625x64xf32, #tpu.memory_space<hbm>> -> memref<625x64xf32, #tpu.memory_space<hbm>>
      %dma_start3A_104 = arith.constant 0 : i32
      %dma_start3A_105 = tpu.memref_slice %arg8[%arg0, %mul3A_0, %dma_start3A_104] : memref<2x10000x64xf32, #tpu.memory_space<hbm>> -> memref<1x625x64xf32, #tpu.memory_space<hbm>>
      %dma_start3A_106 = tpu.memref_squeeze %dma_start3A_105 : memref<1x625x64xf32, #tpu.memory_space<hbm>> -> memref<625x64xf32, #tpu.memory_space<hbm>>
      tpu.enqueue_dma source(%arg13 : memref<625x64xf32, #tpu.memory_space<vmem>>) target(%dma_start3A_106 : memref<625x64xf32, #tpu.memory_space<hbm>>) target_semaphore(%run_scoped3A : memref<!tpu.dma_semaphore, #tpu.memory_space<semaphore_mem>>)
      %dma_wait3A_107 = arith.constant 0 : i32
      %dma_wait3A_108 = tpu.memref_slice %arg8[%arg0, %mul3A_0, %dma_wait3A_107] : memref<2x10000x64xf32, #tpu.memory_space<hbm>> -> memref<1x625x64xf32, #tpu.memory_space<hbm>>
      %dma_wait3A_109 = tpu.memref_squeeze %dma_wait3A_108 : memref<1x625x64xf32, #tpu.memory_space<hbm>> -> memref<625x64xf32, #tpu.memory_space<hbm>>
      %dma_wait3A_110 = arith.constant 0 : i32
      %dma_wait3A_111 = tpu.memref_slice %arg8[%arg0, %mul3A_0, %dma_wait3A_110] : memref<2x10000x64xf32, #tpu.memory_space<hbm>> -> memref<1x625x64xf32, #tpu.memory_space<hbm>>
      %dma_wait3A_112 = tpu.memref_squeeze %dma_wait3A_111 : memref<1x625x64xf32, #tpu.memory_space<hbm>> -> memref<625x64xf32, #tpu.memory_space<hbm>>
      tpu.wait_dma2 semaphore(%run_scoped3A : memref<!tpu.dma_semaphore, #tpu.memory_space<semaphore_mem>>) src(%arg13 : memref<625x64xf32, #tpu.memory_space<vmem>>) dst(%dma_wait3A_112 : memref<625x64xf32, #tpu.memory_space<hbm>>)
      tpu.yield
    }) : () -> ()
    "tpu.region"() ({
      %run_scoped3A = tpu.sem_alloc : memref<!tpu.dma_semaphore, #tpu.memory_space<semaphore_mem>>
      %dma_start3A_101 = arith.constant 0 : i32
      %dma_start3A_102 = tpu.memref_slice %arg30[%mul3A_0, %dma_start3A_101] : memref<10000x16xf32, #tpu.memory_space<vmem_shared>> -> memref<625x16xf32, #tpu.memory_space<vmem_shared>>
      %dma_start3A_103 = arith.constant 0 : i32
      %dma_start3A_104 = tpu.memref_slice %arg30[%mul3A_0, %dma_start3A_103] : memref<10000x16xf32, #tpu.memory_space<vmem_shared>> -> memref<625x16xf32, #tpu.memory_space<vmem_shared>>
      tpu.enqueue_dma source(%dma_start3A_104 : memref<625x16xf32, #tpu.memory_space<vmem_shared>>) target(%arg29 : memref<625x16xf32, #tpu.memory_space<vmem>>) target_semaphore(%run_scoped3A : memref<!tpu.dma_semaphore, #tpu.memory_space<semaphore_mem>>)
      %dma_wait3A_105 = arith.constant 0 : i32
      %dma_wait3A_106 = tpu.memref_slice %arg30[%mul3A_0, %dma_wait3A_105] : memref<10000x16xf32, #tpu.memory_space<vmem_shared>> -> memref<625x16xf32, #tpu.memory_space<vmem_shared>>
      %dma_wait3A_107 = arith.constant 0 : i32
      %dma_wait3A_108 = tpu.memref_slice %arg30[%mul3A_0, %dma_wait3A_107] : memref<10000x16xf32, #tpu.memory_space<vmem_shared>> -> memref<625x16xf32, #tpu.memory_space<vmem_shared>>
      tpu.wait_dma2 semaphore(%run_scoped3A : memref<!tpu.dma_semaphore, #tpu.memory_space<semaphore_mem>>) src(%dma_wait3A_108 : memref<625x16xf32, #tpu.memory_space<vmem_shared>>) dst(%arg29 : memref<625x16xf32, #tpu.memory_space<vmem>>)
      tpu.yield
    }) : () -> ()
    "tpu.region"() ({
      %run_scoped3A = tpu.sem_alloc : memref<!tpu.dma_semaphore, #tpu.memory_space<semaphore_mem>>
      %dma_start3A_101 = arith.constant 0 : i32
      %dma_start3A_102 = tpu.memref_slice %arg9[%arg0, %mul3A_0, %dma_start3A_101] : memref<2x10000x16xf32, #tpu.memory_space<hbm>> -> memref<1x625x16xf32, #tpu.memory_space<hbm>>
      %dma_start3A_103 = tpu.memref_squeeze %dma_start3A_102 : memref<1x625x16xf32, #tpu.memory_space<hbm>> -> memref<625x16xf32, #tpu.memory_space<hbm>>
      %dma_start3A_104 = arith.constant 0 : i32
      %dma_start3A_105 = tpu.memref_slice %arg9[%arg0, %mul3A_0, %dma_start3A_104] : memref<2x10000x16xf32, #tpu.memory_space<hbm>> -> memref<1x625x16xf32, #tpu.memory_space<hbm>>
      %dma_start3A_106 = tpu.memref_squeeze %dma_start3A_105 : memref<1x625x16xf32, #tpu.memory_space<hbm>> -> memref<625x16xf32, #tpu.memory_space<hbm>>
      tpu.enqueue_dma source(%arg29 : memref<625x16xf32, #tpu.memory_space<vmem>>) target(%dma_start3A_106 : memref<625x16xf32, #tpu.memory_space<hbm>>) target_semaphore(%run_scoped3A : memref<!tpu.dma_semaphore, #tpu.memory_space<semaphore_mem>>)
      %dma_wait3A_107 = arith.constant 0 : i32
      %dma_wait3A_108 = tpu.memref_slice %arg9[%arg0, %mul3A_0, %dma_wait3A_107] : memref<2x10000x16xf32, #tpu.memory_space<hbm>> -> memref<1x625x16xf32, #tpu.memory_space<hbm>>
      %dma_wait3A_109 = tpu.memref_squeeze %dma_wait3A_108 : memref<1x625x16xf32, #tpu.memory_space<hbm>> -> memref<625x16xf32, #tpu.memory_space<hbm>>
      %dma_wait3A_110 = arith.constant 0 : i32
      %dma_wait3A_111 = tpu.memref_slice %arg9[%arg0, %mul3A_0, %dma_wait3A_110] : memref<2x10000x16xf32, #tpu.memory_space<hbm>> -> memref<1x625x16xf32, #tpu.memory_space<hbm>>
      %dma_wait3A_112 = tpu.memref_squeeze %dma_wait3A_111 : memref<1x625x16xf32, #tpu.memory_space<hbm>> -> memref<625x16xf32, #tpu.memory_space<hbm>>
      tpu.wait_dma2 semaphore(%run_scoped3A : memref<!tpu.dma_semaphore, #tpu.memory_space<semaphore_mem>>) src(%arg29 : memref<625x16xf32, #tpu.memory_space<vmem>>) dst(%dma_wait3A_112 : memref<625x16xf32, #tpu.memory_space<hbm>>)
      tpu.yield
    }) : () -> ()
    return
  }
}

#map = affine_map<(d0, d1) -> (0, 0)>
#map1 = affine_map<(d0, d1) -> (0, 0, 0)>
module attributes {stable_mosaic.version = 14 : i64} {
  func.func @body(%arg0: i32, %arg1: i32, %arg2: memref<20000x32xf32, #tpu.memory_space<hbm>>, %arg3: memref<2x8000x40xi32, #tpu.memory_space<hbm>>, %arg4: memref<8000x40xi32, #tpu.memory_space<hbm>>, %arg5: memref<625x32xf32, #tpu.memory_space<hbm>>, %arg6: memref<625x16xf32, #tpu.memory_space<hbm>>, %arg7: memref<40x16xf32, #tpu.memory_space<hbm>>, %arg8: memref<2x10000x32xf32, #tpu.memory_space<hbm>>, %arg9: memref<500x40xi32, #tpu.memory_space<vmem>>, %arg10: memref<4x40xi32, #tpu.memory_space<vmem>>, %arg11: memref<160x32xf32, #tpu.memory_space<vmem>>, %arg12: memref<625x32xf32, #tpu.memory_space<vmem>>, %arg13: memref<10000x32xf32, #tpu.memory_space<vmem_shared>>, %arg14: memref<!tpu.dma_semaphore, #tpu.memory_space<semaphore_mem>>, %arg15: memref<!tpu.dma_semaphore, #tpu.memory_space<semaphore_mem>>, %arg16: memref<!tpu.dma_semaphore, #tpu.memory_space<semaphore_mem>>, %arg17: memref<!tpu.dma_semaphore, #tpu.memory_space<semaphore_mem>>, %arg18: memref<!tpu.dma_semaphore, #tpu.memory_space<semaphore_mem>>, %arg19: memref<!tpu.dma_semaphore, #tpu.memory_space<semaphore_mem>>, %arg20: memref<!tpu.dma_semaphore, #tpu.memory_space<semaphore_mem>>, %arg21: memref<!tpu.dma_semaphore, #tpu.memory_space<semaphore_mem>>, %arg22: memref<!tpu.dma_semaphore, #tpu.memory_space<semaphore_mem>>, %arg23: memref<!tpu.dma_semaphore, #tpu.memory_space<semaphore_mem>>, %arg24: memref<!tpu.dma_semaphore, #tpu.memory_space<semaphore_mem>>, %arg25: memref<!tpu.dma_semaphore, #tpu.memory_space<semaphore_mem>>, %arg26: memref<!tpu.dma_semaphore, #tpu.memory_space<semaphore_mem>>) attributes {dimension_semantics = [#tpu.dimension_semantics<core_parallel>, #tpu.dimension_semantics<subcore_parallel>], iteration_bounds = array<i64: 2, 16>, scalar_prefetch = 0 : i64, scratch_operands = 18 : i64, tpu.core_type = #tpu.core_type<sc_vector_subcore>, window_params = [{transform_indices = #map}, {transform_indices = #map1}, {transform_indices = #map}, {transform_indices = #map}, {transform_indices = #map}, {transform_indices = #map}, {transform_indices = #map1}]} {
    %mul3A = arith.constant 625 : i32
    %mul3A_0 = arith.muli %arg1, %mul3A : i32
    %mul3A_1 = arith.constant 500 : i32
    %mul3A_2 = arith.muli %arg1, %mul3A_1 : i32
    %dma_start3A = arith.constant 0 : i32
    %dma_start3A_3 = tpu.memref_slice %arg3[%arg0, %mul3A_2, %dma_start3A] : memref<2x8000x40xi32, #tpu.memory_space<hbm>> -> memref<1x500x40xi32, #tpu.memory_space<hbm>>
    %dma_start3A_4 = tpu.memref_squeeze %dma_start3A_3 : memref<1x500x40xi32, #tpu.memory_space<hbm>> -> memref<500x40xi32, #tpu.memory_space<hbm>>
    %dma_start3A_5 = arith.constant 0 : i32
    %dma_start3A_6 = tpu.memref_slice %arg3[%arg0, %mul3A_2, %dma_start3A_5] : memref<2x8000x40xi32, #tpu.memory_space<hbm>> -> memref<1x500x40xi32, #tpu.memory_space<hbm>>
    %dma_start3A_7 = tpu.memref_squeeze %dma_start3A_6 : memref<1x500x40xi32, #tpu.memory_space<hbm>> -> memref<500x40xi32, #tpu.memory_space<hbm>>
    tpu.enqueue_dma source(%dma_start3A_7 : memref<500x40xi32, #tpu.memory_space<hbm>>) target(%arg9 : memref<500x40xi32, #tpu.memory_space<vmem>>) target_semaphore(%arg26 : memref<!tpu.dma_semaphore, #tpu.memory_space<semaphore_mem>>)
    "tpu.region"() ({
      %run_scoped3A = tpu.sem_alloc : memref<!tpu.dma_semaphore, #tpu.memory_space<semaphore_mem>>
      tpu.enqueue_dma source(%arg5 : memref<625x32xf32, #tpu.memory_space<hbm>>) target(%arg12 : memref<625x32xf32, #tpu.memory_space<vmem>>) target_semaphore(%run_scoped3A : memref<!tpu.dma_semaphore, #tpu.memory_space<semaphore_mem>>)
      tpu.wait_dma2 semaphore(%run_scoped3A : memref<!tpu.dma_semaphore, #tpu.memory_space<semaphore_mem>>) src(%arg5 : memref<625x32xf32, #tpu.memory_space<hbm>>) dst(%arg12 : memref<625x32xf32, #tpu.memory_space<vmem>>)
      tpu.yield
    }) : () -> ()
    "tpu.region"() ({
      %run_scoped3A = tpu.sem_alloc : memref<!tpu.dma_semaphore, #tpu.memory_space<semaphore_mem>>
      %dma_start3A_94 = arith.constant 0 : i32
      %dma_start3A_95 = tpu.memref_slice %arg13[%mul3A_0, %dma_start3A_94] : memref<10000x32xf32, #tpu.memory_space<vmem_shared>> -> memref<625x32xf32, #tpu.memory_space<vmem_shared>>
      %dma_start3A_96 = arith.constant 0 : i32
      %dma_start3A_97 = tpu.memref_slice %arg13[%mul3A_0, %dma_start3A_96] : memref<10000x32xf32, #tpu.memory_space<vmem_shared>> -> memref<625x32xf32, #tpu.memory_space<vmem_shared>>
      tpu.enqueue_dma source(%arg12 : memref<625x32xf32, #tpu.memory_space<vmem>>) target(%dma_start3A_97 : memref<625x32xf32, #tpu.memory_space<vmem_shared>>) target_semaphore(%run_scoped3A : memref<!tpu.dma_semaphore, #tpu.memory_space<semaphore_mem>>)
      %dma_wait3A_98 = arith.constant 0 : i32
      %dma_wait3A_99 = tpu.memref_slice %arg13[%mul3A_0, %dma_wait3A_98] : memref<10000x32xf32, #tpu.memory_space<vmem_shared>> -> memref<625x32xf32, #tpu.memory_space<vmem_shared>>
      %dma_wait3A_100 = arith.constant 0 : i32
      %dma_wait3A_101 = tpu.memref_slice %arg13[%mul3A_0, %dma_wait3A_100] : memref<10000x32xf32, #tpu.memory_space<vmem_shared>> -> memref<625x32xf32, #tpu.memory_space<vmem_shared>>
      tpu.wait_dma2 semaphore(%run_scoped3A : memref<!tpu.dma_semaphore, #tpu.memory_space<semaphore_mem>>) src(%arg12 : memref<625x32xf32, #tpu.memory_space<vmem>>) dst(%dma_wait3A_101 : memref<625x32xf32, #tpu.memory_space<vmem_shared>>)
      tpu.yield
    }) : () -> ()
    %dma_wait3A = arith.constant 0 : i32
    %dma_wait3A_8 = tpu.memref_slice %arg3[%arg0, %mul3A_2, %dma_wait3A] : memref<2x8000x40xi32, #tpu.memory_space<hbm>> -> memref<1x500x40xi32, #tpu.memory_space<hbm>>
    %dma_wait3A_9 = tpu.memref_squeeze %dma_wait3A_8 : memref<1x500x40xi32, #tpu.memory_space<hbm>> -> memref<500x40xi32, #tpu.memory_space<hbm>>
    %dma_wait3A_10 = arith.constant 0 : i32
    %dma_wait3A_11 = tpu.memref_slice %arg3[%arg0, %mul3A_2, %dma_wait3A_10] : memref<2x8000x40xi32, #tpu.memory_space<hbm>> -> memref<1x500x40xi32, #tpu.memory_space<hbm>>
    %dma_wait3A_12 = tpu.memref_squeeze %dma_wait3A_11 : memref<1x500x40xi32, #tpu.memory_space<hbm>> -> memref<500x40xi32, #tpu.memory_space<hbm>>
    tpu.wait_dma2 semaphore(%arg26 : memref<!tpu.dma_semaphore, #tpu.memory_space<semaphore_mem>>) src(%dma_wait3A_12 : memref<500x40xi32, #tpu.memory_space<hbm>>) dst(%arg9 : memref<500x40xi32, #tpu.memory_space<vmem>>)
    %barrier3A = arith.constant 0 : index
    tpu.barrier barrier_id(%barrier3A)
    %add3A = arith.constant 0 : i32
    %add3A_13 = arith.addi %mul3A_2, %add3A : i32
    %dma_start3A_14 = arith.constant 0 : i32
    %dma_start3A_15 = arith.constant 0 : i32
    %dma_start3A_16 = tpu.memref_slice %arg10[%dma_start3A_14, %dma_start3A_15] : memref<4x40xi32, #tpu.memory_space<vmem>> -> memref<1x40xi32, #tpu.memory_space<vmem>>
    %dma_start3A_17 = arith.constant 0 : i32
    %dma_start3A_18 = tpu.memref_slice %arg4[%add3A_13, %dma_start3A_17] : memref<8000x40xi32, #tpu.memory_space<hbm>> -> memref<1x40xi32, #tpu.memory_space<hbm>>
    %dma_start3A_19 = arith.constant 0 : i32
    %dma_start3A_20 = arith.constant 0 : i32
    %dma_start3A_21 = tpu.memref_slice %arg10[%dma_start3A_19, %dma_start3A_20] : memref<4x40xi32, #tpu.memory_space<vmem>> -> memref<1x40xi32, #tpu.memory_space<vmem>>
    %dma_start3A_22 = arith.constant 0 : i32
    %dma_start3A_23 = tpu.memref_slice %arg4[%add3A_13, %dma_start3A_22] : memref<8000x40xi32, #tpu.memory_space<hbm>> -> memref<1x40xi32, #tpu.memory_space<hbm>>
    tpu.enqueue_dma source(%dma_start3A_23 : memref<1x40xi32, #tpu.memory_space<hbm>>) target(%dma_start3A_21 : memref<1x40xi32, #tpu.memory_space<vmem>>) target_semaphore(%arg22 : memref<!tpu.dma_semaphore, #tpu.memory_space<semaphore_mem>>)
    %dma_start3A_24 = arith.constant 0 : i32
    %dma_start3A_25 = arith.constant 0 : i32
    %dma_start3A_26 = arith.constant 0 : i32
    %dma_start3A_27 = tpu.memref_slice %arg11[%dma_start3A_25, %dma_start3A_26] : memref<160x32xf32, #tpu.memory_space<vmem>> -> memref<40x32xf32, #tpu.memory_space<vmem>>
    %dma_start3A_28 = arith.constant 0 : i32
    %dma_start3A_29 = tpu.memref_slice %arg9[%dma_start3A_24, %dma_start3A_28] : memref<500x40xi32, #tpu.memory_space<vmem>> -> memref<1x40xi32, #tpu.memory_space<vmem>>
    %dma_start3A_30 = tpu.memref_squeeze %dma_start3A_29 : memref<1x40xi32, #tpu.memory_space<vmem>> -> memref<40xi32, #tpu.memory_space<vmem>>
    %dma_start3A_31 = arith.constant 0 : i32
    %dma_start3A_32 = arith.constant 0 : i32
    %dma_start3A_33 = tpu.memref_slice %arg2[%dma_start3A_31, %dma_start3A_32] : memref<20000x32xf32, #tpu.memory_space<hbm>> -> memref<20000x32xf32, #tpu.memory_space<hbm>>
    tpu.enqueue_indirect_dma source(%dma_start3A_33 : memref<20000x32xf32, #tpu.memory_space<hbm>>) target(%dma_start3A_27 : memref<40x32xf32, #tpu.memory_space<vmem>>) offsets(%dma_start3A_30 : memref<40xi32, #tpu.memory_space<vmem>>) semaphore(%arg14 : memref<!tpu.dma_semaphore, #tpu.memory_space<semaphore_mem>>)
    %add3A_34 = arith.constant 1 : i32
    %add3A_35 = arith.addi %mul3A_2, %add3A_34 : i32
    %dma_start3A_36 = arith.constant 1 : i32
    %dma_start3A_37 = arith.constant 0 : i32
    %dma_start3A_38 = tpu.memref_slice %arg10[%dma_start3A_36, %dma_start3A_37] : memref<4x40xi32, #tpu.memory_space<vmem>> -> memref<1x40xi32, #tpu.memory_space<vmem>>
    %dma_start3A_39 = arith.constant 0 : i32
    %dma_start3A_40 = tpu.memref_slice %arg4[%add3A_35, %dma_start3A_39] : memref<8000x40xi32, #tpu.memory_space<hbm>> -> memref<1x40xi32, #tpu.memory_space<hbm>>
    %dma_start3A_41 = arith.constant 1 : i32
    %dma_start3A_42 = arith.constant 0 : i32
    %dma_start3A_43 = tpu.memref_slice %arg10[%dma_start3A_41, %dma_start3A_42] : memref<4x40xi32, #tpu.memory_space<vmem>> -> memref<1x40xi32, #tpu.memory_space<vmem>>
    %dma_start3A_44 = arith.constant 0 : i32
    %dma_start3A_45 = tpu.memref_slice %arg4[%add3A_35, %dma_start3A_44] : memref<8000x40xi32, #tpu.memory_space<hbm>> -> memref<1x40xi32, #tpu.memory_space<hbm>>
    tpu.enqueue_dma source(%dma_start3A_45 : memref<1x40xi32, #tpu.memory_space<hbm>>) target(%dma_start3A_43 : memref<1x40xi32, #tpu.memory_space<vmem>>) target_semaphore(%arg23 : memref<!tpu.dma_semaphore, #tpu.memory_space<semaphore_mem>>)
    %dma_start3A_46 = arith.constant 1 : i32
    %dma_start3A_47 = arith.constant 40 : i32
    %dma_start3A_48 = arith.constant 0 : i32
    %dma_start3A_49 = tpu.memref_slice %arg11[%dma_start3A_47, %dma_start3A_48] : memref<160x32xf32, #tpu.memory_space<vmem>> -> memref<40x32xf32, #tpu.memory_space<vmem>>
    %dma_start3A_50 = arith.constant 0 : i32
    %dma_start3A_51 = tpu.memref_slice %arg9[%dma_start3A_46, %dma_start3A_50] : memref<500x40xi32, #tpu.memory_space<vmem>> -> memref<1x40xi32, #tpu.memory_space<vmem>>
    %dma_start3A_52 = tpu.memref_squeeze %dma_start3A_51 : memref<1x40xi32, #tpu.memory_space<vmem>> -> memref<40xi32, #tpu.memory_space<vmem>>
    %dma_start3A_53 = arith.constant 0 : i32
    %dma_start3A_54 = arith.constant 0 : i32
    %dma_start3A_55 = tpu.memref_slice %arg2[%dma_start3A_53, %dma_start3A_54] : memref<20000x32xf32, #tpu.memory_space<hbm>> -> memref<20000x32xf32, #tpu.memory_space<hbm>>
    tpu.enqueue_indirect_dma source(%dma_start3A_55 : memref<20000x32xf32, #tpu.memory_space<hbm>>) target(%dma_start3A_49 : memref<40x32xf32, #tpu.memory_space<vmem>>) offsets(%dma_start3A_52 : memref<40xi32, #tpu.memory_space<vmem>>) semaphore(%arg15 : memref<!tpu.dma_semaphore, #tpu.memory_space<semaphore_mem>>)
    %add3A_56 = arith.constant 2 : i32
    %add3A_57 = arith.addi %mul3A_2, %add3A_56 : i32
    %dma_start3A_58 = arith.constant 2 : i32
    %dma_start3A_59 = arith.constant 0 : i32
    %dma_start3A_60 = tpu.memref_slice %arg10[%dma_start3A_58, %dma_start3A_59] : memref<4x40xi32, #tpu.memory_space<vmem>> -> memref<1x40xi32, #tpu.memory_space<vmem>>
    %dma_start3A_61 = arith.constant 0 : i32
    %dma_start3A_62 = tpu.memref_slice %arg4[%add3A_57, %dma_start3A_61] : memref<8000x40xi32, #tpu.memory_space<hbm>> -> memref<1x40xi32, #tpu.memory_space<hbm>>
    %dma_start3A_63 = arith.constant 2 : i32
    %dma_start3A_64 = arith.constant 0 : i32
    %dma_start3A_65 = tpu.memref_slice %arg10[%dma_start3A_63, %dma_start3A_64] : memref<4x40xi32, #tpu.memory_space<vmem>> -> memref<1x40xi32, #tpu.memory_space<vmem>>
    %dma_start3A_66 = arith.constant 0 : i32
    %dma_start3A_67 = tpu.memref_slice %arg4[%add3A_57, %dma_start3A_66] : memref<8000x40xi32, #tpu.memory_space<hbm>> -> memref<1x40xi32, #tpu.memory_space<hbm>>
    tpu.enqueue_dma source(%dma_start3A_67 : memref<1x40xi32, #tpu.memory_space<hbm>>) target(%dma_start3A_65 : memref<1x40xi32, #tpu.memory_space<vmem>>) target_semaphore(%arg24 : memref<!tpu.dma_semaphore, #tpu.memory_space<semaphore_mem>>)
    %dma_start3A_68 = arith.constant 2 : i32
    %dma_start3A_69 = arith.constant 80 : i32
    %dma_start3A_70 = arith.constant 0 : i32
    %dma_start3A_71 = tpu.memref_slice %arg11[%dma_start3A_69, %dma_start3A_70] : memref<160x32xf32, #tpu.memory_space<vmem>> -> memref<40x32xf32, #tpu.memory_space<vmem>>
    %dma_start3A_72 = arith.constant 0 : i32
    %dma_start3A_73 = tpu.memref_slice %arg9[%dma_start3A_68, %dma_start3A_72] : memref<500x40xi32, #tpu.memory_space<vmem>> -> memref<1x40xi32, #tpu.memory_space<vmem>>
    %dma_start3A_74 = tpu.memref_squeeze %dma_start3A_73 : memref<1x40xi32, #tpu.memory_space<vmem>> -> memref<40xi32, #tpu.memory_space<vmem>>
    %dma_start3A_75 = arith.constant 0 : i32
    %dma_start3A_76 = arith.constant 0 : i32
    %dma_start3A_77 = tpu.memref_slice %arg2[%dma_start3A_75, %dma_start3A_76] : memref<20000x32xf32, #tpu.memory_space<hbm>> -> memref<20000x32xf32, #tpu.memory_space<hbm>>
    tpu.enqueue_indirect_dma source(%dma_start3A_77 : memref<20000x32xf32, #tpu.memory_space<hbm>>) target(%dma_start3A_71 : memref<40x32xf32, #tpu.memory_space<vmem>>) offsets(%dma_start3A_74 : memref<40xi32, #tpu.memory_space<vmem>>) semaphore(%arg16 : memref<!tpu.dma_semaphore, #tpu.memory_space<semaphore_mem>>)
    %scan3A = arith.constant 0 : i32
    %scan3A_78 = arith.constant 0 : i32
    %scan3A_79 = arith.constant 125 : i32
    %scan3A_80 = arith.addi %scan3A_78, %scan3A_79 : i32
    %scan3A_81 = arith.constant 1 : i32
    scf.for %scan3A_94 = %scan3A_78 to %scan3A_80 step %scan3A_81  : i32 {
      %mul3A_95 = arith.constant 4 : i32
      %mul3A_96 = arith.muli %scan3A_94, %mul3A_95 : i32
      %add3A_97 = arith.constant 0 : i32
      %add3A_98 = arith.addi %mul3A_96, %add3A_97 : i32
      %dma_wait3A_99 = arith.constant 0 : i32
      %dma_wait3A_100 = arith.constant 0 : i32
      %dma_wait3A_101 = arith.constant 0 : i32
      %dma_wait3A_102 = tpu.memref_slice %arg11[%dma_wait3A_100, %dma_wait3A_101] : memref<160x32xf32, #tpu.memory_space<vmem>> -> memref<40x32xf32, #tpu.memory_space<vmem>>
      %dma_wait3A_103 = arith.constant 0 : i32
      %dma_wait3A_104 = tpu.memref_slice %arg9[%dma_wait3A_99, %dma_wait3A_103] : memref<500x40xi32, #tpu.memory_space<vmem>> -> memref<1x40xi32, #tpu.memory_space<vmem>>
      %dma_wait3A_105 = tpu.memref_squeeze %dma_wait3A_104 : memref<1x40xi32, #tpu.memory_space<vmem>> -> memref<40xi32, #tpu.memory_space<vmem>>
      %dma_wait3A_106 = arith.constant 0 : i32
      %dma_wait3A_107 = arith.constant 0 : i32
      %dma_wait3A_108 = tpu.memref_slice %arg2[%dma_wait3A_106, %dma_wait3A_107] : memref<20000x32xf32, #tpu.memory_space<hbm>> -> memref<20000x32xf32, #tpu.memory_space<hbm>>
      tpu.wait_indirect_dma semaphore(%arg14 : memref<!tpu.dma_semaphore, #tpu.memory_space<semaphore_mem>>) src(%dma_wait3A_108 : memref<20000x32xf32, #tpu.memory_space<hbm>>) dst(%dma_wait3A_102 : memref<40x32xf32, #tpu.memory_space<vmem>>)
      %dma_wait3A_109 = arith.constant 0 : i32
      %dma_wait3A_110 = arith.constant 0 : i32
      %dma_wait3A_111 = tpu.memref_slice %arg10[%dma_wait3A_109, %dma_wait3A_110] : memref<4x40xi32, #tpu.memory_space<vmem>> -> memref<1x40xi32, #tpu.memory_space<vmem>>
      %dma_wait3A_112 = arith.constant 0 : i32
      %dma_wait3A_113 = tpu.memref_slice %arg4[%mul3A_2, %dma_wait3A_112] : memref<8000x40xi32, #tpu.memory_space<hbm>> -> memref<1x40xi32, #tpu.memory_space<hbm>>
      %dma_wait3A_114 = arith.constant 0 : i32
      %dma_wait3A_115 = arith.constant 0 : i32
      %dma_wait3A_116 = tpu.memref_slice %arg10[%dma_wait3A_114, %dma_wait3A_115] : memref<4x40xi32, #tpu.memory_space<vmem>> -> memref<1x40xi32, #tpu.memory_space<vmem>>
      %dma_wait3A_117 = arith.constant 0 : i32
      %dma_wait3A_118 = tpu.memref_slice %arg4[%mul3A_2, %dma_wait3A_117] : memref<8000x40xi32, #tpu.memory_space<hbm>> -> memref<1x40xi32, #tpu.memory_space<hbm>>
      tpu.wait_dma2 semaphore(%arg22 : memref<!tpu.dma_semaphore, #tpu.memory_space<semaphore_mem>>) src(%dma_wait3A_118 : memref<1x40xi32, #tpu.memory_space<hbm>>) dst(%dma_wait3A_116 : memref<1x40xi32, #tpu.memory_space<vmem>>)
      %dma_start3A_119 = arith.constant 0 : i32
      %dma_start3A_120 = arith.constant 0 : i32
      %dma_start3A_121 = arith.constant 0 : i32
      %dma_start3A_122 = tpu.memref_slice %arg11[%dma_start3A_120, %dma_start3A_121] : memref<160x32xf32, #tpu.memory_space<vmem>> -> memref<40x32xf32, #tpu.memory_space<vmem>>
      %dma_start3A_123 = arith.constant 0 : i32
      %dma_start3A_124 = tpu.memref_slice %arg10[%dma_start3A_119, %dma_start3A_123] : memref<4x40xi32, #tpu.memory_space<vmem>> -> memref<1x40xi32, #tpu.memory_space<vmem>>
      %dma_start3A_125 = tpu.memref_squeeze %dma_start3A_124 : memref<1x40xi32, #tpu.memory_space<vmem>> -> memref<40xi32, #tpu.memory_space<vmem>>
      %dma_start3A_126 = arith.constant 0 : i32
      %dma_start3A_127 = arith.constant 0 : i32
      %dma_start3A_128 = tpu.memref_slice %arg13[%dma_start3A_126, %dma_start3A_127] : memref<10000x32xf32, #tpu.memory_space<vmem_shared>> -> memref<10000x32xf32, #tpu.memory_space<vmem_shared>>
      tpu.enqueue_indirect_dma source(%dma_start3A_122 : memref<40x32xf32, #tpu.memory_space<vmem>>) target(%dma_start3A_128 : memref<10000x32xf32, #tpu.memory_space<vmem_shared>>) offsets(%dma_start3A_125 : memref<40xi32, #tpu.memory_space<vmem>>) semaphore(%arg18 : memref<!tpu.dma_semaphore, #tpu.memory_space<semaphore_mem>>) {add = true}
      %ge3A = arith.constant 1 : i32
      %ge3A_129 = arith.cmpi sge, %add3A_98, %ge3A : i32
      %convert_element_type3A = arith.extui %ge3A_129 : i1 to i32
      %cond3A = arith.constant 0 : i32
      %cond3A_130 = arith.cmpi ne, %convert_element_type3A, %cond3A : i32
      scf.if %cond3A_130 {
        %dma_wait3A_275 = arith.constant 0 : i32
        %dma_wait3A_276 = arith.constant 120 : i32
        %dma_wait3A_277 = arith.constant 0 : i32
        %dma_wait3A_278 = tpu.memref_slice %arg11[%dma_wait3A_276, %dma_wait3A_277] : memref<160x32xf32, #tpu.memory_space<vmem>> -> memref<40x32xf32, #tpu.memory_space<vmem>>
        %dma_wait3A_279 = arith.constant 0 : i32
        %dma_wait3A_280 = tpu.memref_slice %arg10[%dma_wait3A_275, %dma_wait3A_279] : memref<4x40xi32, #tpu.memory_space<vmem>> -> memref<1x40xi32, #tpu.memory_space<vmem>>
        %dma_wait3A_281 = tpu.memref_squeeze %dma_wait3A_280 : memref<1x40xi32, #tpu.memory_space<vmem>> -> memref<40xi32, #tpu.memory_space<vmem>>
        %dma_wait3A_282 = arith.constant 0 : i32
        %dma_wait3A_283 = arith.constant 0 : i32
        %dma_wait3A_284 = tpu.memref_slice %arg13[%dma_wait3A_282, %dma_wait3A_283] : memref<10000x32xf32, #tpu.memory_space<vmem_shared>> -> memref<10000x32xf32, #tpu.memory_space<vmem_shared>>
        tpu.wait_indirect_dma semaphore(%arg21 : memref<!tpu.dma_semaphore, #tpu.memory_space<semaphore_mem>>) src(%dma_wait3A_278 : memref<40x32xf32, #tpu.memory_space<vmem>>) dst(%dma_wait3A_284 : memref<10000x32xf32, #tpu.memory_space<vmem_shared>>)
      } else {
      }
      %add3A_131 = arith.constant 3 : i32
      %add3A_132 = arith.addi %add3A_98, %add3A_131 : i32
      %lt3A = arith.constant 500 : i32
      %lt3A_133 = arith.cmpi slt, %add3A_132, %lt3A : i32
      %convert_element_type3A_134 = arith.extui %lt3A_133 : i1 to i32
      %cond3A_135 = arith.constant 0 : i32
      %cond3A_136 = arith.cmpi ne, %convert_element_type3A_134, %cond3A_135 : i32
      scf.if %cond3A_136 {
        %add3A_275 = arith.constant 3 : i32
        %add3A_276 = arith.addi %add3A_98, %add3A_275 : i32
        %add3A_277 = arith.addi %mul3A_2, %add3A_276 : i32
        %dma_start3A_278 = arith.constant 3 : i32
        %dma_start3A_279 = arith.constant 0 : i32
        %dma_start3A_280 = tpu.memref_slice %arg10[%dma_start3A_278, %dma_start3A_279] : memref<4x40xi32, #tpu.memory_space<vmem>> -> memref<1x40xi32, #tpu.memory_space<vmem>>
        %dma_start3A_281 = arith.constant 0 : i32
        %dma_start3A_282 = tpu.memref_slice %arg4[%add3A_277, %dma_start3A_281] : memref<8000x40xi32, #tpu.memory_space<hbm>> -> memref<1x40xi32, #tpu.memory_space<hbm>>
        %dma_start3A_283 = arith.constant 3 : i32
        %dma_start3A_284 = arith.constant 0 : i32
        %dma_start3A_285 = tpu.memref_slice %arg10[%dma_start3A_283, %dma_start3A_284] : memref<4x40xi32, #tpu.memory_space<vmem>> -> memref<1x40xi32, #tpu.memory_space<vmem>>
        %dma_start3A_286 = arith.constant 0 : i32
        %dma_start3A_287 = tpu.memref_slice %arg4[%add3A_277, %dma_start3A_286] : memref<8000x40xi32, #tpu.memory_space<hbm>> -> memref<1x40xi32, #tpu.memory_space<hbm>>
        tpu.enqueue_dma source(%dma_start3A_287 : memref<1x40xi32, #tpu.memory_space<hbm>>) target(%dma_start3A_285 : memref<1x40xi32, #tpu.memory_space<vmem>>) target_semaphore(%arg25 : memref<!tpu.dma_semaphore, #tpu.memory_space<semaphore_mem>>)
        %add3A_288 = arith.constant 3 : i32
        %add3A_289 = arith.addi %add3A_98, %add3A_288 : i32
        %dma_start3A_290 = arith.constant 120 : i32
        %dma_start3A_291 = arith.constant 0 : i32
        %dma_start3A_292 = tpu.memref_slice %arg11[%dma_start3A_290, %dma_start3A_291] : memref<160x32xf32, #tpu.memory_space<vmem>> -> memref<40x32xf32, #tpu.memory_space<vmem>>
        %dma_start3A_293 = arith.constant 0 : i32
        %dma_start3A_294 = tpu.memref_slice %arg9[%add3A_289, %dma_start3A_293] : memref<500x40xi32, #tpu.memory_space<vmem>> -> memref<1x40xi32, #tpu.memory_space<vmem>>
        %dma_start3A_295 = tpu.memref_squeeze %dma_start3A_294 : memref<1x40xi32, #tpu.memory_space<vmem>> -> memref<40xi32, #tpu.memory_space<vmem>>
        %dma_start3A_296 = arith.constant 0 : i32
        %dma_start3A_297 = arith.constant 0 : i32
        %dma_start3A_298 = tpu.memref_slice %arg2[%dma_start3A_296, %dma_start3A_297] : memref<20000x32xf32, #tpu.memory_space<hbm>> -> memref<20000x32xf32, #tpu.memory_space<hbm>>
        tpu.enqueue_indirect_dma source(%dma_start3A_298 : memref<20000x32xf32, #tpu.memory_space<hbm>>) target(%dma_start3A_292 : memref<40x32xf32, #tpu.memory_space<vmem>>) offsets(%dma_start3A_295 : memref<40xi32, #tpu.memory_space<vmem>>) semaphore(%arg17 : memref<!tpu.dma_semaphore, #tpu.memory_space<semaphore_mem>>)
      } else {
      }
      %mul3A_137 = arith.constant 4 : i32
      %mul3A_138 = arith.muli %scan3A_94, %mul3A_137 : i32
      %add3A_139 = arith.constant 1 : i32
      %add3A_140 = arith.addi %mul3A_138, %add3A_139 : i32
      %dma_wait3A_141 = arith.constant 0 : i32
      %dma_wait3A_142 = arith.constant 40 : i32
      %dma_wait3A_143 = arith.constant 0 : i32
      %dma_wait3A_144 = tpu.memref_slice %arg11[%dma_wait3A_142, %dma_wait3A_143] : memref<160x32xf32, #tpu.memory_space<vmem>> -> memref<40x32xf32, #tpu.memory_space<vmem>>
      %dma_wait3A_145 = arith.constant 0 : i32
      %dma_wait3A_146 = tpu.memref_slice %arg9[%dma_wait3A_141, %dma_wait3A_145] : memref<500x40xi32, #tpu.memory_space<vmem>> -> memref<1x40xi32, #tpu.memory_space<vmem>>
      %dma_wait3A_147 = tpu.memref_squeeze %dma_wait3A_146 : memref<1x40xi32, #tpu.memory_space<vmem>> -> memref<40xi32, #tpu.memory_space<vmem>>
      %dma_wait3A_148 = arith.constant 0 : i32
      %dma_wait3A_149 = arith.constant 0 : i32
      %dma_wait3A_150 = tpu.memref_slice %arg2[%dma_wait3A_148, %dma_wait3A_149] : memref<20000x32xf32, #tpu.memory_space<hbm>> -> memref<20000x32xf32, #tpu.memory_space<hbm>>
      tpu.wait_indirect_dma semaphore(%arg15 : memref<!tpu.dma_semaphore, #tpu.memory_space<semaphore_mem>>) src(%dma_wait3A_150 : memref<20000x32xf32, #tpu.memory_space<hbm>>) dst(%dma_wait3A_144 : memref<40x32xf32, #tpu.memory_space<vmem>>)
      %dma_wait3A_151 = arith.constant 1 : i32
      %dma_wait3A_152 = arith.constant 0 : i32
      %dma_wait3A_153 = tpu.memref_slice %arg10[%dma_wait3A_151, %dma_wait3A_152] : memref<4x40xi32, #tpu.memory_space<vmem>> -> memref<1x40xi32, #tpu.memory_space<vmem>>
      %dma_wait3A_154 = arith.constant 0 : i32
      %dma_wait3A_155 = tpu.memref_slice %arg4[%mul3A_2, %dma_wait3A_154] : memref<8000x40xi32, #tpu.memory_space<hbm>> -> memref<1x40xi32, #tpu.memory_space<hbm>>
      %dma_wait3A_156 = arith.constant 1 : i32
      %dma_wait3A_157 = arith.constant 0 : i32
      %dma_wait3A_158 = tpu.memref_slice %arg10[%dma_wait3A_156, %dma_wait3A_157] : memref<4x40xi32, #tpu.memory_space<vmem>> -> memref<1x40xi32, #tpu.memory_space<vmem>>
      %dma_wait3A_159 = arith.constant 0 : i32
      %dma_wait3A_160 = tpu.memref_slice %arg4[%mul3A_2, %dma_wait3A_159] : memref<8000x40xi32, #tpu.memory_space<hbm>> -> memref<1x40xi32, #tpu.memory_space<hbm>>
      tpu.wait_dma2 semaphore(%arg23 : memref<!tpu.dma_semaphore, #tpu.memory_space<semaphore_mem>>) src(%dma_wait3A_160 : memref<1x40xi32, #tpu.memory_space<hbm>>) dst(%dma_wait3A_158 : memref<1x40xi32, #tpu.memory_space<vmem>>)
      %dma_start3A_161 = arith.constant 1 : i32
      %dma_start3A_162 = arith.constant 40 : i32
      %dma_start3A_163 = arith.constant 0 : i32
      %dma_start3A_164 = tpu.memref_slice %arg11[%dma_start3A_162, %dma_start3A_163] : memref<160x32xf32, #tpu.memory_space<vmem>> -> memref<40x32xf32, #tpu.memory_space<vmem>>
      %dma_start3A_165 = arith.constant 0 : i32
      %dma_start3A_166 = tpu.memref_slice %arg10[%dma_start3A_161, %dma_start3A_165] : memref<4x40xi32, #tpu.memory_space<vmem>> -> memref<1x40xi32, #tpu.memory_space<vmem>>
      %dma_start3A_167 = tpu.memref_squeeze %dma_start3A_166 : memref<1x40xi32, #tpu.memory_space<vmem>> -> memref<40xi32, #tpu.memory_space<vmem>>
      %dma_start3A_168 = arith.constant 0 : i32
      %dma_start3A_169 = arith.constant 0 : i32
      %dma_start3A_170 = tpu.memref_slice %arg13[%dma_start3A_168, %dma_start3A_169] : memref<10000x32xf32, #tpu.memory_space<vmem_shared>> -> memref<10000x32xf32, #tpu.memory_space<vmem_shared>>
      tpu.enqueue_indirect_dma source(%dma_start3A_164 : memref<40x32xf32, #tpu.memory_space<vmem>>) target(%dma_start3A_170 : memref<10000x32xf32, #tpu.memory_space<vmem_shared>>) offsets(%dma_start3A_167 : memref<40xi32, #tpu.memory_space<vmem>>) semaphore(%arg19 : memref<!tpu.dma_semaphore, #tpu.memory_space<semaphore_mem>>) {add = true}
      %ge3A_171 = arith.constant 1 : i32
      %ge3A_172 = arith.cmpi sge, %add3A_140, %ge3A_171 : i32
      %convert_element_type3A_173 = arith.extui %ge3A_172 : i1 to i32
      %cond3A_174 = arith.constant 0 : i32
      %cond3A_175 = arith.cmpi ne, %convert_element_type3A_173, %cond3A_174 : i32
      scf.if %cond3A_175 {
        %dma_wait3A_275 = arith.constant 0 : i32
        %dma_wait3A_276 = arith.constant 0 : i32
        %dma_wait3A_277 = arith.constant 0 : i32
        %dma_wait3A_278 = tpu.memref_slice %arg11[%dma_wait3A_276, %dma_wait3A_277] : memref<160x32xf32, #tpu.memory_space<vmem>> -> memref<40x32xf32, #tpu.memory_space<vmem>>
        %dma_wait3A_279 = arith.constant 0 : i32
        %dma_wait3A_280 = tpu.memref_slice %arg10[%dma_wait3A_275, %dma_wait3A_279] : memref<4x40xi32, #tpu.memory_space<vmem>> -> memref<1x40xi32, #tpu.memory_space<vmem>>
        %dma_wait3A_281 = tpu.memref_squeeze %dma_wait3A_280 : memref<1x40xi32, #tpu.memory_space<vmem>> -> memref<40xi32, #tpu.memory_space<vmem>>
        %dma_wait3A_282 = arith.constant 0 : i32
        %dma_wait3A_283 = arith.constant 0 : i32
        %dma_wait3A_284 = tpu.memref_slice %arg13[%dma_wait3A_282, %dma_wait3A_283] : memref<10000x32xf32, #tpu.memory_space<vmem_shared>> -> memref<10000x32xf32, #tpu.memory_space<vmem_shared>>
        tpu.wait_indirect_dma semaphore(%arg18 : memref<!tpu.dma_semaphore, #tpu.memory_space<semaphore_mem>>) src(%dma_wait3A_278 : memref<40x32xf32, #tpu.memory_space<vmem>>) dst(%dma_wait3A_284 : memref<10000x32xf32, #tpu.memory_space<vmem_shared>>)
      } else {
      }
      %add3A_176 = arith.constant 3 : i32
      %add3A_177 = arith.addi %add3A_140, %add3A_176 : i32
      %lt3A_178 = arith.constant 500 : i32
      %lt3A_179 = arith.cmpi slt, %add3A_177, %lt3A_178 : i32
      %convert_element_type3A_180 = arith.extui %lt3A_179 : i1 to i32
      %cond3A_181 = arith.constant 0 : i32
      %cond3A_182 = arith.cmpi ne, %convert_element_type3A_180, %cond3A_181 : i32
      scf.if %cond3A_182 {
        %add3A_275 = arith.constant 3 : i32
        %add3A_276 = arith.addi %add3A_140, %add3A_275 : i32
        %add3A_277 = arith.addi %mul3A_2, %add3A_276 : i32
        %dma_start3A_278 = arith.constant 0 : i32
        %dma_start3A_279 = arith.constant 0 : i32
        %dma_start3A_280 = tpu.memref_slice %arg10[%dma_start3A_278, %dma_start3A_279] : memref<4x40xi32, #tpu.memory_space<vmem>> -> memref<1x40xi32, #tpu.memory_space<vmem>>
        %dma_start3A_281 = arith.constant 0 : i32
        %dma_start3A_282 = tpu.memref_slice %arg4[%add3A_277, %dma_start3A_281] : memref<8000x40xi32, #tpu.memory_space<hbm>> -> memref<1x40xi32, #tpu.memory_space<hbm>>
        %dma_start3A_283 = arith.constant 0 : i32
        %dma_start3A_284 = arith.constant 0 : i32
        %dma_start3A_285 = tpu.memref_slice %arg10[%dma_start3A_283, %dma_start3A_284] : memref<4x40xi32, #tpu.memory_space<vmem>> -> memref<1x40xi32, #tpu.memory_space<vmem>>
        %dma_start3A_286 = arith.constant 0 : i32
        %dma_start3A_287 = tpu.memref_slice %arg4[%add3A_277, %dma_start3A_286] : memref<8000x40xi32, #tpu.memory_space<hbm>> -> memref<1x40xi32, #tpu.memory_space<hbm>>
        tpu.enqueue_dma source(%dma_start3A_287 : memref<1x40xi32, #tpu.memory_space<hbm>>) target(%dma_start3A_285 : memref<1x40xi32, #tpu.memory_space<vmem>>) target_semaphore(%arg22 : memref<!tpu.dma_semaphore, #tpu.memory_space<semaphore_mem>>)
        %add3A_288 = arith.constant 3 : i32
        %add3A_289 = arith.addi %add3A_140, %add3A_288 : i32
        %dma_start3A_290 = arith.constant 0 : i32
        %dma_start3A_291 = arith.constant 0 : i32
        %dma_start3A_292 = tpu.memref_slice %arg11[%dma_start3A_290, %dma_start3A_291] : memref<160x32xf32, #tpu.memory_space<vmem>> -> memref<40x32xf32, #tpu.memory_space<vmem>>
        %dma_start3A_293 = arith.constant 0 : i32
        %dma_start3A_294 = tpu.memref_slice %arg9[%add3A_289, %dma_start3A_293] : memref<500x40xi32, #tpu.memory_space<vmem>> -> memref<1x40xi32, #tpu.memory_space<vmem>>
        %dma_start3A_295 = tpu.memref_squeeze %dma_start3A_294 : memref<1x40xi32, #tpu.memory_space<vmem>> -> memref<40xi32, #tpu.memory_space<vmem>>
        %dma_start3A_296 = arith.constant 0 : i32
        %dma_start3A_297 = arith.constant 0 : i32
        %dma_start3A_298 = tpu.memref_slice %arg2[%dma_start3A_296, %dma_start3A_297] : memref<20000x32xf32, #tpu.memory_space<hbm>> -> memref<20000x32xf32, #tpu.memory_space<hbm>>
        tpu.enqueue_indirect_dma source(%dma_start3A_298 : memref<20000x32xf32, #tpu.memory_space<hbm>>) target(%dma_start3A_292 : memref<40x32xf32, #tpu.memory_space<vmem>>) offsets(%dma_start3A_295 : memref<40xi32, #tpu.memory_space<vmem>>) semaphore(%arg14 : memref<!tpu.dma_semaphore, #tpu.memory_space<semaphore_mem>>)
      } else {
      }
      %mul3A_183 = arith.constant 4 : i32
      %mul3A_184 = arith.muli %scan3A_94, %mul3A_183 : i32
      %add3A_185 = arith.constant 2 : i32
      %add3A_186 = arith.addi %mul3A_184, %add3A_185 : i32
      %dma_wait3A_187 = arith.constant 0 : i32
      %dma_wait3A_188 = arith.constant 80 : i32
      %dma_wait3A_189 = arith.constant 0 : i32
      %dma_wait3A_190 = tpu.memref_slice %arg11[%dma_wait3A_188, %dma_wait3A_189] : memref<160x32xf32, #tpu.memory_space<vmem>> -> memref<40x32xf32, #tpu.memory_space<vmem>>
      %dma_wait3A_191 = arith.constant 0 : i32
      %dma_wait3A_192 = tpu.memref_slice %arg9[%dma_wait3A_187, %dma_wait3A_191] : memref<500x40xi32, #tpu.memory_space<vmem>> -> memref<1x40xi32, #tpu.memory_space<vmem>>
      %dma_wait3A_193 = tpu.memref_squeeze %dma_wait3A_192 : memref<1x40xi32, #tpu.memory_space<vmem>> -> memref<40xi32, #tpu.memory_space<vmem>>
      %dma_wait3A_194 = arith.constant 0 : i32
      %dma_wait3A_195 = arith.constant 0 : i32
      %dma_wait3A_196 = tpu.memref_slice %arg2[%dma_wait3A_194, %dma_wait3A_195] : memref<20000x32xf32, #tpu.memory_space<hbm>> -> memref<20000x32xf32, #tpu.memory_space<hbm>>
      tpu.wait_indirect_dma semaphore(%arg16 : memref<!tpu.dma_semaphore, #tpu.memory_space<semaphore_mem>>) src(%dma_wait3A_196 : memref<20000x32xf32, #tpu.memory_space<hbm>>) dst(%dma_wait3A_190 : memref<40x32xf32, #tpu.memory_space<vmem>>)
      %dma_wait3A_197 = arith.constant 2 : i32
      %dma_wait3A_198 = arith.constant 0 : i32
      %dma_wait3A_199 = tpu.memref_slice %arg10[%dma_wait3A_197, %dma_wait3A_198] : memref<4x40xi32, #tpu.memory_space<vmem>> -> memref<1x40xi32, #tpu.memory_space<vmem>>
      %dma_wait3A_200 = arith.constant 0 : i32
      %dma_wait3A_201 = tpu.memref_slice %arg4[%mul3A_2, %dma_wait3A_200] : memref<8000x40xi32, #tpu.memory_space<hbm>> -> memref<1x40xi32, #tpu.memory_space<hbm>>
      %dma_wait3A_202 = arith.constant 2 : i32
      %dma_wait3A_203 = arith.constant 0 : i32
      %dma_wait3A_204 = tpu.memref_slice %arg10[%dma_wait3A_202, %dma_wait3A_203] : memref<4x40xi32, #tpu.memory_space<vmem>> -> memref<1x40xi32, #tpu.memory_space<vmem>>
      %dma_wait3A_205 = arith.constant 0 : i32
      %dma_wait3A_206 = tpu.memref_slice %arg4[%mul3A_2, %dma_wait3A_205] : memref<8000x40xi32, #tpu.memory_space<hbm>> -> memref<1x40xi32, #tpu.memory_space<hbm>>
      tpu.wait_dma2 semaphore(%arg24 : memref<!tpu.dma_semaphore, #tpu.memory_space<semaphore_mem>>) src(%dma_wait3A_206 : memref<1x40xi32, #tpu.memory_space<hbm>>) dst(%dma_wait3A_204 : memref<1x40xi32, #tpu.memory_space<vmem>>)
      %dma_start3A_207 = arith.constant 2 : i32
      %dma_start3A_208 = arith.constant 80 : i32
      %dma_start3A_209 = arith.constant 0 : i32
      %dma_start3A_210 = tpu.memref_slice %arg11[%dma_start3A_208, %dma_start3A_209] : memref<160x32xf32, #tpu.memory_space<vmem>> -> memref<40x32xf32, #tpu.memory_space<vmem>>
      %dma_start3A_211 = arith.constant 0 : i32
      %dma_start3A_212 = tpu.memref_slice %arg10[%dma_start3A_207, %dma_start3A_211] : memref<4x40xi32, #tpu.memory_space<vmem>> -> memref<1x40xi32, #tpu.memory_space<vmem>>
      %dma_start3A_213 = tpu.memref_squeeze %dma_start3A_212 : memref<1x40xi32, #tpu.memory_space<vmem>> -> memref<40xi32, #tpu.memory_space<vmem>>
      %dma_start3A_214 = arith.constant 0 : i32
      %dma_start3A_215 = arith.constant 0 : i32
      %dma_start3A_216 = tpu.memref_slice %arg13[%dma_start3A_214, %dma_start3A_215] : memref<10000x32xf32, #tpu.memory_space<vmem_shared>> -> memref<10000x32xf32, #tpu.memory_space<vmem_shared>>
      tpu.enqueue_indirect_dma source(%dma_start3A_210 : memref<40x32xf32, #tpu.memory_space<vmem>>) target(%dma_start3A_216 : memref<10000x32xf32, #tpu.memory_space<vmem_shared>>) offsets(%dma_start3A_213 : memref<40xi32, #tpu.memory_space<vmem>>) semaphore(%arg20 : memref<!tpu.dma_semaphore, #tpu.memory_space<semaphore_mem>>) {add = true}
      %ge3A_217 = arith.constant 1 : i32
      %ge3A_218 = arith.cmpi sge, %add3A_186, %ge3A_217 : i32
      %convert_element_type3A_219 = arith.extui %ge3A_218 : i1 to i32
      %cond3A_220 = arith.constant 0 : i32
      %cond3A_221 = arith.cmpi ne, %convert_element_type3A_219, %cond3A_220 : i32
      scf.if %cond3A_221 {
        %dma_wait3A_275 = arith.constant 0 : i32
        %dma_wait3A_276 = arith.constant 40 : i32
        %dma_wait3A_277 = arith.constant 0 : i32
        %dma_wait3A_278 = tpu.memref_slice %arg11[%dma_wait3A_276, %dma_wait3A_277] : memref<160x32xf32, #tpu.memory_space<vmem>> -> memref<40x32xf32, #tpu.memory_space<vmem>>
        %dma_wait3A_279 = arith.constant 0 : i32
        %dma_wait3A_280 = tpu.memref_slice %arg10[%dma_wait3A_275, %dma_wait3A_279] : memref<4x40xi32, #tpu.memory_space<vmem>> -> memref<1x40xi32, #tpu.memory_space<vmem>>
        %dma_wait3A_281 = tpu.memref_squeeze %dma_wait3A_280 : memref<1x40xi32, #tpu.memory_space<vmem>> -> memref<40xi32, #tpu.memory_space<vmem>>
        %dma_wait3A_282 = arith.constant 0 : i32
        %dma_wait3A_283 = arith.constant 0 : i32
        %dma_wait3A_284 = tpu.memref_slice %arg13[%dma_wait3A_282, %dma_wait3A_283] : memref<10000x32xf32, #tpu.memory_space<vmem_shared>> -> memref<10000x32xf32, #tpu.memory_space<vmem_shared>>
        tpu.wait_indirect_dma semaphore(%arg19 : memref<!tpu.dma_semaphore, #tpu.memory_space<semaphore_mem>>) src(%dma_wait3A_278 : memref<40x32xf32, #tpu.memory_space<vmem>>) dst(%dma_wait3A_284 : memref<10000x32xf32, #tpu.memory_space<vmem_shared>>)
      } else {
      }
      %add3A_222 = arith.constant 3 : i32
      %add3A_223 = arith.addi %add3A_186, %add3A_222 : i32
      %lt3A_224 = arith.constant 500 : i32
      %lt3A_225 = arith.cmpi slt, %add3A_223, %lt3A_224 : i32
      %convert_element_type3A_226 = arith.extui %lt3A_225 : i1 to i32
      %cond3A_227 = arith.constant 0 : i32
      %cond3A_228 = arith.cmpi ne, %convert_element_type3A_226, %cond3A_227 : i32
      scf.if %cond3A_228 {
        %add3A_275 = arith.constant 3 : i32
        %add3A_276 = arith.addi %add3A_186, %add3A_275 : i32
        %add3A_277 = arith.addi %mul3A_2, %add3A_276 : i32
        %dma_start3A_278 = arith.constant 1 : i32
        %dma_start3A_279 = arith.constant 0 : i32
        %dma_start3A_280 = tpu.memref_slice %arg10[%dma_start3A_278, %dma_start3A_279] : memref<4x40xi32, #tpu.memory_space<vmem>> -> memref<1x40xi32, #tpu.memory_space<vmem>>
        %dma_start3A_281 = arith.constant 0 : i32
        %dma_start3A_282 = tpu.memref_slice %arg4[%add3A_277, %dma_start3A_281] : memref<8000x40xi32, #tpu.memory_space<hbm>> -> memref<1x40xi32, #tpu.memory_space<hbm>>
        %dma_start3A_283 = arith.constant 1 : i32
        %dma_start3A_284 = arith.constant 0 : i32
        %dma_start3A_285 = tpu.memref_slice %arg10[%dma_start3A_283, %dma_start3A_284] : memref<4x40xi32, #tpu.memory_space<vmem>> -> memref<1x40xi32, #tpu.memory_space<vmem>>
        %dma_start3A_286 = arith.constant 0 : i32
        %dma_start3A_287 = tpu.memref_slice %arg4[%add3A_277, %dma_start3A_286] : memref<8000x40xi32, #tpu.memory_space<hbm>> -> memref<1x40xi32, #tpu.memory_space<hbm>>
        tpu.enqueue_dma source(%dma_start3A_287 : memref<1x40xi32, #tpu.memory_space<hbm>>) target(%dma_start3A_285 : memref<1x40xi32, #tpu.memory_space<vmem>>) target_semaphore(%arg23 : memref<!tpu.dma_semaphore, #tpu.memory_space<semaphore_mem>>)
        %add3A_288 = arith.constant 3 : i32
        %add3A_289 = arith.addi %add3A_186, %add3A_288 : i32
        %dma_start3A_290 = arith.constant 40 : i32
        %dma_start3A_291 = arith.constant 0 : i32
        %dma_start3A_292 = tpu.memref_slice %arg11[%dma_start3A_290, %dma_start3A_291] : memref<160x32xf32, #tpu.memory_space<vmem>> -> memref<40x32xf32, #tpu.memory_space<vmem>>
        %dma_start3A_293 = arith.constant 0 : i32
        %dma_start3A_294 = tpu.memref_slice %arg9[%add3A_289, %dma_start3A_293] : memref<500x40xi32, #tpu.memory_space<vmem>> -> memref<1x40xi32, #tpu.memory_space<vmem>>
        %dma_start3A_295 = tpu.memref_squeeze %dma_start3A_294 : memref<1x40xi32, #tpu.memory_space<vmem>> -> memref<40xi32, #tpu.memory_space<vmem>>
        %dma_start3A_296 = arith.constant 0 : i32
        %dma_start3A_297 = arith.constant 0 : i32
        %dma_start3A_298 = tpu.memref_slice %arg2[%dma_start3A_296, %dma_start3A_297] : memref<20000x32xf32, #tpu.memory_space<hbm>> -> memref<20000x32xf32, #tpu.memory_space<hbm>>
        tpu.enqueue_indirect_dma source(%dma_start3A_298 : memref<20000x32xf32, #tpu.memory_space<hbm>>) target(%dma_start3A_292 : memref<40x32xf32, #tpu.memory_space<vmem>>) offsets(%dma_start3A_295 : memref<40xi32, #tpu.memory_space<vmem>>) semaphore(%arg15 : memref<!tpu.dma_semaphore, #tpu.memory_space<semaphore_mem>>)
      } else {
      }
      %mul3A_229 = arith.constant 4 : i32
      %mul3A_230 = arith.muli %scan3A_94, %mul3A_229 : i32
      %add3A_231 = arith.constant 3 : i32
      %add3A_232 = arith.addi %mul3A_230, %add3A_231 : i32
      %dma_wait3A_233 = arith.constant 0 : i32
      %dma_wait3A_234 = arith.constant 120 : i32
      %dma_wait3A_235 = arith.constant 0 : i32
      %dma_wait3A_236 = tpu.memref_slice %arg11[%dma_wait3A_234, %dma_wait3A_235] : memref<160x32xf32, #tpu.memory_space<vmem>> -> memref<40x32xf32, #tpu.memory_space<vmem>>
      %dma_wait3A_237 = arith.constant 0 : i32
      %dma_wait3A_238 = tpu.memref_slice %arg9[%dma_wait3A_233, %dma_wait3A_237] : memref<500x40xi32, #tpu.memory_space<vmem>> -> memref<1x40xi32, #tpu.memory_space<vmem>>
      %dma_wait3A_239 = tpu.memref_squeeze %dma_wait3A_238 : memref<1x40xi32, #tpu.memory_space<vmem>> -> memref<40xi32, #tpu.memory_space<vmem>>
      %dma_wait3A_240 = arith.constant 0 : i32
      %dma_wait3A_241 = arith.constant 0 : i32
      %dma_wait3A_242 = tpu.memref_slice %arg2[%dma_wait3A_240, %dma_wait3A_241] : memref<20000x32xf32, #tpu.memory_space<hbm>> -> memref<20000x32xf32, #tpu.memory_space<hbm>>
      tpu.wait_indirect_dma semaphore(%arg17 : memref<!tpu.dma_semaphore, #tpu.memory_space<semaphore_mem>>) src(%dma_wait3A_242 : memref<20000x32xf32, #tpu.memory_space<hbm>>) dst(%dma_wait3A_236 : memref<40x32xf32, #tpu.memory_space<vmem>>)
      %dma_wait3A_243 = arith.constant 3 : i32
      %dma_wait3A_244 = arith.constant 0 : i32
      %dma_wait3A_245 = tpu.memref_slice %arg10[%dma_wait3A_243, %dma_wait3A_244] : memref<4x40xi32, #tpu.memory_space<vmem>> -> memref<1x40xi32, #tpu.memory_space<vmem>>
      %dma_wait3A_246 = arith.constant 0 : i32
      %dma_wait3A_247 = tpu.memref_slice %arg4[%mul3A_2, %dma_wait3A_246] : memref<8000x40xi32, #tpu.memory_space<hbm>> -> memref<1x40xi32, #tpu.memory_space<hbm>>
      %dma_wait3A_248 = arith.constant 3 : i32
      %dma_wait3A_249 = arith.constant 0 : i32
      %dma_wait3A_250 = tpu.memref_slice %arg10[%dma_wait3A_248, %dma_wait3A_249] : memref<4x40xi32, #tpu.memory_space<vmem>> -> memref<1x40xi32, #tpu.memory_space<vmem>>
      %dma_wait3A_251 = arith.constant 0 : i32
      %dma_wait3A_252 = tpu.memref_slice %arg4[%mul3A_2, %dma_wait3A_251] : memref<8000x40xi32, #tpu.memory_space<hbm>> -> memref<1x40xi32, #tpu.memory_space<hbm>>
      tpu.wait_dma2 semaphore(%arg25 : memref<!tpu.dma_semaphore, #tpu.memory_space<semaphore_mem>>) src(%dma_wait3A_252 : memref<1x40xi32, #tpu.memory_space<hbm>>) dst(%dma_wait3A_250 : memref<1x40xi32, #tpu.memory_space<vmem>>)
      %dma_start3A_253 = arith.constant 3 : i32
      %dma_start3A_254 = arith.constant 120 : i32
      %dma_start3A_255 = arith.constant 0 : i32
      %dma_start3A_256 = tpu.memref_slice %arg11[%dma_start3A_254, %dma_start3A_255] : memref<160x32xf32, #tpu.memory_space<vmem>> -> memref<40x32xf32, #tpu.memory_space<vmem>>
      %dma_start3A_257 = arith.constant 0 : i32
      %dma_start3A_258 = tpu.memref_slice %arg10[%dma_start3A_253, %dma_start3A_257] : memref<4x40xi32, #tpu.memory_space<vmem>> -> memref<1x40xi32, #tpu.memory_space<vmem>>
      %dma_start3A_259 = tpu.memref_squeeze %dma_start3A_258 : memref<1x40xi32, #tpu.memory_space<vmem>> -> memref<40xi32, #tpu.memory_space<vmem>>
      %dma_start3A_260 = arith.constant 0 : i32
      %dma_start3A_261 = arith.constant 0 : i32
      %dma_start3A_262 = tpu.memref_slice %arg13[%dma_start3A_260, %dma_start3A_261] : memref<10000x32xf32, #tpu.memory_space<vmem_shared>> -> memref<10000x32xf32, #tpu.memory_space<vmem_shared>>
      tpu.enqueue_indirect_dma source(%dma_start3A_256 : memref<40x32xf32, #tpu.memory_space<vmem>>) target(%dma_start3A_262 : memref<10000x32xf32, #tpu.memory_space<vmem_shared>>) offsets(%dma_start3A_259 : memref<40xi32, #tpu.memory_space<vmem>>) semaphore(%arg21 : memref<!tpu.dma_semaphore, #tpu.memory_space<semaphore_mem>>) {add = true}
      %ge3A_263 = arith.constant 1 : i32
      %ge3A_264 = arith.cmpi sge, %add3A_232, %ge3A_263 : i32
      %convert_element_type3A_265 = arith.extui %ge3A_264 : i1 to i32
      %cond3A_266 = arith.constant 0 : i32
      %cond3A_267 = arith.cmpi ne, %convert_element_type3A_265, %cond3A_266 : i32
      scf.if %cond3A_267 {
        %dma_wait3A_275 = arith.constant 0 : i32
        %dma_wait3A_276 = arith.constant 80 : i32
        %dma_wait3A_277 = arith.constant 0 : i32
        %dma_wait3A_278 = tpu.memref_slice %arg11[%dma_wait3A_276, %dma_wait3A_277] : memref<160x32xf32, #tpu.memory_space<vmem>> -> memref<40x32xf32, #tpu.memory_space<vmem>>
        %dma_wait3A_279 = arith.constant 0 : i32
        %dma_wait3A_280 = tpu.memref_slice %arg10[%dma_wait3A_275, %dma_wait3A_279] : memref<4x40xi32, #tpu.memory_space<vmem>> -> memref<1x40xi32, #tpu.memory_space<vmem>>
        %dma_wait3A_281 = tpu.memref_squeeze %dma_wait3A_280 : memref<1x40xi32, #tpu.memory_space<vmem>> -> memref<40xi32, #tpu.memory_space<vmem>>
        %dma_wait3A_282 = arith.constant 0 : i32
        %dma_wait3A_283 = arith.constant 0 : i32
        %dma_wait3A_284 = tpu.memref_slice %arg13[%dma_wait3A_282, %dma_wait3A_283] : memref<10000x32xf32, #tpu.memory_space<vmem_shared>> -> memref<10000x32xf32, #tpu.memory_space<vmem_shared>>
        tpu.wait_indirect_dma semaphore(%arg20 : memref<!tpu.dma_semaphore, #tpu.memory_space<semaphore_mem>>) src(%dma_wait3A_278 : memref<40x32xf32, #tpu.memory_space<vmem>>) dst(%dma_wait3A_284 : memref<10000x32xf32, #tpu.memory_space<vmem_shared>>)
      } else {
      }
      %add3A_268 = arith.constant 3 : i32
      %add3A_269 = arith.addi %add3A_232, %add3A_268 : i32
      %lt3A_270 = arith.constant 500 : i32
      %lt3A_271 = arith.cmpi slt, %add3A_269, %lt3A_270 : i32
      %convert_element_type3A_272 = arith.extui %lt3A_271 : i1 to i32
      %cond3A_273 = arith.constant 0 : i32
      %cond3A_274 = arith.cmpi ne, %convert_element_type3A_272, %cond3A_273 : i32
      scf.if %cond3A_274 {
        %add3A_275 = arith.constant 3 : i32
        %add3A_276 = arith.addi %add3A_232, %add3A_275 : i32
        %add3A_277 = arith.addi %mul3A_2, %add3A_276 : i32
        %dma_start3A_278 = arith.constant 2 : i32
        %dma_start3A_279 = arith.constant 0 : i32
        %dma_start3A_280 = tpu.memref_slice %arg10[%dma_start3A_278, %dma_start3A_279] : memref<4x40xi32, #tpu.memory_space<vmem>> -> memref<1x40xi32, #tpu.memory_space<vmem>>
        %dma_start3A_281 = arith.constant 0 : i32
        %dma_start3A_282 = tpu.memref_slice %arg4[%add3A_277, %dma_start3A_281] : memref<8000x40xi32, #tpu.memory_space<hbm>> -> memref<1x40xi32, #tpu.memory_space<hbm>>
        %dma_start3A_283 = arith.constant 2 : i32
        %dma_start3A_284 = arith.constant 0 : i32
        %dma_start3A_285 = tpu.memref_slice %arg10[%dma_start3A_283, %dma_start3A_284] : memref<4x40xi32, #tpu.memory_space<vmem>> -> memref<1x40xi32, #tpu.memory_space<vmem>>
        %dma_start3A_286 = arith.constant 0 : i32
        %dma_start3A_287 = tpu.memref_slice %arg4[%add3A_277, %dma_start3A_286] : memref<8000x40xi32, #tpu.memory_space<hbm>> -> memref<1x40xi32, #tpu.memory_space<hbm>>
        tpu.enqueue_dma source(%dma_start3A_287 : memref<1x40xi32, #tpu.memory_space<hbm>>) target(%dma_start3A_285 : memref<1x40xi32, #tpu.memory_space<vmem>>) target_semaphore(%arg24 : memref<!tpu.dma_semaphore, #tpu.memory_space<semaphore_mem>>)
        %add3A_288 = arith.constant 3 : i32
        %add3A_289 = arith.addi %add3A_232, %add3A_288 : i32
        %dma_start3A_290 = arith.constant 80 : i32
        %dma_start3A_291 = arith.constant 0 : i32
        %dma_start3A_292 = tpu.memref_slice %arg11[%dma_start3A_290, %dma_start3A_291] : memref<160x32xf32, #tpu.memory_space<vmem>> -> memref<40x32xf32, #tpu.memory_space<vmem>>
        %dma_start3A_293 = arith.constant 0 : i32
        %dma_start3A_294 = tpu.memref_slice %arg9[%add3A_289, %dma_start3A_293] : memref<500x40xi32, #tpu.memory_space<vmem>> -> memref<1x40xi32, #tpu.memory_space<vmem>>
        %dma_start3A_295 = tpu.memref_squeeze %dma_start3A_294 : memref<1x40xi32, #tpu.memory_space<vmem>> -> memref<40xi32, #tpu.memory_space<vmem>>
        %dma_start3A_296 = arith.constant 0 : i32
        %dma_start3A_297 = arith.constant 0 : i32
        %dma_start3A_298 = tpu.memref_slice %arg2[%dma_start3A_296, %dma_start3A_297] : memref<20000x32xf32, #tpu.memory_space<hbm>> -> memref<20000x32xf32, #tpu.memory_space<hbm>>
        tpu.enqueue_indirect_dma source(%dma_start3A_298 : memref<20000x32xf32, #tpu.memory_space<hbm>>) target(%dma_start3A_292 : memref<40x32xf32, #tpu.memory_space<vmem>>) offsets(%dma_start3A_295 : memref<40xi32, #tpu.memory_space<vmem>>) semaphore(%arg16 : memref<!tpu.dma_semaphore, #tpu.memory_space<semaphore_mem>>)
      } else {
      }
    }
    %scan3A_82 = arith.constant 125 : i32
    %dma_wait3A_83 = arith.constant 0 : i32
    %dma_wait3A_84 = arith.constant 120 : i32
    %dma_wait3A_85 = arith.constant 0 : i32
    %dma_wait3A_86 = tpu.memref_slice %arg11[%dma_wait3A_84, %dma_wait3A_85] : memref<160x32xf32, #tpu.memory_space<vmem>> -> memref<40x32xf32, #tpu.memory_space<vmem>>
    %dma_wait3A_87 = arith.constant 0 : i32
    %dma_wait3A_88 = tpu.memref_slice %arg10[%dma_wait3A_83, %dma_wait3A_87] : memref<4x40xi32, #tpu.memory_space<vmem>> -> memref<1x40xi32, #tpu.memory_space<vmem>>
    %dma_wait3A_89 = tpu.memref_squeeze %dma_wait3A_88 : memref<1x40xi32, #tpu.memory_space<vmem>> -> memref<40xi32, #tpu.memory_space<vmem>>
    %dma_wait3A_90 = arith.constant 0 : i32
    %dma_wait3A_91 = arith.constant 0 : i32
    %dma_wait3A_92 = tpu.memref_slice %arg13[%dma_wait3A_90, %dma_wait3A_91] : memref<10000x32xf32, #tpu.memory_space<vmem_shared>> -> memref<10000x32xf32, #tpu.memory_space<vmem_shared>>
    tpu.wait_indirect_dma semaphore(%arg21 : memref<!tpu.dma_semaphore, #tpu.memory_space<semaphore_mem>>) src(%dma_wait3A_86 : memref<40x32xf32, #tpu.memory_space<vmem>>) dst(%dma_wait3A_92 : memref<10000x32xf32, #tpu.memory_space<vmem_shared>>)
    %barrier3A_93 = arith.constant 0 : index
    tpu.barrier barrier_id(%barrier3A_93)
    "tpu.region"() ({
      %run_scoped3A = tpu.sem_alloc : memref<!tpu.dma_semaphore, #tpu.memory_space<semaphore_mem>>
      %dma_start3A_94 = arith.constant 0 : i32
      %dma_start3A_95 = tpu.memref_slice %arg13[%mul3A_0, %dma_start3A_94] : memref<10000x32xf32, #tpu.memory_space<vmem_shared>> -> memref<625x32xf32, #tpu.memory_space<vmem_shared>>
      %dma_start3A_96 = arith.constant 0 : i32
      %dma_start3A_97 = tpu.memref_slice %arg13[%mul3A_0, %dma_start3A_96] : memref<10000x32xf32, #tpu.memory_space<vmem_shared>> -> memref<625x32xf32, #tpu.memory_space<vmem_shared>>
      tpu.enqueue_dma source(%dma_start3A_97 : memref<625x32xf32, #tpu.memory_space<vmem_shared>>) target(%arg12 : memref<625x32xf32, #tpu.memory_space<vmem>>) target_semaphore(%run_scoped3A : memref<!tpu.dma_semaphore, #tpu.memory_space<semaphore_mem>>)
      %dma_wait3A_98 = arith.constant 0 : i32
      %dma_wait3A_99 = tpu.memref_slice %arg13[%mul3A_0, %dma_wait3A_98] : memref<10000x32xf32, #tpu.memory_space<vmem_shared>> -> memref<625x32xf32, #tpu.memory_space<vmem_shared>>
      %dma_wait3A_100 = arith.constant 0 : i32
      %dma_wait3A_101 = tpu.memref_slice %arg13[%mul3A_0, %dma_wait3A_100] : memref<10000x32xf32, #tpu.memory_space<vmem_shared>> -> memref<625x32xf32, #tpu.memory_space<vmem_shared>>
      tpu.wait_dma2 semaphore(%run_scoped3A : memref<!tpu.dma_semaphore, #tpu.memory_space<semaphore_mem>>) src(%dma_wait3A_101 : memref<625x32xf32, #tpu.memory_space<vmem_shared>>) dst(%arg12 : memref<625x32xf32, #tpu.memory_space<vmem>>)
      tpu.yield
    }) : () -> ()
    "tpu.region"() ({
      %run_scoped3A = tpu.sem_alloc : memref<!tpu.dma_semaphore, #tpu.memory_space<semaphore_mem>>
      %dma_start3A_94 = arith.constant 0 : i32
      %dma_start3A_95 = tpu.memref_slice %arg8[%arg0, %mul3A_0, %dma_start3A_94] : memref<2x10000x32xf32, #tpu.memory_space<hbm>> -> memref<1x625x32xf32, #tpu.memory_space<hbm>>
      %dma_start3A_96 = tpu.memref_squeeze %dma_start3A_95 : memref<1x625x32xf32, #tpu.memory_space<hbm>> -> memref<625x32xf32, #tpu.memory_space<hbm>>
      %dma_start3A_97 = arith.constant 0 : i32
      %dma_start3A_98 = tpu.memref_slice %arg8[%arg0, %mul3A_0, %dma_start3A_97] : memref<2x10000x32xf32, #tpu.memory_space<hbm>> -> memref<1x625x32xf32, #tpu.memory_space<hbm>>
      %dma_start3A_99 = tpu.memref_squeeze %dma_start3A_98 : memref<1x625x32xf32, #tpu.memory_space<hbm>> -> memref<625x32xf32, #tpu.memory_space<hbm>>
      tpu.enqueue_dma source(%arg12 : memref<625x32xf32, #tpu.memory_space<vmem>>) target(%dma_start3A_99 : memref<625x32xf32, #tpu.memory_space<hbm>>) target_semaphore(%run_scoped3A : memref<!tpu.dma_semaphore, #tpu.memory_space<semaphore_mem>>)
      %dma_wait3A_100 = arith.constant 0 : i32
      %dma_wait3A_101 = tpu.memref_slice %arg8[%arg0, %mul3A_0, %dma_wait3A_100] : memref<2x10000x32xf32, #tpu.memory_space<hbm>> -> memref<1x625x32xf32, #tpu.memory_space<hbm>>
      %dma_wait3A_102 = tpu.memref_squeeze %dma_wait3A_101 : memref<1x625x32xf32, #tpu.memory_space<hbm>> -> memref<625x32xf32, #tpu.memory_space<hbm>>
      %dma_wait3A_103 = arith.constant 0 : i32
      %dma_wait3A_104 = tpu.memref_slice %arg8[%arg0, %mul3A_0, %dma_wait3A_103] : memref<2x10000x32xf32, #tpu.memory_space<hbm>> -> memref<1x625x32xf32, #tpu.memory_space<hbm>>
      %dma_wait3A_105 = tpu.memref_squeeze %dma_wait3A_104 : memref<1x625x32xf32, #tpu.memory_space<hbm>> -> memref<625x32xf32, #tpu.memory_space<hbm>>
      tpu.wait_dma2 semaphore(%run_scoped3A : memref<!tpu.dma_semaphore, #tpu.memory_space<semaphore_mem>>) src(%arg12 : memref<625x32xf32, #tpu.memory_space<vmem>>) dst(%dma_wait3A_105 : memref<625x32xf32, #tpu.memory_space<hbm>>)
      tpu.yield
    }) : () -> ()
    return
  }
}

#map = affine_map<(d0, d1) -> (0, 0)>
#map1 = affine_map<(d0, d1) -> (0, 0, 0)>
module attributes {stable_mosaic.version = 14 : i64} {
  func.func @body(%arg0: i32, %arg1: i32, %arg2: memref<20000x64xf32, #tpu.memory_space<hbm>>, %arg3: memref<2x8000x40xi32, #tpu.memory_space<hbm>>, %arg4: memref<8000x40xi32, #tpu.memory_space<hbm>>, %arg5: memref<625x64xf32, #tpu.memory_space<hbm>>, %arg6: memref<625x16xf32, #tpu.memory_space<hbm>>, %arg7: memref<40x16xf32, #tpu.memory_space<hbm>>, %arg8: memref<2x10000x64xf32, #tpu.memory_space<hbm>>, %arg9: memref<500x40xi32, #tpu.memory_space<vmem>>, %arg10: memref<4x40xi32, #tpu.memory_space<vmem>>, %arg11: memref<160x64xf32, #tpu.memory_space<vmem>>, %arg12: memref<625x64xf32, #tpu.memory_space<vmem>>, %arg13: memref<10000x64xf32, #tpu.memory_space<vmem_shared>>, %arg14: memref<!tpu.dma_semaphore, #tpu.memory_space<semaphore_mem>>, %arg15: memref<!tpu.dma_semaphore, #tpu.memory_space<semaphore_mem>>, %arg16: memref<!tpu.dma_semaphore, #tpu.memory_space<semaphore_mem>>, %arg17: memref<!tpu.dma_semaphore, #tpu.memory_space<semaphore_mem>>, %arg18: memref<!tpu.dma_semaphore, #tpu.memory_space<semaphore_mem>>, %arg19: memref<!tpu.dma_semaphore, #tpu.memory_space<semaphore_mem>>, %arg20: memref<!tpu.dma_semaphore, #tpu.memory_space<semaphore_mem>>, %arg21: memref<!tpu.dma_semaphore, #tpu.memory_space<semaphore_mem>>, %arg22: memref<!tpu.dma_semaphore, #tpu.memory_space<semaphore_mem>>, %arg23: memref<!tpu.dma_semaphore, #tpu.memory_space<semaphore_mem>>, %arg24: memref<!tpu.dma_semaphore, #tpu.memory_space<semaphore_mem>>, %arg25: memref<!tpu.dma_semaphore, #tpu.memory_space<semaphore_mem>>, %arg26: memref<!tpu.dma_semaphore, #tpu.memory_space<semaphore_mem>>) attributes {dimension_semantics = [#tpu.dimension_semantics<core_parallel>, #tpu.dimension_semantics<subcore_parallel>], iteration_bounds = array<i64: 2, 16>, scalar_prefetch = 0 : i64, scratch_operands = 18 : i64, tpu.core_type = #tpu.core_type<sc_vector_subcore>, window_params = [{transform_indices = #map}, {transform_indices = #map1}, {transform_indices = #map}, {transform_indices = #map}, {transform_indices = #map}, {transform_indices = #map}, {transform_indices = #map1}]} {
    %mul3A = arith.constant 625 : i32
    %mul3A_0 = arith.muli %arg1, %mul3A : i32
    %mul3A_1 = arith.constant 500 : i32
    %mul3A_2 = arith.muli %arg1, %mul3A_1 : i32
    %dma_start3A = arith.constant 0 : i32
    %dma_start3A_3 = tpu.memref_slice %arg3[%arg0, %mul3A_2, %dma_start3A] : memref<2x8000x40xi32, #tpu.memory_space<hbm>> -> memref<1x500x40xi32, #tpu.memory_space<hbm>>
    %dma_start3A_4 = tpu.memref_squeeze %dma_start3A_3 : memref<1x500x40xi32, #tpu.memory_space<hbm>> -> memref<500x40xi32, #tpu.memory_space<hbm>>
    %dma_start3A_5 = arith.constant 0 : i32
    %dma_start3A_6 = tpu.memref_slice %arg3[%arg0, %mul3A_2, %dma_start3A_5] : memref<2x8000x40xi32, #tpu.memory_space<hbm>> -> memref<1x500x40xi32, #tpu.memory_space<hbm>>
    %dma_start3A_7 = tpu.memref_squeeze %dma_start3A_6 : memref<1x500x40xi32, #tpu.memory_space<hbm>> -> memref<500x40xi32, #tpu.memory_space<hbm>>
    tpu.enqueue_dma source(%dma_start3A_7 : memref<500x40xi32, #tpu.memory_space<hbm>>) target(%arg9 : memref<500x40xi32, #tpu.memory_space<vmem>>) target_semaphore(%arg26 : memref<!tpu.dma_semaphore, #tpu.memory_space<semaphore_mem>>)
    "tpu.region"() ({
      %run_scoped3A = tpu.sem_alloc : memref<!tpu.dma_semaphore, #tpu.memory_space<semaphore_mem>>
      tpu.enqueue_dma source(%arg5 : memref<625x64xf32, #tpu.memory_space<hbm>>) target(%arg12 : memref<625x64xf32, #tpu.memory_space<vmem>>) target_semaphore(%run_scoped3A : memref<!tpu.dma_semaphore, #tpu.memory_space<semaphore_mem>>)
      tpu.wait_dma2 semaphore(%run_scoped3A : memref<!tpu.dma_semaphore, #tpu.memory_space<semaphore_mem>>) src(%arg5 : memref<625x64xf32, #tpu.memory_space<hbm>>) dst(%arg12 : memref<625x64xf32, #tpu.memory_space<vmem>>)
      tpu.yield
    }) : () -> ()
    "tpu.region"() ({
      %run_scoped3A = tpu.sem_alloc : memref<!tpu.dma_semaphore, #tpu.memory_space<semaphore_mem>>
      %dma_start3A_94 = arith.constant 0 : i32
      %dma_start3A_95 = tpu.memref_slice %arg13[%mul3A_0, %dma_start3A_94] : memref<10000x64xf32, #tpu.memory_space<vmem_shared>> -> memref<625x64xf32, #tpu.memory_space<vmem_shared>>
      %dma_start3A_96 = arith.constant 0 : i32
      %dma_start3A_97 = tpu.memref_slice %arg13[%mul3A_0, %dma_start3A_96] : memref<10000x64xf32, #tpu.memory_space<vmem_shared>> -> memref<625x64xf32, #tpu.memory_space<vmem_shared>>
      tpu.enqueue_dma source(%arg12 : memref<625x64xf32, #tpu.memory_space<vmem>>) target(%dma_start3A_97 : memref<625x64xf32, #tpu.memory_space<vmem_shared>>) target_semaphore(%run_scoped3A : memref<!tpu.dma_semaphore, #tpu.memory_space<semaphore_mem>>)
      %dma_wait3A_98 = arith.constant 0 : i32
      %dma_wait3A_99 = tpu.memref_slice %arg13[%mul3A_0, %dma_wait3A_98] : memref<10000x64xf32, #tpu.memory_space<vmem_shared>> -> memref<625x64xf32, #tpu.memory_space<vmem_shared>>
      %dma_wait3A_100 = arith.constant 0 : i32
      %dma_wait3A_101 = tpu.memref_slice %arg13[%mul3A_0, %dma_wait3A_100] : memref<10000x64xf32, #tpu.memory_space<vmem_shared>> -> memref<625x64xf32, #tpu.memory_space<vmem_shared>>
      tpu.wait_dma2 semaphore(%run_scoped3A : memref<!tpu.dma_semaphore, #tpu.memory_space<semaphore_mem>>) src(%arg12 : memref<625x64xf32, #tpu.memory_space<vmem>>) dst(%dma_wait3A_101 : memref<625x64xf32, #tpu.memory_space<vmem_shared>>)
      tpu.yield
    }) : () -> ()
    %dma_wait3A = arith.constant 0 : i32
    %dma_wait3A_8 = tpu.memref_slice %arg3[%arg0, %mul3A_2, %dma_wait3A] : memref<2x8000x40xi32, #tpu.memory_space<hbm>> -> memref<1x500x40xi32, #tpu.memory_space<hbm>>
    %dma_wait3A_9 = tpu.memref_squeeze %dma_wait3A_8 : memref<1x500x40xi32, #tpu.memory_space<hbm>> -> memref<500x40xi32, #tpu.memory_space<hbm>>
    %dma_wait3A_10 = arith.constant 0 : i32
    %dma_wait3A_11 = tpu.memref_slice %arg3[%arg0, %mul3A_2, %dma_wait3A_10] : memref<2x8000x40xi32, #tpu.memory_space<hbm>> -> memref<1x500x40xi32, #tpu.memory_space<hbm>>
    %dma_wait3A_12 = tpu.memref_squeeze %dma_wait3A_11 : memref<1x500x40xi32, #tpu.memory_space<hbm>> -> memref<500x40xi32, #tpu.memory_space<hbm>>
    tpu.wait_dma2 semaphore(%arg26 : memref<!tpu.dma_semaphore, #tpu.memory_space<semaphore_mem>>) src(%dma_wait3A_12 : memref<500x40xi32, #tpu.memory_space<hbm>>) dst(%arg9 : memref<500x40xi32, #tpu.memory_space<vmem>>)
    %barrier3A = arith.constant 0 : index
    tpu.barrier barrier_id(%barrier3A)
    %add3A = arith.constant 0 : i32
    %add3A_13 = arith.addi %mul3A_2, %add3A : i32
    %dma_start3A_14 = arith.constant 0 : i32
    %dma_start3A_15 = arith.constant 0 : i32
    %dma_start3A_16 = tpu.memref_slice %arg10[%dma_start3A_14, %dma_start3A_15] : memref<4x40xi32, #tpu.memory_space<vmem>> -> memref<1x40xi32, #tpu.memory_space<vmem>>
    %dma_start3A_17 = arith.constant 0 : i32
    %dma_start3A_18 = tpu.memref_slice %arg4[%add3A_13, %dma_start3A_17] : memref<8000x40xi32, #tpu.memory_space<hbm>> -> memref<1x40xi32, #tpu.memory_space<hbm>>
    %dma_start3A_19 = arith.constant 0 : i32
    %dma_start3A_20 = arith.constant 0 : i32
    %dma_start3A_21 = tpu.memref_slice %arg10[%dma_start3A_19, %dma_start3A_20] : memref<4x40xi32, #tpu.memory_space<vmem>> -> memref<1x40xi32, #tpu.memory_space<vmem>>
    %dma_start3A_22 = arith.constant 0 : i32
    %dma_start3A_23 = tpu.memref_slice %arg4[%add3A_13, %dma_start3A_22] : memref<8000x40xi32, #tpu.memory_space<hbm>> -> memref<1x40xi32, #tpu.memory_space<hbm>>
    tpu.enqueue_dma source(%dma_start3A_23 : memref<1x40xi32, #tpu.memory_space<hbm>>) target(%dma_start3A_21 : memref<1x40xi32, #tpu.memory_space<vmem>>) target_semaphore(%arg22 : memref<!tpu.dma_semaphore, #tpu.memory_space<semaphore_mem>>)
    %dma_start3A_24 = arith.constant 0 : i32
    %dma_start3A_25 = arith.constant 0 : i32
    %dma_start3A_26 = arith.constant 0 : i32
    %dma_start3A_27 = tpu.memref_slice %arg11[%dma_start3A_25, %dma_start3A_26] : memref<160x64xf32, #tpu.memory_space<vmem>> -> memref<40x64xf32, #tpu.memory_space<vmem>>
    %dma_start3A_28 = arith.constant 0 : i32
    %dma_start3A_29 = tpu.memref_slice %arg9[%dma_start3A_24, %dma_start3A_28] : memref<500x40xi32, #tpu.memory_space<vmem>> -> memref<1x40xi32, #tpu.memory_space<vmem>>
    %dma_start3A_30 = tpu.memref_squeeze %dma_start3A_29 : memref<1x40xi32, #tpu.memory_space<vmem>> -> memref<40xi32, #tpu.memory_space<vmem>>
    %dma_start3A_31 = arith.constant 0 : i32
    %dma_start3A_32 = arith.constant 0 : i32
    %dma_start3A_33 = tpu.memref_slice %arg2[%dma_start3A_31, %dma_start3A_32] : memref<20000x64xf32, #tpu.memory_space<hbm>> -> memref<20000x64xf32, #tpu.memory_space<hbm>>
    tpu.enqueue_indirect_dma source(%dma_start3A_33 : memref<20000x64xf32, #tpu.memory_space<hbm>>) target(%dma_start3A_27 : memref<40x64xf32, #tpu.memory_space<vmem>>) offsets(%dma_start3A_30 : memref<40xi32, #tpu.memory_space<vmem>>) semaphore(%arg14 : memref<!tpu.dma_semaphore, #tpu.memory_space<semaphore_mem>>)
    %add3A_34 = arith.constant 1 : i32
    %add3A_35 = arith.addi %mul3A_2, %add3A_34 : i32
    %dma_start3A_36 = arith.constant 1 : i32
    %dma_start3A_37 = arith.constant 0 : i32
    %dma_start3A_38 = tpu.memref_slice %arg10[%dma_start3A_36, %dma_start3A_37] : memref<4x40xi32, #tpu.memory_space<vmem>> -> memref<1x40xi32, #tpu.memory_space<vmem>>
    %dma_start3A_39 = arith.constant 0 : i32
    %dma_start3A_40 = tpu.memref_slice %arg4[%add3A_35, %dma_start3A_39] : memref<8000x40xi32, #tpu.memory_space<hbm>> -> memref<1x40xi32, #tpu.memory_space<hbm>>
    %dma_start3A_41 = arith.constant 1 : i32
    %dma_start3A_42 = arith.constant 0 : i32
    %dma_start3A_43 = tpu.memref_slice %arg10[%dma_start3A_41, %dma_start3A_42] : memref<4x40xi32, #tpu.memory_space<vmem>> -> memref<1x40xi32, #tpu.memory_space<vmem>>
    %dma_start3A_44 = arith.constant 0 : i32
    %dma_start3A_45 = tpu.memref_slice %arg4[%add3A_35, %dma_start3A_44] : memref<8000x40xi32, #tpu.memory_space<hbm>> -> memref<1x40xi32, #tpu.memory_space<hbm>>
    tpu.enqueue_dma source(%dma_start3A_45 : memref<1x40xi32, #tpu.memory_space<hbm>>) target(%dma_start3A_43 : memref<1x40xi32, #tpu.memory_space<vmem>>) target_semaphore(%arg23 : memref<!tpu.dma_semaphore, #tpu.memory_space<semaphore_mem>>)
    %dma_start3A_46 = arith.constant 1 : i32
    %dma_start3A_47 = arith.constant 40 : i32
    %dma_start3A_48 = arith.constant 0 : i32
    %dma_start3A_49 = tpu.memref_slice %arg11[%dma_start3A_47, %dma_start3A_48] : memref<160x64xf32, #tpu.memory_space<vmem>> -> memref<40x64xf32, #tpu.memory_space<vmem>>
    %dma_start3A_50 = arith.constant 0 : i32
    %dma_start3A_51 = tpu.memref_slice %arg9[%dma_start3A_46, %dma_start3A_50] : memref<500x40xi32, #tpu.memory_space<vmem>> -> memref<1x40xi32, #tpu.memory_space<vmem>>
    %dma_start3A_52 = tpu.memref_squeeze %dma_start3A_51 : memref<1x40xi32, #tpu.memory_space<vmem>> -> memref<40xi32, #tpu.memory_space<vmem>>
    %dma_start3A_53 = arith.constant 0 : i32
    %dma_start3A_54 = arith.constant 0 : i32
    %dma_start3A_55 = tpu.memref_slice %arg2[%dma_start3A_53, %dma_start3A_54] : memref<20000x64xf32, #tpu.memory_space<hbm>> -> memref<20000x64xf32, #tpu.memory_space<hbm>>
    tpu.enqueue_indirect_dma source(%dma_start3A_55 : memref<20000x64xf32, #tpu.memory_space<hbm>>) target(%dma_start3A_49 : memref<40x64xf32, #tpu.memory_space<vmem>>) offsets(%dma_start3A_52 : memref<40xi32, #tpu.memory_space<vmem>>) semaphore(%arg15 : memref<!tpu.dma_semaphore, #tpu.memory_space<semaphore_mem>>)
    %add3A_56 = arith.constant 2 : i32
    %add3A_57 = arith.addi %mul3A_2, %add3A_56 : i32
    %dma_start3A_58 = arith.constant 2 : i32
    %dma_start3A_59 = arith.constant 0 : i32
    %dma_start3A_60 = tpu.memref_slice %arg10[%dma_start3A_58, %dma_start3A_59] : memref<4x40xi32, #tpu.memory_space<vmem>> -> memref<1x40xi32, #tpu.memory_space<vmem>>
    %dma_start3A_61 = arith.constant 0 : i32
    %dma_start3A_62 = tpu.memref_slice %arg4[%add3A_57, %dma_start3A_61] : memref<8000x40xi32, #tpu.memory_space<hbm>> -> memref<1x40xi32, #tpu.memory_space<hbm>>
    %dma_start3A_63 = arith.constant 2 : i32
    %dma_start3A_64 = arith.constant 0 : i32
    %dma_start3A_65 = tpu.memref_slice %arg10[%dma_start3A_63, %dma_start3A_64] : memref<4x40xi32, #tpu.memory_space<vmem>> -> memref<1x40xi32, #tpu.memory_space<vmem>>
    %dma_start3A_66 = arith.constant 0 : i32
    %dma_start3A_67 = tpu.memref_slice %arg4[%add3A_57, %dma_start3A_66] : memref<8000x40xi32, #tpu.memory_space<hbm>> -> memref<1x40xi32, #tpu.memory_space<hbm>>
    tpu.enqueue_dma source(%dma_start3A_67 : memref<1x40xi32, #tpu.memory_space<hbm>>) target(%dma_start3A_65 : memref<1x40xi32, #tpu.memory_space<vmem>>) target_semaphore(%arg24 : memref<!tpu.dma_semaphore, #tpu.memory_space<semaphore_mem>>)
    %dma_start3A_68 = arith.constant 2 : i32
    %dma_start3A_69 = arith.constant 80 : i32
    %dma_start3A_70 = arith.constant 0 : i32
    %dma_start3A_71 = tpu.memref_slice %arg11[%dma_start3A_69, %dma_start3A_70] : memref<160x64xf32, #tpu.memory_space<vmem>> -> memref<40x64xf32, #tpu.memory_space<vmem>>
    %dma_start3A_72 = arith.constant 0 : i32
    %dma_start3A_73 = tpu.memref_slice %arg9[%dma_start3A_68, %dma_start3A_72] : memref<500x40xi32, #tpu.memory_space<vmem>> -> memref<1x40xi32, #tpu.memory_space<vmem>>
    %dma_start3A_74 = tpu.memref_squeeze %dma_start3A_73 : memref<1x40xi32, #tpu.memory_space<vmem>> -> memref<40xi32, #tpu.memory_space<vmem>>
    %dma_start3A_75 = arith.constant 0 : i32
    %dma_start3A_76 = arith.constant 0 : i32
    %dma_start3A_77 = tpu.memref_slice %arg2[%dma_start3A_75, %dma_start3A_76] : memref<20000x64xf32, #tpu.memory_space<hbm>> -> memref<20000x64xf32, #tpu.memory_space<hbm>>
    tpu.enqueue_indirect_dma source(%dma_start3A_77 : memref<20000x64xf32, #tpu.memory_space<hbm>>) target(%dma_start3A_71 : memref<40x64xf32, #tpu.memory_space<vmem>>) offsets(%dma_start3A_74 : memref<40xi32, #tpu.memory_space<vmem>>) semaphore(%arg16 : memref<!tpu.dma_semaphore, #tpu.memory_space<semaphore_mem>>)
    %scan3A = arith.constant 0 : i32
    %scan3A_78 = arith.constant 0 : i32
    %scan3A_79 = arith.constant 125 : i32
    %scan3A_80 = arith.addi %scan3A_78, %scan3A_79 : i32
    %scan3A_81 = arith.constant 1 : i32
    scf.for %scan3A_94 = %scan3A_78 to %scan3A_80 step %scan3A_81  : i32 {
      %mul3A_95 = arith.constant 4 : i32
      %mul3A_96 = arith.muli %scan3A_94, %mul3A_95 : i32
      %add3A_97 = arith.constant 0 : i32
      %add3A_98 = arith.addi %mul3A_96, %add3A_97 : i32
      %dma_wait3A_99 = arith.constant 0 : i32
      %dma_wait3A_100 = arith.constant 0 : i32
      %dma_wait3A_101 = arith.constant 0 : i32
      %dma_wait3A_102 = tpu.memref_slice %arg11[%dma_wait3A_100, %dma_wait3A_101] : memref<160x64xf32, #tpu.memory_space<vmem>> -> memref<40x64xf32, #tpu.memory_space<vmem>>
      %dma_wait3A_103 = arith.constant 0 : i32
      %dma_wait3A_104 = tpu.memref_slice %arg9[%dma_wait3A_99, %dma_wait3A_103] : memref<500x40xi32, #tpu.memory_space<vmem>> -> memref<1x40xi32, #tpu.memory_space<vmem>>
      %dma_wait3A_105 = tpu.memref_squeeze %dma_wait3A_104 : memref<1x40xi32, #tpu.memory_space<vmem>> -> memref<40xi32, #tpu.memory_space<vmem>>
      %dma_wait3A_106 = arith.constant 0 : i32
      %dma_wait3A_107 = arith.constant 0 : i32
      %dma_wait3A_108 = tpu.memref_slice %arg2[%dma_wait3A_106, %dma_wait3A_107] : memref<20000x64xf32, #tpu.memory_space<hbm>> -> memref<20000x64xf32, #tpu.memory_space<hbm>>
      tpu.wait_indirect_dma semaphore(%arg14 : memref<!tpu.dma_semaphore, #tpu.memory_space<semaphore_mem>>) src(%dma_wait3A_108 : memref<20000x64xf32, #tpu.memory_space<hbm>>) dst(%dma_wait3A_102 : memref<40x64xf32, #tpu.memory_space<vmem>>)
      %dma_wait3A_109 = arith.constant 0 : i32
      %dma_wait3A_110 = arith.constant 0 : i32
      %dma_wait3A_111 = tpu.memref_slice %arg10[%dma_wait3A_109, %dma_wait3A_110] : memref<4x40xi32, #tpu.memory_space<vmem>> -> memref<1x40xi32, #tpu.memory_space<vmem>>
      %dma_wait3A_112 = arith.constant 0 : i32
      %dma_wait3A_113 = tpu.memref_slice %arg4[%mul3A_2, %dma_wait3A_112] : memref<8000x40xi32, #tpu.memory_space<hbm>> -> memref<1x40xi32, #tpu.memory_space<hbm>>
      %dma_wait3A_114 = arith.constant 0 : i32
      %dma_wait3A_115 = arith.constant 0 : i32
      %dma_wait3A_116 = tpu.memref_slice %arg10[%dma_wait3A_114, %dma_wait3A_115] : memref<4x40xi32, #tpu.memory_space<vmem>> -> memref<1x40xi32, #tpu.memory_space<vmem>>
      %dma_wait3A_117 = arith.constant 0 : i32
      %dma_wait3A_118 = tpu.memref_slice %arg4[%mul3A_2, %dma_wait3A_117] : memref<8000x40xi32, #tpu.memory_space<hbm>> -> memref<1x40xi32, #tpu.memory_space<hbm>>
      tpu.wait_dma2 semaphore(%arg22 : memref<!tpu.dma_semaphore, #tpu.memory_space<semaphore_mem>>) src(%dma_wait3A_118 : memref<1x40xi32, #tpu.memory_space<hbm>>) dst(%dma_wait3A_116 : memref<1x40xi32, #tpu.memory_space<vmem>>)
      %dma_start3A_119 = arith.constant 0 : i32
      %dma_start3A_120 = arith.constant 0 : i32
      %dma_start3A_121 = arith.constant 0 : i32
      %dma_start3A_122 = tpu.memref_slice %arg11[%dma_start3A_120, %dma_start3A_121] : memref<160x64xf32, #tpu.memory_space<vmem>> -> memref<40x64xf32, #tpu.memory_space<vmem>>
      %dma_start3A_123 = arith.constant 0 : i32
      %dma_start3A_124 = tpu.memref_slice %arg10[%dma_start3A_119, %dma_start3A_123] : memref<4x40xi32, #tpu.memory_space<vmem>> -> memref<1x40xi32, #tpu.memory_space<vmem>>
      %dma_start3A_125 = tpu.memref_squeeze %dma_start3A_124 : memref<1x40xi32, #tpu.memory_space<vmem>> -> memref<40xi32, #tpu.memory_space<vmem>>
      %dma_start3A_126 = arith.constant 0 : i32
      %dma_start3A_127 = arith.constant 0 : i32
      %dma_start3A_128 = tpu.memref_slice %arg13[%dma_start3A_126, %dma_start3A_127] : memref<10000x64xf32, #tpu.memory_space<vmem_shared>> -> memref<10000x64xf32, #tpu.memory_space<vmem_shared>>
      tpu.enqueue_indirect_dma source(%dma_start3A_122 : memref<40x64xf32, #tpu.memory_space<vmem>>) target(%dma_start3A_128 : memref<10000x64xf32, #tpu.memory_space<vmem_shared>>) offsets(%dma_start3A_125 : memref<40xi32, #tpu.memory_space<vmem>>) semaphore(%arg18 : memref<!tpu.dma_semaphore, #tpu.memory_space<semaphore_mem>>) {add = true}
      %ge3A = arith.constant 1 : i32
      %ge3A_129 = arith.cmpi sge, %add3A_98, %ge3A : i32
      %convert_element_type3A = arith.extui %ge3A_129 : i1 to i32
      %cond3A = arith.constant 0 : i32
      %cond3A_130 = arith.cmpi ne, %convert_element_type3A, %cond3A : i32
      scf.if %cond3A_130 {
        %dma_wait3A_275 = arith.constant 0 : i32
        %dma_wait3A_276 = arith.constant 120 : i32
        %dma_wait3A_277 = arith.constant 0 : i32
        %dma_wait3A_278 = tpu.memref_slice %arg11[%dma_wait3A_276, %dma_wait3A_277] : memref<160x64xf32, #tpu.memory_space<vmem>> -> memref<40x64xf32, #tpu.memory_space<vmem>>
        %dma_wait3A_279 = arith.constant 0 : i32
        %dma_wait3A_280 = tpu.memref_slice %arg10[%dma_wait3A_275, %dma_wait3A_279] : memref<4x40xi32, #tpu.memory_space<vmem>> -> memref<1x40xi32, #tpu.memory_space<vmem>>
        %dma_wait3A_281 = tpu.memref_squeeze %dma_wait3A_280 : memref<1x40xi32, #tpu.memory_space<vmem>> -> memref<40xi32, #tpu.memory_space<vmem>>
        %dma_wait3A_282 = arith.constant 0 : i32
        %dma_wait3A_283 = arith.constant 0 : i32
        %dma_wait3A_284 = tpu.memref_slice %arg13[%dma_wait3A_282, %dma_wait3A_283] : memref<10000x64xf32, #tpu.memory_space<vmem_shared>> -> memref<10000x64xf32, #tpu.memory_space<vmem_shared>>
        tpu.wait_indirect_dma semaphore(%arg21 : memref<!tpu.dma_semaphore, #tpu.memory_space<semaphore_mem>>) src(%dma_wait3A_278 : memref<40x64xf32, #tpu.memory_space<vmem>>) dst(%dma_wait3A_284 : memref<10000x64xf32, #tpu.memory_space<vmem_shared>>)
      } else {
      }
      %add3A_131 = arith.constant 3 : i32
      %add3A_132 = arith.addi %add3A_98, %add3A_131 : i32
      %lt3A = arith.constant 500 : i32
      %lt3A_133 = arith.cmpi slt, %add3A_132, %lt3A : i32
      %convert_element_type3A_134 = arith.extui %lt3A_133 : i1 to i32
      %cond3A_135 = arith.constant 0 : i32
      %cond3A_136 = arith.cmpi ne, %convert_element_type3A_134, %cond3A_135 : i32
      scf.if %cond3A_136 {
        %add3A_275 = arith.constant 3 : i32
        %add3A_276 = arith.addi %add3A_98, %add3A_275 : i32
        %add3A_277 = arith.addi %mul3A_2, %add3A_276 : i32
        %dma_start3A_278 = arith.constant 3 : i32
        %dma_start3A_279 = arith.constant 0 : i32
        %dma_start3A_280 = tpu.memref_slice %arg10[%dma_start3A_278, %dma_start3A_279] : memref<4x40xi32, #tpu.memory_space<vmem>> -> memref<1x40xi32, #tpu.memory_space<vmem>>
        %dma_start3A_281 = arith.constant 0 : i32
        %dma_start3A_282 = tpu.memref_slice %arg4[%add3A_277, %dma_start3A_281] : memref<8000x40xi32, #tpu.memory_space<hbm>> -> memref<1x40xi32, #tpu.memory_space<hbm>>
        %dma_start3A_283 = arith.constant 3 : i32
        %dma_start3A_284 = arith.constant 0 : i32
        %dma_start3A_285 = tpu.memref_slice %arg10[%dma_start3A_283, %dma_start3A_284] : memref<4x40xi32, #tpu.memory_space<vmem>> -> memref<1x40xi32, #tpu.memory_space<vmem>>
        %dma_start3A_286 = arith.constant 0 : i32
        %dma_start3A_287 = tpu.memref_slice %arg4[%add3A_277, %dma_start3A_286] : memref<8000x40xi32, #tpu.memory_space<hbm>> -> memref<1x40xi32, #tpu.memory_space<hbm>>
        tpu.enqueue_dma source(%dma_start3A_287 : memref<1x40xi32, #tpu.memory_space<hbm>>) target(%dma_start3A_285 : memref<1x40xi32, #tpu.memory_space<vmem>>) target_semaphore(%arg25 : memref<!tpu.dma_semaphore, #tpu.memory_space<semaphore_mem>>)
        %add3A_288 = arith.constant 3 : i32
        %add3A_289 = arith.addi %add3A_98, %add3A_288 : i32
        %dma_start3A_290 = arith.constant 120 : i32
        %dma_start3A_291 = arith.constant 0 : i32
        %dma_start3A_292 = tpu.memref_slice %arg11[%dma_start3A_290, %dma_start3A_291] : memref<160x64xf32, #tpu.memory_space<vmem>> -> memref<40x64xf32, #tpu.memory_space<vmem>>
        %dma_start3A_293 = arith.constant 0 : i32
        %dma_start3A_294 = tpu.memref_slice %arg9[%add3A_289, %dma_start3A_293] : memref<500x40xi32, #tpu.memory_space<vmem>> -> memref<1x40xi32, #tpu.memory_space<vmem>>
        %dma_start3A_295 = tpu.memref_squeeze %dma_start3A_294 : memref<1x40xi32, #tpu.memory_space<vmem>> -> memref<40xi32, #tpu.memory_space<vmem>>
        %dma_start3A_296 = arith.constant 0 : i32
        %dma_start3A_297 = arith.constant 0 : i32
        %dma_start3A_298 = tpu.memref_slice %arg2[%dma_start3A_296, %dma_start3A_297] : memref<20000x64xf32, #tpu.memory_space<hbm>> -> memref<20000x64xf32, #tpu.memory_space<hbm>>
        tpu.enqueue_indirect_dma source(%dma_start3A_298 : memref<20000x64xf32, #tpu.memory_space<hbm>>) target(%dma_start3A_292 : memref<40x64xf32, #tpu.memory_space<vmem>>) offsets(%dma_start3A_295 : memref<40xi32, #tpu.memory_space<vmem>>) semaphore(%arg17 : memref<!tpu.dma_semaphore, #tpu.memory_space<semaphore_mem>>)
      } else {
      }
      %mul3A_137 = arith.constant 4 : i32
      %mul3A_138 = arith.muli %scan3A_94, %mul3A_137 : i32
      %add3A_139 = arith.constant 1 : i32
      %add3A_140 = arith.addi %mul3A_138, %add3A_139 : i32
      %dma_wait3A_141 = arith.constant 0 : i32
      %dma_wait3A_142 = arith.constant 40 : i32
      %dma_wait3A_143 = arith.constant 0 : i32
      %dma_wait3A_144 = tpu.memref_slice %arg11[%dma_wait3A_142, %dma_wait3A_143] : memref<160x64xf32, #tpu.memory_space<vmem>> -> memref<40x64xf32, #tpu.memory_space<vmem>>
      %dma_wait3A_145 = arith.constant 0 : i32
      %dma_wait3A_146 = tpu.memref_slice %arg9[%dma_wait3A_141, %dma_wait3A_145] : memref<500x40xi32, #tpu.memory_space<vmem>> -> memref<1x40xi32, #tpu.memory_space<vmem>>
      %dma_wait3A_147 = tpu.memref_squeeze %dma_wait3A_146 : memref<1x40xi32, #tpu.memory_space<vmem>> -> memref<40xi32, #tpu.memory_space<vmem>>
      %dma_wait3A_148 = arith.constant 0 : i32
      %dma_wait3A_149 = arith.constant 0 : i32
      %dma_wait3A_150 = tpu.memref_slice %arg2[%dma_wait3A_148, %dma_wait3A_149] : memref<20000x64xf32, #tpu.memory_space<hbm>> -> memref<20000x64xf32, #tpu.memory_space<hbm>>
      tpu.wait_indirect_dma semaphore(%arg15 : memref<!tpu.dma_semaphore, #tpu.memory_space<semaphore_mem>>) src(%dma_wait3A_150 : memref<20000x64xf32, #tpu.memory_space<hbm>>) dst(%dma_wait3A_144 : memref<40x64xf32, #tpu.memory_space<vmem>>)
      %dma_wait3A_151 = arith.constant 1 : i32
      %dma_wait3A_152 = arith.constant 0 : i32
      %dma_wait3A_153 = tpu.memref_slice %arg10[%dma_wait3A_151, %dma_wait3A_152] : memref<4x40xi32, #tpu.memory_space<vmem>> -> memref<1x40xi32, #tpu.memory_space<vmem>>
      %dma_wait3A_154 = arith.constant 0 : i32
      %dma_wait3A_155 = tpu.memref_slice %arg4[%mul3A_2, %dma_wait3A_154] : memref<8000x40xi32, #tpu.memory_space<hbm>> -> memref<1x40xi32, #tpu.memory_space<hbm>>
      %dma_wait3A_156 = arith.constant 1 : i32
      %dma_wait3A_157 = arith.constant 0 : i32
      %dma_wait3A_158 = tpu.memref_slice %arg10[%dma_wait3A_156, %dma_wait3A_157] : memref<4x40xi32, #tpu.memory_space<vmem>> -> memref<1x40xi32, #tpu.memory_space<vmem>>
      %dma_wait3A_159 = arith.constant 0 : i32
      %dma_wait3A_160 = tpu.memref_slice %arg4[%mul3A_2, %dma_wait3A_159] : memref<8000x40xi32, #tpu.memory_space<hbm>> -> memref<1x40xi32, #tpu.memory_space<hbm>>
      tpu.wait_dma2 semaphore(%arg23 : memref<!tpu.dma_semaphore, #tpu.memory_space<semaphore_mem>>) src(%dma_wait3A_160 : memref<1x40xi32, #tpu.memory_space<hbm>>) dst(%dma_wait3A_158 : memref<1x40xi32, #tpu.memory_space<vmem>>)
      %dma_start3A_161 = arith.constant 1 : i32
      %dma_start3A_162 = arith.constant 40 : i32
      %dma_start3A_163 = arith.constant 0 : i32
      %dma_start3A_164 = tpu.memref_slice %arg11[%dma_start3A_162, %dma_start3A_163] : memref<160x64xf32, #tpu.memory_space<vmem>> -> memref<40x64xf32, #tpu.memory_space<vmem>>
      %dma_start3A_165 = arith.constant 0 : i32
      %dma_start3A_166 = tpu.memref_slice %arg10[%dma_start3A_161, %dma_start3A_165] : memref<4x40xi32, #tpu.memory_space<vmem>> -> memref<1x40xi32, #tpu.memory_space<vmem>>
      %dma_start3A_167 = tpu.memref_squeeze %dma_start3A_166 : memref<1x40xi32, #tpu.memory_space<vmem>> -> memref<40xi32, #tpu.memory_space<vmem>>
      %dma_start3A_168 = arith.constant 0 : i32
      %dma_start3A_169 = arith.constant 0 : i32
      %dma_start3A_170 = tpu.memref_slice %arg13[%dma_start3A_168, %dma_start3A_169] : memref<10000x64xf32, #tpu.memory_space<vmem_shared>> -> memref<10000x64xf32, #tpu.memory_space<vmem_shared>>
      tpu.enqueue_indirect_dma source(%dma_start3A_164 : memref<40x64xf32, #tpu.memory_space<vmem>>) target(%dma_start3A_170 : memref<10000x64xf32, #tpu.memory_space<vmem_shared>>) offsets(%dma_start3A_167 : memref<40xi32, #tpu.memory_space<vmem>>) semaphore(%arg19 : memref<!tpu.dma_semaphore, #tpu.memory_space<semaphore_mem>>) {add = true}
      %ge3A_171 = arith.constant 1 : i32
      %ge3A_172 = arith.cmpi sge, %add3A_140, %ge3A_171 : i32
      %convert_element_type3A_173 = arith.extui %ge3A_172 : i1 to i32
      %cond3A_174 = arith.constant 0 : i32
      %cond3A_175 = arith.cmpi ne, %convert_element_type3A_173, %cond3A_174 : i32
      scf.if %cond3A_175 {
        %dma_wait3A_275 = arith.constant 0 : i32
        %dma_wait3A_276 = arith.constant 0 : i32
        %dma_wait3A_277 = arith.constant 0 : i32
        %dma_wait3A_278 = tpu.memref_slice %arg11[%dma_wait3A_276, %dma_wait3A_277] : memref<160x64xf32, #tpu.memory_space<vmem>> -> memref<40x64xf32, #tpu.memory_space<vmem>>
        %dma_wait3A_279 = arith.constant 0 : i32
        %dma_wait3A_280 = tpu.memref_slice %arg10[%dma_wait3A_275, %dma_wait3A_279] : memref<4x40xi32, #tpu.memory_space<vmem>> -> memref<1x40xi32, #tpu.memory_space<vmem>>
        %dma_wait3A_281 = tpu.memref_squeeze %dma_wait3A_280 : memref<1x40xi32, #tpu.memory_space<vmem>> -> memref<40xi32, #tpu.memory_space<vmem>>
        %dma_wait3A_282 = arith.constant 0 : i32
        %dma_wait3A_283 = arith.constant 0 : i32
        %dma_wait3A_284 = tpu.memref_slice %arg13[%dma_wait3A_282, %dma_wait3A_283] : memref<10000x64xf32, #tpu.memory_space<vmem_shared>> -> memref<10000x64xf32, #tpu.memory_space<vmem_shared>>
        tpu.wait_indirect_dma semaphore(%arg18 : memref<!tpu.dma_semaphore, #tpu.memory_space<semaphore_mem>>) src(%dma_wait3A_278 : memref<40x64xf32, #tpu.memory_space<vmem>>) dst(%dma_wait3A_284 : memref<10000x64xf32, #tpu.memory_space<vmem_shared>>)
      } else {
      }
      %add3A_176 = arith.constant 3 : i32
      %add3A_177 = arith.addi %add3A_140, %add3A_176 : i32
      %lt3A_178 = arith.constant 500 : i32
      %lt3A_179 = arith.cmpi slt, %add3A_177, %lt3A_178 : i32
      %convert_element_type3A_180 = arith.extui %lt3A_179 : i1 to i32
      %cond3A_181 = arith.constant 0 : i32
      %cond3A_182 = arith.cmpi ne, %convert_element_type3A_180, %cond3A_181 : i32
      scf.if %cond3A_182 {
        %add3A_275 = arith.constant 3 : i32
        %add3A_276 = arith.addi %add3A_140, %add3A_275 : i32
        %add3A_277 = arith.addi %mul3A_2, %add3A_276 : i32
        %dma_start3A_278 = arith.constant 0 : i32
        %dma_start3A_279 = arith.constant 0 : i32
        %dma_start3A_280 = tpu.memref_slice %arg10[%dma_start3A_278, %dma_start3A_279] : memref<4x40xi32, #tpu.memory_space<vmem>> -> memref<1x40xi32, #tpu.memory_space<vmem>>
        %dma_start3A_281 = arith.constant 0 : i32
        %dma_start3A_282 = tpu.memref_slice %arg4[%add3A_277, %dma_start3A_281] : memref<8000x40xi32, #tpu.memory_space<hbm>> -> memref<1x40xi32, #tpu.memory_space<hbm>>
        %dma_start3A_283 = arith.constant 0 : i32
        %dma_start3A_284 = arith.constant 0 : i32
        %dma_start3A_285 = tpu.memref_slice %arg10[%dma_start3A_283, %dma_start3A_284] : memref<4x40xi32, #tpu.memory_space<vmem>> -> memref<1x40xi32, #tpu.memory_space<vmem>>
        %dma_start3A_286 = arith.constant 0 : i32
        %dma_start3A_287 = tpu.memref_slice %arg4[%add3A_277, %dma_start3A_286] : memref<8000x40xi32, #tpu.memory_space<hbm>> -> memref<1x40xi32, #tpu.memory_space<hbm>>
        tpu.enqueue_dma source(%dma_start3A_287 : memref<1x40xi32, #tpu.memory_space<hbm>>) target(%dma_start3A_285 : memref<1x40xi32, #tpu.memory_space<vmem>>) target_semaphore(%arg22 : memref<!tpu.dma_semaphore, #tpu.memory_space<semaphore_mem>>)
        %add3A_288 = arith.constant 3 : i32
        %add3A_289 = arith.addi %add3A_140, %add3A_288 : i32
        %dma_start3A_290 = arith.constant 0 : i32
        %dma_start3A_291 = arith.constant 0 : i32
        %dma_start3A_292 = tpu.memref_slice %arg11[%dma_start3A_290, %dma_start3A_291] : memref<160x64xf32, #tpu.memory_space<vmem>> -> memref<40x64xf32, #tpu.memory_space<vmem>>
        %dma_start3A_293 = arith.constant 0 : i32
        %dma_start3A_294 = tpu.memref_slice %arg9[%add3A_289, %dma_start3A_293] : memref<500x40xi32, #tpu.memory_space<vmem>> -> memref<1x40xi32, #tpu.memory_space<vmem>>
        %dma_start3A_295 = tpu.memref_squeeze %dma_start3A_294 : memref<1x40xi32, #tpu.memory_space<vmem>> -> memref<40xi32, #tpu.memory_space<vmem>>
        %dma_start3A_296 = arith.constant 0 : i32
        %dma_start3A_297 = arith.constant 0 : i32
        %dma_start3A_298 = tpu.memref_slice %arg2[%dma_start3A_296, %dma_start3A_297] : memref<20000x64xf32, #tpu.memory_space<hbm>> -> memref<20000x64xf32, #tpu.memory_space<hbm>>
        tpu.enqueue_indirect_dma source(%dma_start3A_298 : memref<20000x64xf32, #tpu.memory_space<hbm>>) target(%dma_start3A_292 : memref<40x64xf32, #tpu.memory_space<vmem>>) offsets(%dma_start3A_295 : memref<40xi32, #tpu.memory_space<vmem>>) semaphore(%arg14 : memref<!tpu.dma_semaphore, #tpu.memory_space<semaphore_mem>>)
      } else {
      }
      %mul3A_183 = arith.constant 4 : i32
      %mul3A_184 = arith.muli %scan3A_94, %mul3A_183 : i32
      %add3A_185 = arith.constant 2 : i32
      %add3A_186 = arith.addi %mul3A_184, %add3A_185 : i32
      %dma_wait3A_187 = arith.constant 0 : i32
      %dma_wait3A_188 = arith.constant 80 : i32
      %dma_wait3A_189 = arith.constant 0 : i32
      %dma_wait3A_190 = tpu.memref_slice %arg11[%dma_wait3A_188, %dma_wait3A_189] : memref<160x64xf32, #tpu.memory_space<vmem>> -> memref<40x64xf32, #tpu.memory_space<vmem>>
      %dma_wait3A_191 = arith.constant 0 : i32
      %dma_wait3A_192 = tpu.memref_slice %arg9[%dma_wait3A_187, %dma_wait3A_191] : memref<500x40xi32, #tpu.memory_space<vmem>> -> memref<1x40xi32, #tpu.memory_space<vmem>>
      %dma_wait3A_193 = tpu.memref_squeeze %dma_wait3A_192 : memref<1x40xi32, #tpu.memory_space<vmem>> -> memref<40xi32, #tpu.memory_space<vmem>>
      %dma_wait3A_194 = arith.constant 0 : i32
      %dma_wait3A_195 = arith.constant 0 : i32
      %dma_wait3A_196 = tpu.memref_slice %arg2[%dma_wait3A_194, %dma_wait3A_195] : memref<20000x64xf32, #tpu.memory_space<hbm>> -> memref<20000x64xf32, #tpu.memory_space<hbm>>
      tpu.wait_indirect_dma semaphore(%arg16 : memref<!tpu.dma_semaphore, #tpu.memory_space<semaphore_mem>>) src(%dma_wait3A_196 : memref<20000x64xf32, #tpu.memory_space<hbm>>) dst(%dma_wait3A_190 : memref<40x64xf32, #tpu.memory_space<vmem>>)
      %dma_wait3A_197 = arith.constant 2 : i32
      %dma_wait3A_198 = arith.constant 0 : i32
      %dma_wait3A_199 = tpu.memref_slice %arg10[%dma_wait3A_197, %dma_wait3A_198] : memref<4x40xi32, #tpu.memory_space<vmem>> -> memref<1x40xi32, #tpu.memory_space<vmem>>
      %dma_wait3A_200 = arith.constant 0 : i32
      %dma_wait3A_201 = tpu.memref_slice %arg4[%mul3A_2, %dma_wait3A_200] : memref<8000x40xi32, #tpu.memory_space<hbm>> -> memref<1x40xi32, #tpu.memory_space<hbm>>
      %dma_wait3A_202 = arith.constant 2 : i32
      %dma_wait3A_203 = arith.constant 0 : i32
      %dma_wait3A_204 = tpu.memref_slice %arg10[%dma_wait3A_202, %dma_wait3A_203] : memref<4x40xi32, #tpu.memory_space<vmem>> -> memref<1x40xi32, #tpu.memory_space<vmem>>
      %dma_wait3A_205 = arith.constant 0 : i32
      %dma_wait3A_206 = tpu.memref_slice %arg4[%mul3A_2, %dma_wait3A_205] : memref<8000x40xi32, #tpu.memory_space<hbm>> -> memref<1x40xi32, #tpu.memory_space<hbm>>
      tpu.wait_dma2 semaphore(%arg24 : memref<!tpu.dma_semaphore, #tpu.memory_space<semaphore_mem>>) src(%dma_wait3A_206 : memref<1x40xi32, #tpu.memory_space<hbm>>) dst(%dma_wait3A_204 : memref<1x40xi32, #tpu.memory_space<vmem>>)
      %dma_start3A_207 = arith.constant 2 : i32
      %dma_start3A_208 = arith.constant 80 : i32
      %dma_start3A_209 = arith.constant 0 : i32
      %dma_start3A_210 = tpu.memref_slice %arg11[%dma_start3A_208, %dma_start3A_209] : memref<160x64xf32, #tpu.memory_space<vmem>> -> memref<40x64xf32, #tpu.memory_space<vmem>>
      %dma_start3A_211 = arith.constant 0 : i32
      %dma_start3A_212 = tpu.memref_slice %arg10[%dma_start3A_207, %dma_start3A_211] : memref<4x40xi32, #tpu.memory_space<vmem>> -> memref<1x40xi32, #tpu.memory_space<vmem>>
      %dma_start3A_213 = tpu.memref_squeeze %dma_start3A_212 : memref<1x40xi32, #tpu.memory_space<vmem>> -> memref<40xi32, #tpu.memory_space<vmem>>
      %dma_start3A_214 = arith.constant 0 : i32
      %dma_start3A_215 = arith.constant 0 : i32
      %dma_start3A_216 = tpu.memref_slice %arg13[%dma_start3A_214, %dma_start3A_215] : memref<10000x64xf32, #tpu.memory_space<vmem_shared>> -> memref<10000x64xf32, #tpu.memory_space<vmem_shared>>
      tpu.enqueue_indirect_dma source(%dma_start3A_210 : memref<40x64xf32, #tpu.memory_space<vmem>>) target(%dma_start3A_216 : memref<10000x64xf32, #tpu.memory_space<vmem_shared>>) offsets(%dma_start3A_213 : memref<40xi32, #tpu.memory_space<vmem>>) semaphore(%arg20 : memref<!tpu.dma_semaphore, #tpu.memory_space<semaphore_mem>>) {add = true}
      %ge3A_217 = arith.constant 1 : i32
      %ge3A_218 = arith.cmpi sge, %add3A_186, %ge3A_217 : i32
      %convert_element_type3A_219 = arith.extui %ge3A_218 : i1 to i32
      %cond3A_220 = arith.constant 0 : i32
      %cond3A_221 = arith.cmpi ne, %convert_element_type3A_219, %cond3A_220 : i32
      scf.if %cond3A_221 {
        %dma_wait3A_275 = arith.constant 0 : i32
        %dma_wait3A_276 = arith.constant 40 : i32
        %dma_wait3A_277 = arith.constant 0 : i32
        %dma_wait3A_278 = tpu.memref_slice %arg11[%dma_wait3A_276, %dma_wait3A_277] : memref<160x64xf32, #tpu.memory_space<vmem>> -> memref<40x64xf32, #tpu.memory_space<vmem>>
        %dma_wait3A_279 = arith.constant 0 : i32
        %dma_wait3A_280 = tpu.memref_slice %arg10[%dma_wait3A_275, %dma_wait3A_279] : memref<4x40xi32, #tpu.memory_space<vmem>> -> memref<1x40xi32, #tpu.memory_space<vmem>>
        %dma_wait3A_281 = tpu.memref_squeeze %dma_wait3A_280 : memref<1x40xi32, #tpu.memory_space<vmem>> -> memref<40xi32, #tpu.memory_space<vmem>>
        %dma_wait3A_282 = arith.constant 0 : i32
        %dma_wait3A_283 = arith.constant 0 : i32
        %dma_wait3A_284 = tpu.memref_slice %arg13[%dma_wait3A_282, %dma_wait3A_283] : memref<10000x64xf32, #tpu.memory_space<vmem_shared>> -> memref<10000x64xf32, #tpu.memory_space<vmem_shared>>
        tpu.wait_indirect_dma semaphore(%arg19 : memref<!tpu.dma_semaphore, #tpu.memory_space<semaphore_mem>>) src(%dma_wait3A_278 : memref<40x64xf32, #tpu.memory_space<vmem>>) dst(%dma_wait3A_284 : memref<10000x64xf32, #tpu.memory_space<vmem_shared>>)
      } else {
      }
      %add3A_222 = arith.constant 3 : i32
      %add3A_223 = arith.addi %add3A_186, %add3A_222 : i32
      %lt3A_224 = arith.constant 500 : i32
      %lt3A_225 = arith.cmpi slt, %add3A_223, %lt3A_224 : i32
      %convert_element_type3A_226 = arith.extui %lt3A_225 : i1 to i32
      %cond3A_227 = arith.constant 0 : i32
      %cond3A_228 = arith.cmpi ne, %convert_element_type3A_226, %cond3A_227 : i32
      scf.if %cond3A_228 {
        %add3A_275 = arith.constant 3 : i32
        %add3A_276 = arith.addi %add3A_186, %add3A_275 : i32
        %add3A_277 = arith.addi %mul3A_2, %add3A_276 : i32
        %dma_start3A_278 = arith.constant 1 : i32
        %dma_start3A_279 = arith.constant 0 : i32
        %dma_start3A_280 = tpu.memref_slice %arg10[%dma_start3A_278, %dma_start3A_279] : memref<4x40xi32, #tpu.memory_space<vmem>> -> memref<1x40xi32, #tpu.memory_space<vmem>>
        %dma_start3A_281 = arith.constant 0 : i32
        %dma_start3A_282 = tpu.memref_slice %arg4[%add3A_277, %dma_start3A_281] : memref<8000x40xi32, #tpu.memory_space<hbm>> -> memref<1x40xi32, #tpu.memory_space<hbm>>
        %dma_start3A_283 = arith.constant 1 : i32
        %dma_start3A_284 = arith.constant 0 : i32
        %dma_start3A_285 = tpu.memref_slice %arg10[%dma_start3A_283, %dma_start3A_284] : memref<4x40xi32, #tpu.memory_space<vmem>> -> memref<1x40xi32, #tpu.memory_space<vmem>>
        %dma_start3A_286 = arith.constant 0 : i32
        %dma_start3A_287 = tpu.memref_slice %arg4[%add3A_277, %dma_start3A_286] : memref<8000x40xi32, #tpu.memory_space<hbm>> -> memref<1x40xi32, #tpu.memory_space<hbm>>
        tpu.enqueue_dma source(%dma_start3A_287 : memref<1x40xi32, #tpu.memory_space<hbm>>) target(%dma_start3A_285 : memref<1x40xi32, #tpu.memory_space<vmem>>) target_semaphore(%arg23 : memref<!tpu.dma_semaphore, #tpu.memory_space<semaphore_mem>>)
        %add3A_288 = arith.constant 3 : i32
        %add3A_289 = arith.addi %add3A_186, %add3A_288 : i32
        %dma_start3A_290 = arith.constant 40 : i32
        %dma_start3A_291 = arith.constant 0 : i32
        %dma_start3A_292 = tpu.memref_slice %arg11[%dma_start3A_290, %dma_start3A_291] : memref<160x64xf32, #tpu.memory_space<vmem>> -> memref<40x64xf32, #tpu.memory_space<vmem>>
        %dma_start3A_293 = arith.constant 0 : i32
        %dma_start3A_294 = tpu.memref_slice %arg9[%add3A_289, %dma_start3A_293] : memref<500x40xi32, #tpu.memory_space<vmem>> -> memref<1x40xi32, #tpu.memory_space<vmem>>
        %dma_start3A_295 = tpu.memref_squeeze %dma_start3A_294 : memref<1x40xi32, #tpu.memory_space<vmem>> -> memref<40xi32, #tpu.memory_space<vmem>>
        %dma_start3A_296 = arith.constant 0 : i32
        %dma_start3A_297 = arith.constant 0 : i32
        %dma_start3A_298 = tpu.memref_slice %arg2[%dma_start3A_296, %dma_start3A_297] : memref<20000x64xf32, #tpu.memory_space<hbm>> -> memref<20000x64xf32, #tpu.memory_space<hbm>>
        tpu.enqueue_indirect_dma source(%dma_start3A_298 : memref<20000x64xf32, #tpu.memory_space<hbm>>) target(%dma_start3A_292 : memref<40x64xf32, #tpu.memory_space<vmem>>) offsets(%dma_start3A_295 : memref<40xi32, #tpu.memory_space<vmem>>) semaphore(%arg15 : memref<!tpu.dma_semaphore, #tpu.memory_space<semaphore_mem>>)
      } else {
      }
      %mul3A_229 = arith.constant 4 : i32
      %mul3A_230 = arith.muli %scan3A_94, %mul3A_229 : i32
      %add3A_231 = arith.constant 3 : i32
      %add3A_232 = arith.addi %mul3A_230, %add3A_231 : i32
      %dma_wait3A_233 = arith.constant 0 : i32
      %dma_wait3A_234 = arith.constant 120 : i32
      %dma_wait3A_235 = arith.constant 0 : i32
      %dma_wait3A_236 = tpu.memref_slice %arg11[%dma_wait3A_234, %dma_wait3A_235] : memref<160x64xf32, #tpu.memory_space<vmem>> -> memref<40x64xf32, #tpu.memory_space<vmem>>
      %dma_wait3A_237 = arith.constant 0 : i32
      %dma_wait3A_238 = tpu.memref_slice %arg9[%dma_wait3A_233, %dma_wait3A_237] : memref<500x40xi32, #tpu.memory_space<vmem>> -> memref<1x40xi32, #tpu.memory_space<vmem>>
      %dma_wait3A_239 = tpu.memref_squeeze %dma_wait3A_238 : memref<1x40xi32, #tpu.memory_space<vmem>> -> memref<40xi32, #tpu.memory_space<vmem>>
      %dma_wait3A_240 = arith.constant 0 : i32
      %dma_wait3A_241 = arith.constant 0 : i32
      %dma_wait3A_242 = tpu.memref_slice %arg2[%dma_wait3A_240, %dma_wait3A_241] : memref<20000x64xf32, #tpu.memory_space<hbm>> -> memref<20000x64xf32, #tpu.memory_space<hbm>>
      tpu.wait_indirect_dma semaphore(%arg17 : memref<!tpu.dma_semaphore, #tpu.memory_space<semaphore_mem>>) src(%dma_wait3A_242 : memref<20000x64xf32, #tpu.memory_space<hbm>>) dst(%dma_wait3A_236 : memref<40x64xf32, #tpu.memory_space<vmem>>)
      %dma_wait3A_243 = arith.constant 3 : i32
      %dma_wait3A_244 = arith.constant 0 : i32
      %dma_wait3A_245 = tpu.memref_slice %arg10[%dma_wait3A_243, %dma_wait3A_244] : memref<4x40xi32, #tpu.memory_space<vmem>> -> memref<1x40xi32, #tpu.memory_space<vmem>>
      %dma_wait3A_246 = arith.constant 0 : i32
      %dma_wait3A_247 = tpu.memref_slice %arg4[%mul3A_2, %dma_wait3A_246] : memref<8000x40xi32, #tpu.memory_space<hbm>> -> memref<1x40xi32, #tpu.memory_space<hbm>>
      %dma_wait3A_248 = arith.constant 3 : i32
      %dma_wait3A_249 = arith.constant 0 : i32
      %dma_wait3A_250 = tpu.memref_slice %arg10[%dma_wait3A_248, %dma_wait3A_249] : memref<4x40xi32, #tpu.memory_space<vmem>> -> memref<1x40xi32, #tpu.memory_space<vmem>>
      %dma_wait3A_251 = arith.constant 0 : i32
      %dma_wait3A_252 = tpu.memref_slice %arg4[%mul3A_2, %dma_wait3A_251] : memref<8000x40xi32, #tpu.memory_space<hbm>> -> memref<1x40xi32, #tpu.memory_space<hbm>>
      tpu.wait_dma2 semaphore(%arg25 : memref<!tpu.dma_semaphore, #tpu.memory_space<semaphore_mem>>) src(%dma_wait3A_252 : memref<1x40xi32, #tpu.memory_space<hbm>>) dst(%dma_wait3A_250 : memref<1x40xi32, #tpu.memory_space<vmem>>)
      %dma_start3A_253 = arith.constant 3 : i32
      %dma_start3A_254 = arith.constant 120 : i32
      %dma_start3A_255 = arith.constant 0 : i32
      %dma_start3A_256 = tpu.memref_slice %arg11[%dma_start3A_254, %dma_start3A_255] : memref<160x64xf32, #tpu.memory_space<vmem>> -> memref<40x64xf32, #tpu.memory_space<vmem>>
      %dma_start3A_257 = arith.constant 0 : i32
      %dma_start3A_258 = tpu.memref_slice %arg10[%dma_start3A_253, %dma_start3A_257] : memref<4x40xi32, #tpu.memory_space<vmem>> -> memref<1x40xi32, #tpu.memory_space<vmem>>
      %dma_start3A_259 = tpu.memref_squeeze %dma_start3A_258 : memref<1x40xi32, #tpu.memory_space<vmem>> -> memref<40xi32, #tpu.memory_space<vmem>>
      %dma_start3A_260 = arith.constant 0 : i32
      %dma_start3A_261 = arith.constant 0 : i32
      %dma_start3A_262 = tpu.memref_slice %arg13[%dma_start3A_260, %dma_start3A_261] : memref<10000x64xf32, #tpu.memory_space<vmem_shared>> -> memref<10000x64xf32, #tpu.memory_space<vmem_shared>>
      tpu.enqueue_indirect_dma source(%dma_start3A_256 : memref<40x64xf32, #tpu.memory_space<vmem>>) target(%dma_start3A_262 : memref<10000x64xf32, #tpu.memory_space<vmem_shared>>) offsets(%dma_start3A_259 : memref<40xi32, #tpu.memory_space<vmem>>) semaphore(%arg21 : memref<!tpu.dma_semaphore, #tpu.memory_space<semaphore_mem>>) {add = true}
      %ge3A_263 = arith.constant 1 : i32
      %ge3A_264 = arith.cmpi sge, %add3A_232, %ge3A_263 : i32
      %convert_element_type3A_265 = arith.extui %ge3A_264 : i1 to i32
      %cond3A_266 = arith.constant 0 : i32
      %cond3A_267 = arith.cmpi ne, %convert_element_type3A_265, %cond3A_266 : i32
      scf.if %cond3A_267 {
        %dma_wait3A_275 = arith.constant 0 : i32
        %dma_wait3A_276 = arith.constant 80 : i32
        %dma_wait3A_277 = arith.constant 0 : i32
        %dma_wait3A_278 = tpu.memref_slice %arg11[%dma_wait3A_276, %dma_wait3A_277] : memref<160x64xf32, #tpu.memory_space<vmem>> -> memref<40x64xf32, #tpu.memory_space<vmem>>
        %dma_wait3A_279 = arith.constant 0 : i32
        %dma_wait3A_280 = tpu.memref_slice %arg10[%dma_wait3A_275, %dma_wait3A_279] : memref<4x40xi32, #tpu.memory_space<vmem>> -> memref<1x40xi32, #tpu.memory_space<vmem>>
        %dma_wait3A_281 = tpu.memref_squeeze %dma_wait3A_280 : memref<1x40xi32, #tpu.memory_space<vmem>> -> memref<40xi32, #tpu.memory_space<vmem>>
        %dma_wait3A_282 = arith.constant 0 : i32
        %dma_wait3A_283 = arith.constant 0 : i32
        %dma_wait3A_284 = tpu.memref_slice %arg13[%dma_wait3A_282, %dma_wait3A_283] : memref<10000x64xf32, #tpu.memory_space<vmem_shared>> -> memref<10000x64xf32, #tpu.memory_space<vmem_shared>>
        tpu.wait_indirect_dma semaphore(%arg20 : memref<!tpu.dma_semaphore, #tpu.memory_space<semaphore_mem>>) src(%dma_wait3A_278 : memref<40x64xf32, #tpu.memory_space<vmem>>) dst(%dma_wait3A_284 : memref<10000x64xf32, #tpu.memory_space<vmem_shared>>)
      } else {
      }
      %add3A_268 = arith.constant 3 : i32
      %add3A_269 = arith.addi %add3A_232, %add3A_268 : i32
      %lt3A_270 = arith.constant 500 : i32
      %lt3A_271 = arith.cmpi slt, %add3A_269, %lt3A_270 : i32
      %convert_element_type3A_272 = arith.extui %lt3A_271 : i1 to i32
      %cond3A_273 = arith.constant 0 : i32
      %cond3A_274 = arith.cmpi ne, %convert_element_type3A_272, %cond3A_273 : i32
      scf.if %cond3A_274 {
        %add3A_275 = arith.constant 3 : i32
        %add3A_276 = arith.addi %add3A_232, %add3A_275 : i32
        %add3A_277 = arith.addi %mul3A_2, %add3A_276 : i32
        %dma_start3A_278 = arith.constant 2 : i32
        %dma_start3A_279 = arith.constant 0 : i32
        %dma_start3A_280 = tpu.memref_slice %arg10[%dma_start3A_278, %dma_start3A_279] : memref<4x40xi32, #tpu.memory_space<vmem>> -> memref<1x40xi32, #tpu.memory_space<vmem>>
        %dma_start3A_281 = arith.constant 0 : i32
        %dma_start3A_282 = tpu.memref_slice %arg4[%add3A_277, %dma_start3A_281] : memref<8000x40xi32, #tpu.memory_space<hbm>> -> memref<1x40xi32, #tpu.memory_space<hbm>>
        %dma_start3A_283 = arith.constant 2 : i32
        %dma_start3A_284 = arith.constant 0 : i32
        %dma_start3A_285 = tpu.memref_slice %arg10[%dma_start3A_283, %dma_start3A_284] : memref<4x40xi32, #tpu.memory_space<vmem>> -> memref<1x40xi32, #tpu.memory_space<vmem>>
        %dma_start3A_286 = arith.constant 0 : i32
        %dma_start3A_287 = tpu.memref_slice %arg4[%add3A_277, %dma_start3A_286] : memref<8000x40xi32, #tpu.memory_space<hbm>> -> memref<1x40xi32, #tpu.memory_space<hbm>>
        tpu.enqueue_dma source(%dma_start3A_287 : memref<1x40xi32, #tpu.memory_space<hbm>>) target(%dma_start3A_285 : memref<1x40xi32, #tpu.memory_space<vmem>>) target_semaphore(%arg24 : memref<!tpu.dma_semaphore, #tpu.memory_space<semaphore_mem>>)
        %add3A_288 = arith.constant 3 : i32
        %add3A_289 = arith.addi %add3A_232, %add3A_288 : i32
        %dma_start3A_290 = arith.constant 80 : i32
        %dma_start3A_291 = arith.constant 0 : i32
        %dma_start3A_292 = tpu.memref_slice %arg11[%dma_start3A_290, %dma_start3A_291] : memref<160x64xf32, #tpu.memory_space<vmem>> -> memref<40x64xf32, #tpu.memory_space<vmem>>
        %dma_start3A_293 = arith.constant 0 : i32
        %dma_start3A_294 = tpu.memref_slice %arg9[%add3A_289, %dma_start3A_293] : memref<500x40xi32, #tpu.memory_space<vmem>> -> memref<1x40xi32, #tpu.memory_space<vmem>>
        %dma_start3A_295 = tpu.memref_squeeze %dma_start3A_294 : memref<1x40xi32, #tpu.memory_space<vmem>> -> memref<40xi32, #tpu.memory_space<vmem>>
        %dma_start3A_296 = arith.constant 0 : i32
        %dma_start3A_297 = arith.constant 0 : i32
        %dma_start3A_298 = tpu.memref_slice %arg2[%dma_start3A_296, %dma_start3A_297] : memref<20000x64xf32, #tpu.memory_space<hbm>> -> memref<20000x64xf32, #tpu.memory_space<hbm>>
        tpu.enqueue_indirect_dma source(%dma_start3A_298 : memref<20000x64xf32, #tpu.memory_space<hbm>>) target(%dma_start3A_292 : memref<40x64xf32, #tpu.memory_space<vmem>>) offsets(%dma_start3A_295 : memref<40xi32, #tpu.memory_space<vmem>>) semaphore(%arg16 : memref<!tpu.dma_semaphore, #tpu.memory_space<semaphore_mem>>)
      } else {
      }
    }
    %scan3A_82 = arith.constant 125 : i32
    %dma_wait3A_83 = arith.constant 0 : i32
    %dma_wait3A_84 = arith.constant 120 : i32
    %dma_wait3A_85 = arith.constant 0 : i32
    %dma_wait3A_86 = tpu.memref_slice %arg11[%dma_wait3A_84, %dma_wait3A_85] : memref<160x64xf32, #tpu.memory_space<vmem>> -> memref<40x64xf32, #tpu.memory_space<vmem>>
    %dma_wait3A_87 = arith.constant 0 : i32
    %dma_wait3A_88 = tpu.memref_slice %arg10[%dma_wait3A_83, %dma_wait3A_87] : memref<4x40xi32, #tpu.memory_space<vmem>> -> memref<1x40xi32, #tpu.memory_space<vmem>>
    %dma_wait3A_89 = tpu.memref_squeeze %dma_wait3A_88 : memref<1x40xi32, #tpu.memory_space<vmem>> -> memref<40xi32, #tpu.memory_space<vmem>>
    %dma_wait3A_90 = arith.constant 0 : i32
    %dma_wait3A_91 = arith.constant 0 : i32
    %dma_wait3A_92 = tpu.memref_slice %arg13[%dma_wait3A_90, %dma_wait3A_91] : memref<10000x64xf32, #tpu.memory_space<vmem_shared>> -> memref<10000x64xf32, #tpu.memory_space<vmem_shared>>
    tpu.wait_indirect_dma semaphore(%arg21 : memref<!tpu.dma_semaphore, #tpu.memory_space<semaphore_mem>>) src(%dma_wait3A_86 : memref<40x64xf32, #tpu.memory_space<vmem>>) dst(%dma_wait3A_92 : memref<10000x64xf32, #tpu.memory_space<vmem_shared>>)
    %barrier3A_93 = arith.constant 0 : index
    tpu.barrier barrier_id(%barrier3A_93)
    "tpu.region"() ({
      %run_scoped3A = tpu.sem_alloc : memref<!tpu.dma_semaphore, #tpu.memory_space<semaphore_mem>>
      %dma_start3A_94 = arith.constant 0 : i32
      %dma_start3A_95 = tpu.memref_slice %arg13[%mul3A_0, %dma_start3A_94] : memref<10000x64xf32, #tpu.memory_space<vmem_shared>> -> memref<625x64xf32, #tpu.memory_space<vmem_shared>>
      %dma_start3A_96 = arith.constant 0 : i32
      %dma_start3A_97 = tpu.memref_slice %arg13[%mul3A_0, %dma_start3A_96] : memref<10000x64xf32, #tpu.memory_space<vmem_shared>> -> memref<625x64xf32, #tpu.memory_space<vmem_shared>>
      tpu.enqueue_dma source(%dma_start3A_97 : memref<625x64xf32, #tpu.memory_space<vmem_shared>>) target(%arg12 : memref<625x64xf32, #tpu.memory_space<vmem>>) target_semaphore(%run_scoped3A : memref<!tpu.dma_semaphore, #tpu.memory_space<semaphore_mem>>)
      %dma_wait3A_98 = arith.constant 0 : i32
      %dma_wait3A_99 = tpu.memref_slice %arg13[%mul3A_0, %dma_wait3A_98] : memref<10000x64xf32, #tpu.memory_space<vmem_shared>> -> memref<625x64xf32, #tpu.memory_space<vmem_shared>>
      %dma_wait3A_100 = arith.constant 0 : i32
      %dma_wait3A_101 = tpu.memref_slice %arg13[%mul3A_0, %dma_wait3A_100] : memref<10000x64xf32, #tpu.memory_space<vmem_shared>> -> memref<625x64xf32, #tpu.memory_space<vmem_shared>>
      tpu.wait_dma2 semaphore(%run_scoped3A : memref<!tpu.dma_semaphore, #tpu.memory_space<semaphore_mem>>) src(%dma_wait3A_101 : memref<625x64xf32, #tpu.memory_space<vmem_shared>>) dst(%arg12 : memref<625x64xf32, #tpu.memory_space<vmem>>)
      tpu.yield
    }) : () -> ()
    "tpu.region"() ({
      %run_scoped3A = tpu.sem_alloc : memref<!tpu.dma_semaphore, #tpu.memory_space<semaphore_mem>>
      %dma_start3A_94 = arith.constant 0 : i32
      %dma_start3A_95 = tpu.memref_slice %arg8[%arg0, %mul3A_0, %dma_start3A_94] : memref<2x10000x64xf32, #tpu.memory_space<hbm>> -> memref<1x625x64xf32, #tpu.memory_space<hbm>>
      %dma_start3A_96 = tpu.memref_squeeze %dma_start3A_95 : memref<1x625x64xf32, #tpu.memory_space<hbm>> -> memref<625x64xf32, #tpu.memory_space<hbm>>
      %dma_start3A_97 = arith.constant 0 : i32
      %dma_start3A_98 = tpu.memref_slice %arg8[%arg0, %mul3A_0, %dma_start3A_97] : memref<2x10000x64xf32, #tpu.memory_space<hbm>> -> memref<1x625x64xf32, #tpu.memory_space<hbm>>
      %dma_start3A_99 = tpu.memref_squeeze %dma_start3A_98 : memref<1x625x64xf32, #tpu.memory_space<hbm>> -> memref<625x64xf32, #tpu.memory_space<hbm>>
      tpu.enqueue_dma source(%arg12 : memref<625x64xf32, #tpu.memory_space<vmem>>) target(%dma_start3A_99 : memref<625x64xf32, #tpu.memory_space<hbm>>) target_semaphore(%run_scoped3A : memref<!tpu.dma_semaphore, #tpu.memory_space<semaphore_mem>>)
      %dma_wait3A_100 = arith.constant 0 : i32
      %dma_wait3A_101 = tpu.memref_slice %arg8[%arg0, %mul3A_0, %dma_wait3A_100] : memref<2x10000x64xf32, #tpu.memory_space<hbm>> -> memref<1x625x64xf32, #tpu.memory_space<hbm>>
      %dma_wait3A_102 = tpu.memref_squeeze %dma_wait3A_101 : memref<1x625x64xf32, #tpu.memory_space<hbm>> -> memref<625x64xf32, #tpu.memory_space<hbm>>
      %dma_wait3A_103 = arith.constant 0 : i32
      %dma_wait3A_104 = tpu.memref_slice %arg8[%arg0, %mul3A_0, %dma_wait3A_103] : memref<2x10000x64xf32, #tpu.memory_space<hbm>> -> memref<1x625x64xf32, #tpu.memory_space<hbm>>
      %dma_wait3A_105 = tpu.memref_squeeze %dma_wait3A_104 : memref<1x625x64xf32, #tpu.memory_space<hbm>> -> memref<625x64xf32, #tpu.memory_space<hbm>>
      tpu.wait_dma2 semaphore(%run_scoped3A : memref<!tpu.dma_semaphore, #tpu.memory_space<semaphore_mem>>) src(%arg12 : memref<625x64xf32, #tpu.memory_space<vmem>>) dst(%dma_wait3A_105 : memref<625x64xf32, #tpu.memory_space<hbm>>)
      tpu.yield
    }) : () -> ()
    return
  }
}

module attributes {stable_mosaic.version = 14 : i64} {
  func.func @_sage1_body(%arg0: i32, %arg1: memref<2x2000x64xf32, #tpu.memory_space<vmem>>, %arg2: memref<2x2000x16xf32, #tpu.memory_space<vmem>>, %arg3: memref<2000x128xf32, #tpu.memory_space<vmem>>, %arg4: memref<128x256xf32, #tpu.memory_space<vmem>>, %arg5: memref<1x256xf32, #tpu.memory_space<vmem>>, %arg6: memref<128x256xf32, #tpu.memory_space<vmem>>, %arg7: memref<2000x256xf32, #tpu.memory_space<vmem>>, %arg8: memref<8x256xf32, #tpu.memory_space<vmem>>) attributes {dimension_semantics = [#tpu.dimension_semantics<arbitrary>], iteration_bounds = array<i64: 5>, scalar_prefetch = 0 : i64, scratch_operands = 0 : i64, tpu.core_type = #tpu.core_type<tc>, window_params = [{transform_indices = @transform_0, window_bounds = array<i64: 2, 2000, 64>}, {transform_indices = @transform_1, window_bounds = array<i64: 2, 2000, 16>}, {transform_indices = @transform_2, window_bounds = array<i64: 2000, 128>}, {pipeline_mode = #tpu.pipeline_mode<synchronous>, transform_indices = @transform_3, window_bounds = array<i64: 128, 256>}, {pipeline_mode = #tpu.pipeline_mode<synchronous>, transform_indices = @transform_4, window_bounds = array<i64: 1, 256>}, {pipeline_mode = #tpu.pipeline_mode<synchronous>, transform_indices = @transform_5, window_bounds = array<i64: 128, 256>}, {transform_indices = @transform_6, window_bounds = array<i64: 2000, 256>}, {pipeline_mode = #tpu.pipeline_mode<synchronous>, transform_indices = @transform_7, window_bounds = array<i64: 8, 256>}]} {
    %get3A = arith.constant 0 : index
    %get3A_0 = arith.constant 0 : index
    %get3A_1 = arith.constant 0 : index
    %get3A_2 = vector.load %arg2[%get3A, %get3A_0, %get3A_1] : memref<2x2000x16xf32, #tpu.memory_space<vmem>>, vector<1x2000x16xf32>
    %get3A_3 = vector.shape_cast %get3A_2 : vector<1x2000x16xf32> to vector<2000x16xf32>
    %reduce_max3A = arith.constant dense<0xFF800000> : vector<2000xf32>
    %reduce_max3A_4 = vector.multi_reduction <maximumf>, %get3A_3, %reduce_max3A [1] : vector<2000x16xf32> to vector<2000xf32>
    %broadcast_in_dim3A = vector.shape_cast %reduce_max3A_4 : vector<2000xf32> to vector<2000x1xf32>
    %max3A = arith.constant 1.000000e+00 : f32
    %max3A_5 = vector.broadcast %max3A : f32 to vector<2000x1xf32>
    %max3A_6 = arith.maximumf %broadcast_in_dim3A, %max3A_5 : vector<2000x1xf32>
    %div3A = arith.constant 1.000000e+00 : f32
    %div3A_7 = vector.broadcast %div3A : f32 to vector<2000x1xf32>
    %div3A_8 = arith.divf %div3A_7, %max3A_6 : vector<2000x1xf32>
    %get3A_9 = arith.constant 0 : index
    %get3A_10 = arith.constant 0 : index
    %get3A_11 = arith.constant 0 : index
    %get3A_12 = vector.load %arg1[%get3A_9, %get3A_10, %get3A_11] : memref<2x2000x64xf32, #tpu.memory_space<vmem>>, vector<1x2000x64xf32>
    %get3A_13 = vector.shape_cast %get3A_12 : vector<1x2000x64xf32> to vector<2000x64xf32>
    %get3A_14 = arith.constant 1 : index
    %get3A_15 = arith.constant 0 : index
    %get3A_16 = arith.constant 0 : index
    %get3A_17 = vector.load %arg1[%get3A_14, %get3A_15, %get3A_16] : memref<2x2000x64xf32, #tpu.memory_space<vmem>>, vector<1x2000x64xf32>
    %get3A_18 = vector.shape_cast %get3A_17 : vector<1x2000x64xf32> to vector<2000x64xf32>
    %concatenate3A = tpu.concatenate %get3A_13, %get3A_18 in 1 : vector<2000x64xf32>, vector<2000x64xf32> -> vector<2000x128xf32>
    %mul3A = vector.broadcast %div3A_8 : vector<2000x1xf32> to vector<2000x128xf32>
    %mul3A_19 = arith.mulf %concatenate3A, %mul3A : vector<2000x128xf32>
    %get3A_20 = arith.constant 0 : index
    %get3A_21 = arith.constant 0 : index
    %get3A_22 = vector.load %arg4[%get3A_20, %get3A_21] : memref<128x256xf32, #tpu.memory_space<vmem>>, vector<128x256xf32>
    %dot_general3A = arith.constant dense<0.000000e+00> : vector<2000x256xf32>
    %dot_general3A_23 = tpu.matmul %mul3A_19, %get3A_22, %dot_general3A {dimension_numbers = #tpu.dot_dimension_numbers<[1], [0], [0], [1], [0, 0, 1, 1], [], []>, transpose_lhs_hint = false} : vector<2000x128xf32>, vector<128x256xf32>, vector<2000x256xf32> -> vector<2000x256xf32>
    %get3A_24 = arith.constant 0 : index
    %get3A_25 = arith.constant 0 : index
    %get3A_26 = vector.load %arg3[%get3A_24, %get3A_25] : memref<2000x128xf32, #tpu.memory_space<vmem>>, vector<2000x128xf32>
    %get3A_27 = arith.constant 0 : index
    %get3A_28 = arith.constant 0 : index
    %get3A_29 = vector.load %arg6[%get3A_27, %get3A_28] : memref<128x256xf32, #tpu.memory_space<vmem>>, vector<128x256xf32>
    %dot_general3A_30 = arith.constant dense<0.000000e+00> : vector<2000x256xf32>
    %dot_general3A_31 = tpu.matmul %get3A_26, %get3A_29, %dot_general3A_30 {dimension_numbers = #tpu.dot_dimension_numbers<[1], [0], [0], [1], [0, 0, 1, 1], [], []>, transpose_lhs_hint = false} : vector<2000x128xf32>, vector<128x256xf32>, vector<2000x256xf32> -> vector<2000x256xf32>
    %add3A = arith.addf %dot_general3A_23, %dot_general3A_31 : vector<2000x256xf32>
    %get3A_32 = arith.constant 0 : index
    %get3A_33 = arith.constant 0 : index
    %get3A_34 = vector.load %arg5[%get3A_32, %get3A_33] : memref<1x256xf32, #tpu.memory_space<vmem>>, vector<1x256xf32>
    %add3A_35 = vector.broadcast %get3A_34 : vector<1x256xf32> to vector<2000x256xf32>
    %add3A_36 = arith.addf %add3A, %add3A_35 : vector<2000x256xf32>
    %swap3A = arith.constant 0 : index
    %swap3A_37 = arith.constant 0 : index
    %swap3A_38 = vector.load %arg7[%swap3A, %swap3A_37] : memref<2000x256xf32, #tpu.memory_space<vmem>>, vector<2000x256xf32>
    tpu.vector_store %arg7[%swap3A, %swap3A_37], %add3A_36 {strides = array<i32>} : memref<2000x256xf32, #tpu.memory_space<vmem>>, vector<2000x256xf32>,
    %eq3A = arith.constant 0 : i32
    %eq3A_39 = arith.cmpi eq, %arg0, %eq3A : i32
    %convert_element_type3A = arith.extui %eq3A_39 : i1 to i32
    %cond3A = arith.constant 0 : i32
    %cond3A_40 = arith.cmpi ne, %convert_element_type3A, %cond3A : i32
    scf.if %cond3A_40 {
      %broadcast_in_dim3A_61 = arith.constant 0.000000e+00 : f32
      %broadcast_in_dim3A_62 = vector.broadcast %broadcast_in_dim3A_61 : f32 to vector<8x256xf32>
      %swap3A_63 = arith.constant 0 : index
      %swap3A_64 = arith.constant 0 : index
      %swap3A_65 = vector.load %arg8[%swap3A_63, %swap3A_64] : memref<8x256xf32, #tpu.memory_space<vmem>>, vector<8x256xf32>
      tpu.vector_store %arg8[%swap3A_63, %swap3A_64], %broadcast_in_dim3A_62 {strides = array<i32>} : memref<8x256xf32, #tpu.memory_space<vmem>>, vector<8x256xf32>,
    } else {
    }
    %get3A_41 = arith.constant 0 : index
    %get3A_42 = arith.constant 0 : index
    %get3A_43 = vector.load %arg8[%get3A_41, %get3A_42] : memref<8x256xf32, #tpu.memory_space<vmem>>, vector<1x256xf32>
    %reduce_sum3A = arith.constant dense<0.000000e+00> : vector<256xf32>
    %reduce_sum3A_44 = vector.multi_reduction <add>, %add3A_36, %reduce_sum3A [0] : vector<2000x256xf32> to vector<256xf32>
    %broadcast_in_dim3A_45 = vector.shape_cast %reduce_sum3A_44 : vector<256xf32> to vector<1x256xf32>
    %add3A_46 = arith.addf %get3A_43, %broadcast_in_dim3A_45 : vector<1x256xf32>
    %swap3A_47 = arith.constant 0 : index
    %swap3A_48 = arith.constant 0 : index
    %swap3A_49 = vector.load %arg8[%swap3A_47, %swap3A_48] : memref<8x256xf32, #tpu.memory_space<vmem>>, vector<1x256xf32>
    tpu.vector_store %arg8[%swap3A_47, %swap3A_48], %add3A_46 {strides = array<i32>} : memref<8x256xf32, #tpu.memory_space<vmem>>, vector<1x256xf32>,
    %get3A_50 = arith.constant 1 : index
    %get3A_51 = arith.constant 0 : index
    %get3A_52 = vector.load %arg8[%get3A_50, %get3A_51] : memref<8x256xf32, #tpu.memory_space<vmem>>, vector<1x256xf32>
    %mul3A_53 = arith.mulf %add3A_36, %add3A_36 : vector<2000x256xf32>
    %reduce_sum3A_54 = arith.constant dense<0.000000e+00> : vector<256xf32>
    %reduce_sum3A_55 = vector.multi_reduction <add>, %mul3A_53, %reduce_sum3A_54 [0] : vector<2000x256xf32> to vector<256xf32>
    %broadcast_in_dim3A_56 = vector.shape_cast %reduce_sum3A_55 : vector<256xf32> to vector<1x256xf32>
    %add3A_57 = arith.addf %get3A_52, %broadcast_in_dim3A_56 : vector<1x256xf32>
    %swap3A_58 = arith.constant 1 : index
    %swap3A_59 = arith.constant 0 : index
    %swap3A_60 = vector.load %arg8[%swap3A_58, %swap3A_59] : memref<8x256xf32, #tpu.memory_space<vmem>>, vector<1x256xf32>
    tpu.vector_store %arg8[%swap3A_58, %swap3A_59], %add3A_57 {strides = array<i32>} : memref<8x256xf32, #tpu.memory_space<vmem>>, vector<1x256xf32>,
    return
  }
  func.func @transform_0(%arg0: i32) -> (i32, i32, i32) {
    %c0_i32 = arith.constant 0 : i32
    %c0_i32_0 = arith.constant 0 : i32
    %c0_i32_1 = arith.constant 0 : i32
    return %c0_i32, %arg0, %c0_i32_0 : i32, i32, i32
  }
  func.func @transform_1(%arg0: i32) -> (i32, i32, i32) {
    %c0_i32 = arith.constant 0 : i32
    %c0_i32_0 = arith.constant 0 : i32
    %c0_i32_1 = arith.constant 0 : i32
    return %c0_i32, %arg0, %c0_i32_0 : i32, i32, i32
  }
  func.func @transform_2(%arg0: i32) -> (i32, i32) {
    %c0_i32 = arith.constant 0 : i32
    %c0_i32_0 = arith.constant 0 : i32
    return %arg0, %c0_i32 : i32, i32
  }
  func.func @transform_3(%arg0: i32) -> (i32, i32) {
    %c0_i32 = arith.constant 0 : i32
    %c0_i32_0 = arith.constant 0 : i32
    %c0_i32_1 = arith.constant 0 : i32
    return %c0_i32, %c0_i32_0 : i32, i32
  }
  func.func @transform_4(%arg0: i32) -> (i32, i32) {
    %c0_i32 = arith.constant 0 : i32
    %c0_i32_0 = arith.constant 0 : i32
    %c0_i32_1 = arith.constant 0 : i32
    return %c0_i32, %c0_i32_0 : i32, i32
  }
  func.func @transform_5(%arg0: i32) -> (i32, i32) {
    %c0_i32 = arith.constant 0 : i32
    %c0_i32_0 = arith.constant 0 : i32
    %c0_i32_1 = arith.constant 0 : i32
    return %c0_i32, %c0_i32_0 : i32, i32
  }
  func.func @transform_6(%arg0: i32) -> (i32, i32) {
    %c0_i32 = arith.constant 0 : i32
    %c0_i32_0 = arith.constant 0 : i32
    return %arg0, %c0_i32 : i32, i32
  }
  func.func @transform_7(%arg0: i32) -> (i32, i32) {
    %c0_i32 = arith.constant 0 : i32
    %c0_i32_0 = arith.constant 0 : i32
    %c0_i32_1 = arith.constant 0 : i32
    return %c0_i32, %c0_i32_0 : i32, i32
  }
}

module attributes {stable_mosaic.version = 14 : i64} {
  func.func @_lambda_(%arg0: i32, %arg1: memref<2000x256xf32, #tpu.memory_space<vmem>>, %arg2: memref<8x256xf32, #tpu.memory_space<vmem>>, %arg3: memref<1x256xf32, #tpu.memory_space<vmem>>, %arg4: memref<1x256xf32, #tpu.memory_space<vmem>>, %arg5: memref<2x256x64xf32, #tpu.memory_space<vmem>>, %arg6: memref<256x128xf32, #tpu.memory_space<vmem>>, %arg7: memref<2x2000x64xf32, #tpu.memory_space<vmem>>, %arg8: memref<2000x128xf32, #tpu.memory_space<vmem>>) attributes {dimension_semantics = [#tpu.dimension_semantics<arbitrary>], iteration_bounds = array<i64: 5>, scalar_prefetch = 0 : i64, scratch_operands = 0 : i64, tpu.core_type = #tpu.core_type<tc>, window_params = [{transform_indices = @transform_0, window_bounds = array<i64: 2000, 256>}, {pipeline_mode = #tpu.pipeline_mode<synchronous>, transform_indices = @transform_1, window_bounds = array<i64: 8, 256>}, {pipeline_mode = #tpu.pipeline_mode<synchronous>, transform_indices = @transform_2, window_bounds = array<i64: 1, 256>}, {pipeline_mode = #tpu.pipeline_mode<synchronous>, transform_indices = @transform_3, window_bounds = array<i64: 1, 256>}, {pipeline_mode = #tpu.pipeline_mode<synchronous>, transform_indices = @transform_4, window_bounds = array<i64: 2, 256, 64>}, {pipeline_mode = #tpu.pipeline_mode<synchronous>, transform_indices = @transform_5, window_bounds = array<i64: 256, 128>}, {transform_indices = @transform_6, window_bounds = array<i64: 2, 2000, 64>}, {transform_indices = @transform_7, window_bounds = array<i64: 2000, 128>}]} {
    %get3A = arith.constant 0 : index
    %get3A_0 = arith.constant 0 : index
    %get3A_1 = vector.load %arg2[%get3A, %get3A_0] : memref<8x256xf32, #tpu.memory_space<vmem>>, vector<1x256xf32>
    %mul3A = arith.constant 9.99999974E-5 : f32
    %mul3A_2 = vector.broadcast %mul3A : f32 to vector<1x256xf32>
    %mul3A_3 = arith.mulf %get3A_1, %mul3A_2 : vector<1x256xf32>
    %get3A_4 = arith.constant 1 : index
    %get3A_5 = arith.constant 0 : index
    %get3A_6 = vector.load %arg2[%get3A_4, %get3A_5] : memref<8x256xf32, #tpu.memory_space<vmem>>, vector<1x256xf32>
    %mul3A_7 = arith.constant 9.99999974E-5 : f32
    %mul3A_8 = vector.broadcast %mul3A_7 : f32 to vector<1x256xf32>
    %mul3A_9 = arith.mulf %get3A_6, %mul3A_8 : vector<1x256xf32>
    %mul3A_10 = arith.mulf %mul3A_3, %mul3A_3 : vector<1x256xf32>
    %sub3A = arith.subf %mul3A_9, %mul3A_10 : vector<1x256xf32>
    %get3A_11 = arith.constant 0 : index
    %get3A_12 = arith.constant 0 : index
    %get3A_13 = vector.load %arg3[%get3A_11, %get3A_12] : memref<1x256xf32, #tpu.memory_space<vmem>>, vector<1x256xf32>
    %add3A = arith.constant 9.99999974E-6 : f32
    %add3A_14 = vector.broadcast %add3A : f32 to vector<1x256xf32>
    %add3A_15 = arith.addf %sub3A, %add3A_14 : vector<1x256xf32>
    %rsqrt3A = math.rsqrt %add3A_15 : vector<1x256xf32>
    %mul3A_16 = arith.mulf %get3A_13, %rsqrt3A : vector<1x256xf32>
    %get3A_17 = arith.constant 0 : index
    %get3A_18 = arith.constant 0 : index
    %get3A_19 = vector.load %arg4[%get3A_17, %get3A_18] : memref<1x256xf32, #tpu.memory_space<vmem>>, vector<1x256xf32>
    %mul3A_20 = arith.mulf %mul3A_3, %mul3A_16 : vector<1x256xf32>
    %sub3A_21 = arith.subf %get3A_19, %mul3A_20 : vector<1x256xf32>
    %get3A_22 = arith.constant 0 : index
    %get3A_23 = arith.constant 0 : index
    %get3A_24 = vector.load %arg1[%get3A_22, %get3A_23] : memref<2000x256xf32, #tpu.memory_space<vmem>>, vector<2000x256xf32>
    %mul3A_25 = vector.broadcast %mul3A_16 : vector<1x256xf32> to vector<2000x256xf32>
    %mul3A_26 = arith.mulf %get3A_24, %mul3A_25 : vector<2000x256xf32>
    %add3A_27 = vector.broadcast %sub3A_21 : vector<1x256xf32> to vector<2000x256xf32>
    %add3A_28 = arith.addf %mul3A_26, %add3A_27 : vector<2000x256xf32>
    %max3A = arith.constant 0.000000e+00 : f32
    %max3A_29 = vector.broadcast %max3A : f32 to vector<2000x256xf32>
    %max3A_30 = arith.maximumf %add3A_28, %max3A_29 : vector<2000x256xf32>
    %get3A_31 = arith.constant 0 : index
    %get3A_32 = arith.constant 0 : index
    %get3A_33 = arith.constant 0 : index
    %get3A_34 = vector.load %arg5[%get3A_31, %get3A_32, %get3A_33] : memref<2x256x64xf32, #tpu.memory_space<vmem>>, vector<1x256x64xf32>
    %get3A_35 = vector.shape_cast %get3A_34 : vector<1x256x64xf32> to vector<256x64xf32>
    %dot_general3A = arith.constant dense<0.000000e+00> : vector<2000x64xf32>
    %dot_general3A_36 = tpu.matmul %max3A_30, %get3A_35, %dot_general3A {dimension_numbers = #tpu.dot_dimension_numbers<[1], [0], [0], [1], [0, 0, 1, 1], [], []>, transpose_lhs_hint = false} : vector<2000x256xf32>, vector<256x64xf32>, vector<2000x64xf32> -> vector<2000x64xf32>
    %swap3A = arith.constant 0 : index
    %swap3A_37 = arith.constant 0 : index
    %swap3A_38 = arith.constant 0 : index
    %swap3A_39 = vector.load %arg7[%swap3A, %swap3A_37, %swap3A_38] : memref<2x2000x64xf32, #tpu.memory_space<vmem>>, vector<1x2000x64xf32>
    %swap3A_40 = vector.shape_cast %swap3A_39 : vector<1x2000x64xf32> to vector<2000x64xf32>
    %swap3A_41 = vector.shape_cast %dot_general3A_36 : vector<2000x64xf32> to vector<1x2000x64xf32>
    tpu.vector_store %arg7[%swap3A, %swap3A_37, %swap3A_38], %swap3A_41 {strides = array<i32>} : memref<2x2000x64xf32, #tpu.memory_space<vmem>>, vector<1x2000x64xf32>,
    %get3A_42 = arith.constant 1 : index
    %get3A_43 = arith.constant 0 : index
    %get3A_44 = arith.constant 0 : index
    %get3A_45 = vector.load %arg5[%get3A_42, %get3A_43, %get3A_44] : memref<2x256x64xf32, #tpu.memory_space<vmem>>, vector<1x256x64xf32>
    %get3A_46 = vector.shape_cast %get3A_45 : vector<1x256x64xf32> to vector<256x64xf32>
    %dot_general3A_47 = arith.constant dense<0.000000e+00> : vector<2000x64xf32>
    %dot_general3A_48 = tpu.matmul %max3A_30, %get3A_46, %dot_general3A_47 {dimension_numbers = #tpu.dot_dimension_numbers<[1], [0], [0], [1], [0, 0, 1, 1], [], []>, transpose_lhs_hint = false} : vector<2000x256xf32>, vector<256x64xf32>, vector<2000x64xf32> -> vector<2000x64xf32>
    %swap3A_49 = arith.constant 1 : index
    %swap3A_50 = arith.constant 0 : index
    %swap3A_51 = arith.constant 0 : index
    %swap3A_52 = vector.load %arg7[%swap3A_49, %swap3A_50, %swap3A_51] : memref<2x2000x64xf32, #tpu.memory_space<vmem>>, vector<1x2000x64xf32>
    %swap3A_53 = vector.shape_cast %swap3A_52 : vector<1x2000x64xf32> to vector<2000x64xf32>
    %swap3A_54 = vector.shape_cast %dot_general3A_48 : vector<2000x64xf32> to vector<1x2000x64xf32>
    tpu.vector_store %arg7[%swap3A_49, %swap3A_50, %swap3A_51], %swap3A_54 {strides = array<i32>} : memref<2x2000x64xf32, #tpu.memory_space<vmem>>, vector<1x2000x64xf32>,
    %get3A_55 = arith.constant 0 : index
    %get3A_56 = arith.constant 0 : index
    %get3A_57 = vector.load %arg6[%get3A_55, %get3A_56] : memref<256x128xf32, #tpu.memory_space<vmem>>, vector<256x128xf32>
    %dot_general3A_58 = arith.constant dense<0.000000e+00> : vector<2000x128xf32>
    %dot_general3A_59 = tpu.matmul %max3A_30, %get3A_57, %dot_general3A_58 {dimension_numbers = #tpu.dot_dimension_numbers<[1], [0], [0], [1], [0, 0, 1, 1], [], []>, transpose_lhs_hint = false} : vector<2000x256xf32>, vector<256x128xf32>, vector<2000x128xf32> -> vector<2000x128xf32>
    %swap3A_60 = arith.constant 0 : index
    %swap3A_61 = arith.constant 0 : index
    %swap3A_62 = vector.load %arg8[%swap3A_60, %swap3A_61] : memref<2000x128xf32, #tpu.memory_space<vmem>>, vector<2000x128xf32>
    tpu.vector_store %arg8[%swap3A_60, %swap3A_61], %dot_general3A_59 {strides = array<i32>} : memref<2000x128xf32, #tpu.memory_space<vmem>>, vector<2000x128xf32>,
    return
  }
  func.func @transform_0(%arg0: i32) -> (i32, i32) {
    %c0_i32 = arith.constant 0 : i32
    %c0_i32_0 = arith.constant 0 : i32
    return %arg0, %c0_i32 : i32, i32
  }
  func.func @transform_1(%arg0: i32) -> (i32, i32) {
    %c0_i32 = arith.constant 0 : i32
    %c0_i32_0 = arith.constant 0 : i32
    %c0_i32_1 = arith.constant 0 : i32
    return %c0_i32, %c0_i32_0 : i32, i32
  }
  func.func @transform_2(%arg0: i32) -> (i32, i32) {
    %c0_i32 = arith.constant 0 : i32
    %c0_i32_0 = arith.constant 0 : i32
    %c0_i32_1 = arith.constant 0 : i32
    return %c0_i32, %c0_i32_0 : i32, i32
  }
  func.func @transform_3(%arg0: i32) -> (i32, i32) {
    %c0_i32 = arith.constant 0 : i32
    %c0_i32_0 = arith.constant 0 : i32
    %c0_i32_1 = arith.constant 0 : i32
    return %c0_i32, %c0_i32_0 : i32, i32
  }
  func.func @transform_4(%arg0: i32) -> (i32, i32, i32) {
    %c0_i32 = arith.constant 0 : i32
    %c0_i32_0 = arith.constant 0 : i32
    %c0_i32_1 = arith.constant 0 : i32
    %c0_i32_2 = arith.constant 0 : i32
    return %c0_i32, %c0_i32_0, %c0_i32_1 : i32, i32, i32
  }
  func.func @transform_5(%arg0: i32) -> (i32, i32) {
    %c0_i32 = arith.constant 0 : i32
    %c0_i32_0 = arith.constant 0 : i32
    %c0_i32_1 = arith.constant 0 : i32
    return %c0_i32, %c0_i32_0 : i32, i32
  }
  func.func @transform_6(%arg0: i32) -> (i32, i32, i32) {
    %c0_i32 = arith.constant 0 : i32
    %c0_i32_0 = arith.constant 0 : i32
    %c0_i32_1 = arith.constant 0 : i32
    return %c0_i32, %arg0, %c0_i32_0 : i32, i32, i32
  }
  func.func @transform_7(%arg0: i32) -> (i32, i32) {
    %c0_i32 = arith.constant 0 : i32
    %c0_i32_0 = arith.constant 0 : i32
    return %arg0, %c0_i32 : i32, i32
  }
}

module attributes {stable_mosaic.version = 14 : i64} {
  func.func @_combine_body(%arg0: i32, %arg1: memref<2x2000x64xf32, #tpu.memory_space<vmem>>, %arg2: memref<2x2000x16xf32, #tpu.memory_space<vmem>>, %arg3: memref<2000x128xf32, #tpu.memory_space<vmem>>, %arg4: memref<1x128xf32, #tpu.memory_space<vmem>>, %arg5: memref<2000x128xf32, #tpu.memory_space<vmem>>, %arg6: memref<8x128xf32, #tpu.memory_space<vmem>>) attributes {dimension_semantics = [#tpu.dimension_semantics<arbitrary>], iteration_bounds = array<i64: 5>, scalar_prefetch = 0 : i64, scratch_operands = 0 : i64, tpu.core_type = #tpu.core_type<tc>, window_params = [{transform_indices = @transform_0, window_bounds = array<i64: 2, 2000, 64>}, {transform_indices = @transform_1, window_bounds = array<i64: 2, 2000, 16>}, {transform_indices = @transform_2, window_bounds = array<i64: 2000, 128>}, {pipeline_mode = #tpu.pipeline_mode<synchronous>, transform_indices = @transform_3, window_bounds = array<i64: 1, 128>}, {transform_indices = @transform_4, window_bounds = array<i64: 2000, 128>}, {pipeline_mode = #tpu.pipeline_mode<synchronous>, transform_indices = @transform_5, window_bounds = array<i64: 8, 128>}]} {
    %get3A = arith.constant 0 : index
    %get3A_0 = arith.constant 0 : index
    %get3A_1 = arith.constant 0 : index
    %get3A_2 = vector.load %arg2[%get3A, %get3A_0, %get3A_1] : memref<2x2000x16xf32, #tpu.memory_space<vmem>>, vector<1x2000x16xf32>
    %get3A_3 = vector.shape_cast %get3A_2 : vector<1x2000x16xf32> to vector<2000x16xf32>
    %reduce_max3A = arith.constant dense<0xFF800000> : vector<2000xf32>
    %reduce_max3A_4 = vector.multi_reduction <maximumf>, %get3A_3, %reduce_max3A [1] : vector<2000x16xf32> to vector<2000xf32>
    %broadcast_in_dim3A = vector.shape_cast %reduce_max3A_4 : vector<2000xf32> to vector<2000x1xf32>
    %max3A = arith.constant 1.000000e+00 : f32
    %max3A_5 = vector.broadcast %max3A : f32 to vector<2000x1xf32>
    %max3A_6 = arith.maximumf %broadcast_in_dim3A, %max3A_5 : vector<2000x1xf32>
    %div3A = arith.constant 1.000000e+00 : f32
    %div3A_7 = vector.broadcast %div3A : f32 to vector<2000x1xf32>
    %div3A_8 = arith.divf %div3A_7, %max3A_6 : vector<2000x1xf32>
    %get3A_9 = arith.constant 0 : index
    %get3A_10 = arith.constant 0 : index
    %get3A_11 = arith.constant 0 : index
    %get3A_12 = vector.load %arg1[%get3A_9, %get3A_10, %get3A_11] : memref<2x2000x64xf32, #tpu.memory_space<vmem>>, vector<1x2000x64xf32>
    %get3A_13 = vector.shape_cast %get3A_12 : vector<1x2000x64xf32> to vector<2000x64xf32>
    %get3A_14 = arith.constant 1 : index
    %get3A_15 = arith.constant 0 : index
    %get3A_16 = arith.constant 0 : index
    %get3A_17 = vector.load %arg1[%get3A_14, %get3A_15, %get3A_16] : memref<2x2000x64xf32, #tpu.memory_space<vmem>>, vector<1x2000x64xf32>
    %get3A_18 = vector.shape_cast %get3A_17 : vector<1x2000x64xf32> to vector<2000x64xf32>
    %concatenate3A = tpu.concatenate %get3A_13, %get3A_18 in 1 : vector<2000x64xf32>, vector<2000x64xf32> -> vector<2000x128xf32>
    %mul3A = vector.broadcast %div3A_8 : vector<2000x1xf32> to vector<2000x128xf32>
    %mul3A_19 = arith.mulf %concatenate3A, %mul3A : vector<2000x128xf32>
    %get3A_20 = arith.constant 0 : index
    %get3A_21 = arith.constant 0 : index
    %get3A_22 = vector.load %arg3[%get3A_20, %get3A_21] : memref<2000x128xf32, #tpu.memory_space<vmem>>, vector<2000x128xf32>
    %add3A = arith.addf %mul3A_19, %get3A_22 : vector<2000x128xf32>
    %get3A_23 = arith.constant 0 : index
    %get3A_24 = arith.constant 0 : index
    %get3A_25 = vector.load %arg4[%get3A_23, %get3A_24] : memref<1x128xf32, #tpu.memory_space<vmem>>, vector<1x128xf32>
    %add3A_26 = vector.broadcast %get3A_25 : vector<1x128xf32> to vector<2000x128xf32>
    %add3A_27 = arith.addf %add3A, %add3A_26 : vector<2000x128xf32>
    %swap3A = arith.constant 0 : index
    %swap3A_28 = arith.constant 0 : index
    %swap3A_29 = vector.load %arg5[%swap3A, %swap3A_28] : memref<2000x128xf32, #tpu.memory_space<vmem>>, vector<2000x128xf32>
    tpu.vector_store %arg5[%swap3A, %swap3A_28], %add3A_27 {strides = array<i32>} : memref<2000x128xf32, #tpu.memory_space<vmem>>, vector<2000x128xf32>,
    %eq3A = arith.constant 0 : i32
    %eq3A_30 = arith.cmpi eq, %arg0, %eq3A : i32
    %convert_element_type3A = arith.extui %eq3A_30 : i1 to i32
    %cond3A = arith.constant 0 : i32
    %cond3A_31 = arith.cmpi ne, %convert_element_type3A, %cond3A : i32
    scf.if %cond3A_31 {
      %broadcast_in_dim3A_52 = arith.constant 0.000000e+00 : f32
      %broadcast_in_dim3A_53 = vector.broadcast %broadcast_in_dim3A_52 : f32 to vector<8x128xf32>
      %swap3A_54 = arith.constant 0 : index
      %swap3A_55 = arith.constant 0 : index
      %swap3A_56 = vector.load %arg6[%swap3A_54, %swap3A_55] : memref<8x128xf32, #tpu.memory_space<vmem>>, vector<8x128xf32>
      tpu.vector_store %arg6[%swap3A_54, %swap3A_55], %broadcast_in_dim3A_53 {strides = array<i32>} : memref<8x128xf32, #tpu.memory_space<vmem>>, vector<8x128xf32>,
    } else {
    }
    %get3A_32 = arith.constant 0 : index
    %get3A_33 = arith.constant 0 : index
    %get3A_34 = vector.load %arg6[%get3A_32, %get3A_33] : memref<8x128xf32, #tpu.memory_space<vmem>>, vector<1x128xf32>
    %reduce_sum3A = arith.constant dense<0.000000e+00> : vector<128xf32>
    %reduce_sum3A_35 = vector.multi_reduction <add>, %add3A_27, %reduce_sum3A [0] : vector<2000x128xf32> to vector<128xf32>
    %broadcast_in_dim3A_36 = vector.shape_cast %reduce_sum3A_35 : vector<128xf32> to vector<1x128xf32>
    %add3A_37 = arith.addf %get3A_34, %broadcast_in_dim3A_36 : vector<1x128xf32>
    %swap3A_38 = arith.constant 0 : index
    %swap3A_39 = arith.constant 0 : index
    %swap3A_40 = vector.load %arg6[%swap3A_38, %swap3A_39] : memref<8x128xf32, #tpu.memory_space<vmem>>, vector<1x128xf32>
    tpu.vector_store %arg6[%swap3A_38, %swap3A_39], %add3A_37 {strides = array<i32>} : memref<8x128xf32, #tpu.memory_space<vmem>>, vector<1x128xf32>,
    %get3A_41 = arith.constant 1 : index
    %get3A_42 = arith.constant 0 : index
    %get3A_43 = vector.load %arg6[%get3A_41, %get3A_42] : memref<8x128xf32, #tpu.memory_space<vmem>>, vector<1x128xf32>
    %mul3A_44 = arith.mulf %add3A_27, %add3A_27 : vector<2000x128xf32>
    %reduce_sum3A_45 = arith.constant dense<0.000000e+00> : vector<128xf32>
    %reduce_sum3A_46 = vector.multi_reduction <add>, %mul3A_44, %reduce_sum3A_45 [0] : vector<2000x128xf32> to vector<128xf32>
    %broadcast_in_dim3A_47 = vector.shape_cast %reduce_sum3A_46 : vector<128xf32> to vector<1x128xf32>
    %add3A_48 = arith.addf %get3A_43, %broadcast_in_dim3A_47 : vector<1x128xf32>
    %swap3A_49 = arith.constant 1 : index
    %swap3A_50 = arith.constant 0 : index
    %swap3A_51 = vector.load %arg6[%swap3A_49, %swap3A_50] : memref<8x128xf32, #tpu.memory_space<vmem>>, vector<1x128xf32>
    tpu.vector_store %arg6[%swap3A_49, %swap3A_50], %add3A_48 {strides = array<i32>} : memref<8x128xf32, #tpu.memory_space<vmem>>, vector<1x128xf32>,
    return
  }
  func.func @transform_0(%arg0: i32) -> (i32, i32, i32) {
    %c0_i32 = arith.constant 0 : i32
    %c0_i32_0 = arith.constant 0 : i32
    %c0_i32_1 = arith.constant 0 : i32
    return %c0_i32, %arg0, %c0_i32_0 : i32, i32, i32
  }
  func.func @transform_1(%arg0: i32) -> (i32, i32, i32) {
    %c0_i32 = arith.constant 0 : i32
    %c0_i32_0 = arith.constant 0 : i32
    %c0_i32_1 = arith.constant 0 : i32
    return %c0_i32, %arg0, %c0_i32_0 : i32, i32, i32
  }
  func.func @transform_2(%arg0: i32) -> (i32, i32) {
    %c0_i32 = arith.constant 0 : i32
    %c0_i32_0 = arith.constant 0 : i32
    return %arg0, %c0_i32 : i32, i32
  }
  func.func @transform_3(%arg0: i32) -> (i32, i32) {
    %c0_i32 = arith.constant 0 : i32
    %c0_i32_0 = arith.constant 0 : i32
    %c0_i32_1 = arith.constant 0 : i32
    return %c0_i32, %c0_i32_0 : i32, i32
  }
  func.func @transform_4(%arg0: i32) -> (i32, i32) {
    %c0_i32 = arith.constant 0 : i32
    %c0_i32_0 = arith.constant 0 : i32
    return %arg0, %c0_i32 : i32, i32
  }
  func.func @transform_5(%arg0: i32) -> (i32, i32) {
    %c0_i32 = arith.constant 0 : i32
    %c0_i32_0 = arith.constant 0 : i32
    %c0_i32_1 = arith.constant 0 : i32
    return %c0_i32, %c0_i32_0 : i32, i32
  }
}

module attributes {stable_mosaic.version = 14 : i64} {
  func.func @_lambda_(%arg0: i32, %arg1: memref<2000x128xf32, #tpu.memory_space<vmem>>, %arg2: memref<8x128xf32, #tpu.memory_space<vmem>>, %arg3: memref<1x128xf32, #tpu.memory_space<vmem>>, %arg4: memref<1x128xf32, #tpu.memory_space<vmem>>, %arg5: memref<2x128x32xf32, #tpu.memory_space<vmem>>, %arg6: memref<128x64xf32, #tpu.memory_space<vmem>>, %arg7: memref<2x2000x32xf32, #tpu.memory_space<vmem>>, %arg8: memref<2000x64xf32, #tpu.memory_space<vmem>>) attributes {dimension_semantics = [#tpu.dimension_semantics<arbitrary>], iteration_bounds = array<i64: 5>, scalar_prefetch = 0 : i64, scratch_operands = 0 : i64, tpu.core_type = #tpu.core_type<tc>, window_params = [{transform_indices = @transform_0, window_bounds = array<i64: 2000, 128>}, {pipeline_mode = #tpu.pipeline_mode<synchronous>, transform_indices = @transform_1, window_bounds = array<i64: 8, 128>}, {pipeline_mode = #tpu.pipeline_mode<synchronous>, transform_indices = @transform_2, window_bounds = array<i64: 1, 128>}, {pipeline_mode = #tpu.pipeline_mode<synchronous>, transform_indices = @transform_3, window_bounds = array<i64: 1, 128>}, {pipeline_mode = #tpu.pipeline_mode<synchronous>, transform_indices = @transform_4, window_bounds = array<i64: 2, 128, 32>}, {pipeline_mode = #tpu.pipeline_mode<synchronous>, transform_indices = @transform_5, window_bounds = array<i64: 128, 64>}, {transform_indices = @transform_6, window_bounds = array<i64: 2, 2000, 32>}, {transform_indices = @transform_7, window_bounds = array<i64: 2000, 64>}]} {
    %get3A = arith.constant 0 : index
    %get3A_0 = arith.constant 0 : index
    %get3A_1 = vector.load %arg2[%get3A, %get3A_0] : memref<8x128xf32, #tpu.memory_space<vmem>>, vector<1x128xf32>
    %mul3A = arith.constant 9.99999974E-5 : f32
    %mul3A_2 = vector.broadcast %mul3A : f32 to vector<1x128xf32>
    %mul3A_3 = arith.mulf %get3A_1, %mul3A_2 : vector<1x128xf32>
    %get3A_4 = arith.constant 1 : index
    %get3A_5 = arith.constant 0 : index
    %get3A_6 = vector.load %arg2[%get3A_4, %get3A_5] : memref<8x128xf32, #tpu.memory_space<vmem>>, vector<1x128xf32>
    %mul3A_7 = arith.constant 9.99999974E-5 : f32
    %mul3A_8 = vector.broadcast %mul3A_7 : f32 to vector<1x128xf32>
    %mul3A_9 = arith.mulf %get3A_6, %mul3A_8 : vector<1x128xf32>
    %mul3A_10 = arith.mulf %mul3A_3, %mul3A_3 : vector<1x128xf32>
    %sub3A = arith.subf %mul3A_9, %mul3A_10 : vector<1x128xf32>
    %get3A_11 = arith.constant 0 : index
    %get3A_12 = arith.constant 0 : index
    %get3A_13 = vector.load %arg3[%get3A_11, %get3A_12] : memref<1x128xf32, #tpu.memory_space<vmem>>, vector<1x128xf32>
    %add3A = arith.constant 9.99999974E-6 : f32
    %add3A_14 = vector.broadcast %add3A : f32 to vector<1x128xf32>
    %add3A_15 = arith.addf %sub3A, %add3A_14 : vector<1x128xf32>
    %rsqrt3A = math.rsqrt %add3A_15 : vector<1x128xf32>
    %mul3A_16 = arith.mulf %get3A_13, %rsqrt3A : vector<1x128xf32>
    %get3A_17 = arith.constant 0 : index
    %get3A_18 = arith.constant 0 : index
    %get3A_19 = vector.load %arg4[%get3A_17, %get3A_18] : memref<1x128xf32, #tpu.memory_space<vmem>>, vector<1x128xf32>
    %mul3A_20 = arith.mulf %mul3A_3, %mul3A_16 : vector<1x128xf32>
    %sub3A_21 = arith.subf %get3A_19, %mul3A_20 : vector<1x128xf32>
    %get3A_22 = arith.constant 0 : index
    %get3A_23 = arith.constant 0 : index
    %get3A_24 = vector.load %arg1[%get3A_22, %get3A_23] : memref<2000x128xf32, #tpu.memory_space<vmem>>, vector<2000x128xf32>
    %mul3A_25 = vector.broadcast %mul3A_16 : vector<1x128xf32> to vector<2000x128xf32>
    %mul3A_26 = arith.mulf %get3A_24, %mul3A_25 : vector<2000x128xf32>
    %add3A_27 = vector.broadcast %sub3A_21 : vector<1x128xf32> to vector<2000x128xf32>
    %add3A_28 = arith.addf %mul3A_26, %add3A_27 : vector<2000x128xf32>
    %max3A = arith.constant 0.000000e+00 : f32
    %max3A_29 = vector.broadcast %max3A : f32 to vector<2000x128xf32>
    %max3A_30 = arith.maximumf %add3A_28, %max3A_29 : vector<2000x128xf32>
    %get3A_31 = arith.constant 0 : index
    %get3A_32 = arith.constant 0 : index
    %get3A_33 = arith.constant 0 : index
    %get3A_34 = vector.load %arg5[%get3A_31, %get3A_32, %get3A_33] : memref<2x128x32xf32, #tpu.memory_space<vmem>>, vector<1x128x32xf32>
    %get3A_35 = vector.shape_cast %get3A_34 : vector<1x128x32xf32> to vector<128x32xf32>
    %dot_general3A = arith.constant dense<0.000000e+00> : vector<2000x32xf32>
    %dot_general3A_36 = tpu.matmul %max3A_30, %get3A_35, %dot_general3A {dimension_numbers = #tpu.dot_dimension_numbers<[1], [0], [0], [1], [0, 0, 1, 1], [], []>, transpose_lhs_hint = false} : vector<2000x128xf32>, vector<128x32xf32>, vector<2000x32xf32> -> vector<2000x32xf32>
    %swap3A = arith.constant 0 : index
    %swap3A_37 = arith.constant 0 : index
    %swap3A_38 = arith.constant 0 : index
    %swap3A_39 = vector.load %arg7[%swap3A, %swap3A_37, %swap3A_38] : memref<2x2000x32xf32, #tpu.memory_space<vmem>>, vector<1x2000x32xf32>
    %swap3A_40 = vector.shape_cast %swap3A_39 : vector<1x2000x32xf32> to vector<2000x32xf32>
    %swap3A_41 = vector.shape_cast %dot_general3A_36 : vector<2000x32xf32> to vector<1x2000x32xf32>
    tpu.vector_store %arg7[%swap3A, %swap3A_37, %swap3A_38], %swap3A_41 {strides = array<i32>} : memref<2x2000x32xf32, #tpu.memory_space<vmem>>, vector<1x2000x32xf32>,
    %get3A_42 = arith.constant 1 : index
    %get3A_43 = arith.constant 0 : index
    %get3A_44 = arith.constant 0 : index
    %get3A_45 = vector.load %arg5[%get3A_42, %get3A_43, %get3A_44] : memref<2x128x32xf32, #tpu.memory_space<vmem>>, vector<1x128x32xf32>
    %get3A_46 = vector.shape_cast %get3A_45 : vector<1x128x32xf32> to vector<128x32xf32>
    %dot_general3A_47 = arith.constant dense<0.000000e+00> : vector<2000x32xf32>
    %dot_general3A_48 = tpu.matmul %max3A_30, %get3A_46, %dot_general3A_47 {dimension_numbers = #tpu.dot_dimension_numbers<[1], [0], [0], [1], [0, 0, 1, 1], [], []>, transpose_lhs_hint = false} : vector<2000x128xf32>, vector<128x32xf32>, vector<2000x32xf32> -> vector<2000x32xf32>
    %swap3A_49 = arith.constant 1 : index
    %swap3A_50 = arith.constant 0 : index
    %swap3A_51 = arith.constant 0 : index
    %swap3A_52 = vector.load %arg7[%swap3A_49, %swap3A_50, %swap3A_51] : memref<2x2000x32xf32, #tpu.memory_space<vmem>>, vector<1x2000x32xf32>
    %swap3A_53 = vector.shape_cast %swap3A_52 : vector<1x2000x32xf32> to vector<2000x32xf32>
    %swap3A_54 = vector.shape_cast %dot_general3A_48 : vector<2000x32xf32> to vector<1x2000x32xf32>
    tpu.vector_store %arg7[%swap3A_49, %swap3A_50, %swap3A_51], %swap3A_54 {strides = array<i32>} : memref<2x2000x32xf32, #tpu.memory_space<vmem>>, vector<1x2000x32xf32>,
    %get3A_55 = arith.constant 0 : index
    %get3A_56 = arith.constant 0 : index
    %get3A_57 = vector.load %arg6[%get3A_55, %get3A_56] : memref<128x64xf32, #tpu.memory_space<vmem>>, vector<128x64xf32>
    %dot_general3A_58 = arith.constant dense<0.000000e+00> : vector<2000x64xf32>
    %dot_general3A_59 = tpu.matmul %max3A_30, %get3A_57, %dot_general3A_58 {dimension_numbers = #tpu.dot_dimension_numbers<[1], [0], [0], [1], [0, 0, 1, 1], [], []>, transpose_lhs_hint = false} : vector<2000x128xf32>, vector<128x64xf32>, vector<2000x64xf32> -> vector<2000x64xf32>
    %swap3A_60 = arith.constant 0 : index
    %swap3A_61 = arith.constant 0 : index
    %swap3A_62 = vector.load %arg8[%swap3A_60, %swap3A_61] : memref<2000x64xf32, #tpu.memory_space<vmem>>, vector<2000x64xf32>
    tpu.vector_store %arg8[%swap3A_60, %swap3A_61], %dot_general3A_59 {strides = array<i32>} : memref<2000x64xf32, #tpu.memory_space<vmem>>, vector<2000x64xf32>,
    return
  }
  func.func @transform_0(%arg0: i32) -> (i32, i32) {
    %c0_i32 = arith.constant 0 : i32
    %c0_i32_0 = arith.constant 0 : i32
    return %arg0, %c0_i32 : i32, i32
  }
  func.func @transform_1(%arg0: i32) -> (i32, i32) {
    %c0_i32 = arith.constant 0 : i32
    %c0_i32_0 = arith.constant 0 : i32
    %c0_i32_1 = arith.constant 0 : i32
    return %c0_i32, %c0_i32_0 : i32, i32
  }
  func.func @transform_2(%arg0: i32) -> (i32, i32) {
    %c0_i32 = arith.constant 0 : i32
    %c0_i32_0 = arith.constant 0 : i32
    %c0_i32_1 = arith.constant 0 : i32
    return %c0_i32, %c0_i32_0 : i32, i32
  }
  func.func @transform_3(%arg0: i32) -> (i32, i32) {
    %c0_i32 = arith.constant 0 : i32
    %c0_i32_0 = arith.constant 0 : i32
    %c0_i32_1 = arith.constant 0 : i32
    return %c0_i32, %c0_i32_0 : i32, i32
  }
  func.func @transform_4(%arg0: i32) -> (i32, i32, i32) {
    %c0_i32 = arith.constant 0 : i32
    %c0_i32_0 = arith.constant 0 : i32
    %c0_i32_1 = arith.constant 0 : i32
    %c0_i32_2 = arith.constant 0 : i32
    return %c0_i32, %c0_i32_0, %c0_i32_1 : i32, i32, i32
  }
  func.func @transform_5(%arg0: i32) -> (i32, i32) {
    %c0_i32 = arith.constant 0 : i32
    %c0_i32_0 = arith.constant 0 : i32
    %c0_i32_1 = arith.constant 0 : i32
    return %c0_i32, %c0_i32_0 : i32, i32
  }
  func.func @transform_6(%arg0: i32) -> (i32, i32, i32) {
    %c0_i32 = arith.constant 0 : i32
    %c0_i32_0 = arith.constant 0 : i32
    %c0_i32_1 = arith.constant 0 : i32
    return %c0_i32, %arg0, %c0_i32_0 : i32, i32, i32
  }
  func.func @transform_7(%arg0: i32) -> (i32, i32) {
    %c0_i32 = arith.constant 0 : i32
    %c0_i32_0 = arith.constant 0 : i32
    return %arg0, %c0_i32 : i32, i32
  }
}

module attributes {stable_mosaic.version = 14 : i64} {
  func.func @_final_body(%arg0: i32, %arg1: memref<2x2000x32xf32, #tpu.memory_space<vmem>>, %arg2: memref<2x2000x16xf32, #tpu.memory_space<vmem>>, %arg3: memref<2000x64xf32, #tpu.memory_space<vmem>>, %arg4: memref<1x64xf32, #tpu.memory_space<vmem>>, %arg5: memref<64x128xf32, #tpu.memory_space<vmem>>, %arg6: memref<1x1xf32, #tpu.memory_space<vmem>>, %arg7: memref<2000x128xf32, #tpu.memory_space<vmem>>) attributes {dimension_semantics = [#tpu.dimension_semantics<arbitrary>], iteration_bounds = array<i64: 5>, scalar_prefetch = 0 : i64, scratch_operands = 0 : i64, tpu.core_type = #tpu.core_type<tc>, window_params = [{transform_indices = @transform_0, window_bounds = array<i64: 2, 2000, 32>}, {transform_indices = @transform_1, window_bounds = array<i64: 2, 2000, 16>}, {transform_indices = @transform_2, window_bounds = array<i64: 2000, 64>}, {pipeline_mode = #tpu.pipeline_mode<synchronous>, transform_indices = @transform_3, window_bounds = array<i64: 1, 64>}, {pipeline_mode = #tpu.pipeline_mode<synchronous>, transform_indices = @transform_4, window_bounds = array<i64: 64, 128>}, {pipeline_mode = #tpu.pipeline_mode<synchronous>, transform_indices = @transform_5, window_bounds = array<i64: 1, 1>}, {transform_indices = @transform_6, window_bounds = array<i64: 2000, 128>}]} {
    %get3A = arith.constant 0 : index
    %get3A_0 = arith.constant 0 : index
    %get3A_1 = arith.constant 0 : index
    %get3A_2 = vector.load %arg2[%get3A, %get3A_0, %get3A_1] : memref<2x2000x16xf32, #tpu.memory_space<vmem>>, vector<1x2000x16xf32>
    %get3A_3 = vector.shape_cast %get3A_2 : vector<1x2000x16xf32> to vector<2000x16xf32>
    %reduce_max3A = arith.constant dense<0xFF800000> : vector<2000xf32>
    %reduce_max3A_4 = vector.multi_reduction <maximumf>, %get3A_3, %reduce_max3A [1] : vector<2000x16xf32> to vector<2000xf32>
    %broadcast_in_dim3A = vector.shape_cast %reduce_max3A_4 : vector<2000xf32> to vector<2000x1xf32>
    %max3A = arith.constant 1.000000e+00 : f32
    %max3A_5 = vector.broadcast %max3A : f32 to vector<2000x1xf32>
    %max3A_6 = arith.maximumf %broadcast_in_dim3A, %max3A_5 : vector<2000x1xf32>
    %div3A = arith.constant 1.000000e+00 : f32
    %div3A_7 = vector.broadcast %div3A : f32 to vector<2000x1xf32>
    %div3A_8 = arith.divf %div3A_7, %max3A_6 : vector<2000x1xf32>
    %get3A_9 = arith.constant 0 : index
    %get3A_10 = arith.constant 0 : index
    %get3A_11 = arith.constant 0 : index
    %get3A_12 = vector.load %arg1[%get3A_9, %get3A_10, %get3A_11] : memref<2x2000x32xf32, #tpu.memory_space<vmem>>, vector<1x2000x32xf32>
    %get3A_13 = vector.shape_cast %get3A_12 : vector<1x2000x32xf32> to vector<2000x32xf32>
    %get3A_14 = arith.constant 1 : index
    %get3A_15 = arith.constant 0 : index
    %get3A_16 = arith.constant 0 : index
    %get3A_17 = vector.load %arg1[%get3A_14, %get3A_15, %get3A_16] : memref<2x2000x32xf32, #tpu.memory_space<vmem>>, vector<1x2000x32xf32>
    %get3A_18 = vector.shape_cast %get3A_17 : vector<1x2000x32xf32> to vector<2000x32xf32>
    %concatenate3A = tpu.concatenate %get3A_13, %get3A_18 in 1 : vector<2000x32xf32>, vector<2000x32xf32> -> vector<2000x64xf32>
    %mul3A = vector.broadcast %div3A_8 : vector<2000x1xf32> to vector<2000x64xf32>
    %mul3A_19 = arith.mulf %concatenate3A, %mul3A : vector<2000x64xf32>
    %get3A_20 = arith.constant 0 : index
    %get3A_21 = arith.constant 0 : index
    %get3A_22 = vector.load %arg3[%get3A_20, %get3A_21] : memref<2000x64xf32, #tpu.memory_space<vmem>>, vector<2000x64xf32>
    %add3A = arith.addf %mul3A_19, %get3A_22 : vector<2000x64xf32>
    %get3A_23 = arith.constant 0 : index
    %get3A_24 = arith.constant 0 : index
    %get3A_25 = vector.load %arg4[%get3A_23, %get3A_24] : memref<1x64xf32, #tpu.memory_space<vmem>>, vector<1x64xf32>
    %add3A_26 = vector.broadcast %get3A_25 : vector<1x64xf32> to vector<2000x64xf32>
    %add3A_27 = arith.addf %add3A, %add3A_26 : vector<2000x64xf32>
    %max3A_28 = arith.constant 0.000000e+00 : f32
    %max3A_29 = vector.broadcast %max3A_28 : f32 to vector<2000x64xf32>
    %max3A_30 = arith.maximumf %add3A_27, %max3A_29 : vector<2000x64xf32>
    %get3A_31 = arith.constant 0 : index
    %get3A_32 = arith.constant 0 : index
    %get3A_33 = vector.load %arg5[%get3A_31, %get3A_32] : memref<64x128xf32, #tpu.memory_space<vmem>>, vector<64x128xf32>
    %dot_general3A = arith.constant dense<0.000000e+00> : vector<2000x128xf32>
    %dot_general3A_34 = tpu.matmul %max3A_30, %get3A_33, %dot_general3A {dimension_numbers = #tpu.dot_dimension_numbers<[1], [0], [0], [1], [0, 0, 1, 1], [], []>, transpose_lhs_hint = false} : vector<2000x64xf32>, vector<64x128xf32>, vector<2000x128xf32> -> vector<2000x128xf32>
    %get3A_35 = arith.constant 0 : index
    %get3A_36 = arith.constant 0 : index
    %get3A_37 = vector.load %arg6[%get3A_35, %get3A_36] : memref<1x1xf32, #tpu.memory_space<vmem>>, vector<1x1xf32>
    %add3A_38 = vector.broadcast %get3A_37 : vector<1x1xf32> to vector<2000x128xf32>
    %add3A_39 = arith.addf %dot_general3A_34, %add3A_38 : vector<2000x128xf32>
    %neg3A = arith.constant 0.000000e+00 : f32
    %neg3A_40 = vector.broadcast %neg3A : f32 to vector<2000x128xf32>
    %neg3A_41 = arith.subf %neg3A_40, %add3A_39 : vector<2000x128xf32>
    %exp3A = math.exp %neg3A_41 : vector<2000x128xf32>
    %add3A_42 = arith.constant 1.000000e+00 : f32
    %add3A_43 = vector.broadcast %add3A_42 : f32 to vector<2000x128xf32>
    %add3A_44 = arith.addf %add3A_43, %exp3A : vector<2000x128xf32>
    %div3A_45 = arith.constant 1.000000e+00 : f32
    %div3A_46 = vector.broadcast %div3A_45 : f32 to vector<2000x128xf32>
    %div3A_47 = arith.divf %div3A_46, %add3A_44 : vector<2000x128xf32>
    %swap3A = arith.constant 0 : index
    %swap3A_48 = arith.constant 0 : index
    %swap3A_49 = vector.load %arg7[%swap3A, %swap3A_48] : memref<2000x128xf32, #tpu.memory_space<vmem>>, vector<2000x128xf32>
    tpu.vector_store %arg7[%swap3A, %swap3A_48], %div3A_47 {strides = array<i32>} : memref<2000x128xf32, #tpu.memory_space<vmem>>, vector<2000x128xf32>,
    return
  }
  func.func @transform_0(%arg0: i32) -> (i32, i32, i32) {
    %c0_i32 = arith.constant 0 : i32
    %c0_i32_0 = arith.constant 0 : i32
    %c0_i32_1 = arith.constant 0 : i32
    return %c0_i32, %arg0, %c0_i32_0 : i32, i32, i32
  }
  func.func @transform_1(%arg0: i32) -> (i32, i32, i32) {
    %c0_i32 = arith.constant 0 : i32
    %c0_i32_0 = arith.constant 0 : i32
    %c0_i32_1 = arith.constant 0 : i32
    return %c0_i32, %arg0, %c0_i32_0 : i32, i32, i32
  }
  func.func @transform_2(%arg0: i32) -> (i32, i32) {
    %c0_i32 = arith.constant 0 : i32
    %c0_i32_0 = arith.constant 0 : i32
    return %arg0, %c0_i32 : i32, i32
  }
  func.func @transform_3(%arg0: i32) -> (i32, i32) {
    %c0_i32 = arith.constant 0 : i32
    %c0_i32_0 = arith.constant 0 : i32
    %c0_i32_1 = arith.constant 0 : i32
    return %c0_i32, %c0_i32_0 : i32, i32
  }
  func.func @transform_4(%arg0: i32) -> (i32, i32) {
    %c0_i32 = arith.constant 0 : i32
    %c0_i32_0 = arith.constant 0 : i32
    %c0_i32_1 = arith.constant 0 : i32
    return %c0_i32, %c0_i32_0 : i32, i32
  }
  func.func @transform_5(%arg0: i32) -> (i32, i32) {
    %c0_i32 = arith.constant 0 : i32
    %c0_i32_0 = arith.constant 0 : i32
    %c0_i32_1 = arith.constant 0 : i32
    return %c0_i32, %c0_i32_0 : i32, i32
  }
  func.func @transform_6(%arg0: i32) -> (i32, i32) {
    %c0_i32 = arith.constant 0 : i32
    %c0_i32_0 = arith.constant 0 : i32
    return %arg0, %c0_i32 : i32, i32
  }
}

</mosaic_0001>

<sc_bundles>
// kernel: kernel.10.cloned.1.call-start
scs
__scs_entry_jumppad:
0x0: {  	(pc) =	sbr.rel $0x88, $3  }
0x1: {  	(tag) =	ssettag $0x0;
	lr =	simm.s32 $0x1  }
0x2: {  	[smem:$0x3F90] =	sst lr;
	_ =	strace $0xD0000000  }
0x3: {  	_ = 	snop  }
0x4: {  	_ = 	snop  }
0x5: {  	_ = 	snop  }
0x6: {  	_ = 	snop  }
0x7: {  	_ = 	snop  }
__scs_overlays_trampoline_lowered:
0x8: {  	[smem:$0x3F9F] =	sst s0  }
0x9: {  	[smem:$0x3FA0] =	sst s1  }
0xa: {  	[smem:$0x3FA1] =	sst s2  }
0xb: {  	[smem:$0x3FA2] =	sst s3  }
0xc: {  	[smem:$0x3FA3] =	sst s4  }
0xd: {  	[smem:$0x3FA4] =	sst s5  }
0xe: {  	[smem:$0x3FA5] =	sst s6  }
0xf: {  	[smem:$0x3FA6] =	sst s7  }
0x10: {  	[smem:$0x3FA7] =	sst s8  }
0x11: {  	[smem:$0x3FA8] =	sst s9;
	s0 =	simm.s32 @!p0 $0x0  }
0x12: {  	s1 =	sld [smem:$0x3F8E];
	s0 =	simm.s32 @p0 $0x1  }
0x13: {  	[smem:$0x3FA9] =	sst s0;
	s0 =	simm.s32 @!p1 $0x0  }
0x14: {  	s2 =	sld [smem:$0x3F8D];
	s0 =	simm.s32 @p1 $0x1  }
0x15: {  	[smem:$0x3FAA] =	sst s0;
	s0 =	simm.s32 @!p2 $0x0  }
0x16: {  	s3 =	sld [smem:$0x3FDB];
	s0 =	simm.s32 @p2 $0x1  }
0x17: {  	s4 =	simm.s32 $0x1BF5;
	[smem:$0x3FAC] =	sst s0  }
0x18: {  	s0 =	sld [smem:$0x3F8F];
	_ =	swait.ge [sflag:s4], $0x0  }
0x19: {  	s7 =	sld [smem:$0x3F90]  }
0x1a: {  	s8 =	sadd.s32 $0xFFFFE003, lr  }
0x1b: {  	s9 =	sadd.s32 $0xFFFFFEF7, lr;
	s5 =	simm.s32 $0xFFFFFFFF;
	p2 =	slt.u32 s8, $0xFFFFF086  }
0x1c: {  	p1 =	slt.u32 s9, $0xF7A;
	s5 =	simm.s32 @!p2 $0x0  }
0x1d: {  	s5 =	simm.s32 @p1 $0x1;
	p0 =	seq.s32 s7, s2  }
0x1e: {  	s7 =	smul.u32 @!p0 $0xF7A, s2;
	p2 =	seq.s32 @!p0 s5, $0x0  }
0x1f: {  	s9 =	smul.u32 $0xF7A, s1;
	s8 =	simm.s32 @!p0 $0x1BF5;
	p2 =	por !p2, p0  }
0x20: {  	[sflag:s8] =	ssyncset.s32 @!p0 $0xFFFFF086;
	s6 =	sadd.s32 @!p0 s3, s7;
	s7 =	simm.s32 @!p0 $0x108  }
0x21: {  	s3 =	sadd.s32 s3, s9;
	s6 =	sadd.s32 @!p0 $0x88, s6;
	s7 =	simm.s32 @p2 $0x1082  }
0x22: {  	[simem:s7], [sflag:s8] =	dma.local @!p0 [hbm:s6], $0xF7A  }
0x23: {  	s9 =	sor.u32 $0xD0000000, s2;
	s6 =	simm.s32 $0x108;
	_ =	swait.ge @!p0 [sflag:s8], $0x0  }
0x24: {  	s3 =	sadd.s32 $0x88, s3;
	s6 =	simm.s32 @!p1 $0x1082;
	[sflag:s4] =	ssyncset.s32 $0xFFFFF086  }
0x25: {  	[simem:s6], [sflag:s4] =	dma.local [hbm:s3], $0xF7A  }
0x26: {  	[smem:$0x3F90] =	sst s1;
	(tag) =	ssettag s2;
	_ =	strace s9  }
0x27: {  	s1 =	sld [smem:$0x3FA0]  }
0x28: {  	s2 =	sld [smem:$0x3FA1]  }
0x29: {  	s4 =	sld [smem:$0x3FA3]  }
0x2a: {  	p0 =	seq.s32 s5, $0x0;
	s5 =	sld [smem:$0x3FA4]  }
0x2b: {  	s6 =	sld [smem:$0x3FA5]  }
0x2c: {  	s7 =	sld [smem:$0x3FA6]  }
0x2d: {  	s3 =	simm.s32 $0x108;
	s8 =	sld [smem:$0x3FA7]  }
0x2e: {  	s3 =	simm.s32 @!p0 $0x1082;
	s9 =	sld [smem:$0x3FA8]  }
0x2f: {  	lr =	sadd.s32 s0, s3;
	s0 =	sld [smem:$0x3F9F]  }
0x30: {  	s3 =	sld [smem:$0x3FA2]  }
0x31: {  	[smem:$0x3FAB] =	sst s10  }
0x32: {  	s10 =	sld [smem:$0x3FA9];
	_ =	sdelay $0x3  }
0x33: {  	p0 =	seq.s32 s10, $0x1;
	s10 =	sld [smem:$0x3FAB];
	_ =	sdelay $0x3  }
0x34: {  	[smem:$0x3FAB] =	sst s10  }
0x35: {  	s10 =	sld [smem:$0x3FAA];
	_ =	sdelay $0x3  }
0x36: {  	p1 =	seq.s32 s10, $0x1;
	s10 =	sld [smem:$0x3FAB];
	_ =	sdelay $0x3  }
0x37: {  	[smem:$0x3FAB] =	sst s10  }
0x38: {  	s10 =	sld [smem:$0x3FAC]  }
0x39: {  	_ = 	snop;
	(pc) =	sbr.ind lr, $3  }
0x3a: {  	_ = 	snop  }
0x3b: {  	_ = 	snop  }
0x3c: {  	p2 =	seq.s32 s10, $0x1;
	s10 =	sld [smem:$0x3FAB]  }
0x3d: {  	_ =	shalt  }
0x3e: {  	_ =	shalt  }
0x3f: {  	_ =	shalt  }
0x40: {  	_ =	shalt  }
0x41: {  	_ =	shalt  }
0x42: {  	_ =	shalt  }
0x43: {  	_ =	shalt  }
0x44: {  	_ =	shalt  }
0x45: {  	_ =	shalt  }
0x46: {  	_ =	shalt  }
0x47: {  	_ =	shalt  }
0x48: {  	_ =	shalt  }
0x49: {  	_ =	shalt  }
0x4a: {  	_ =	shalt  }
0x4b: {  	_ =	shalt  }
0x4c: {  	_ =	shalt  }
0x4d: {  	_ =	shalt  }
0x4e: {  	_ =	shalt  }
0x4f: {  	_ =	shalt  }
0x50: {  	_ =	shalt  }
0x51: {  	_ =	shalt  }
0x52: {  	_ =	shalt  }
0x53: {  	_ =	shalt  }
0x54: {  	_ =	shalt  }
0x55: {  	_ =	shalt  }
0x56: {  	_ =	shalt  }
0x57: {  	_ =	shalt  }
0x58: {  	_ =	shalt  }
0x59: {  	_ =	shalt  }
0x5a: {  	_ =	shalt  }
0x5b: {  	_ =	shalt  }
0x5c: {  	_ =	shalt  }
0x5d: {  	_ =	shalt  }
0x5e: {  	_ =	shalt  }
0x5f: {  	_ =	shalt  }
0x60: {  	_ =	shalt  }
0x61: {  	_ =	shalt  }
0x62: {  	_ =	shalt  }
0x63: {  	_ =	shalt  }
0x64: {  	_ =	shalt  }
0x65: {  	_ =	shalt  }
0x66: {  	_ =	shalt  }
0x67: {  	_ =	shalt  }
0x68: {  	_ =	shalt  }
0x69: {  	_ =	shalt  }
0x6a: {  	_ =	shalt  }
0x6b: {  	_ =	shalt  }
0x6c: {  	_ =	shalt  }
0x6d: {  	_ =	shalt  }
0x6e: {  	_ =	shalt  }
0x6f: {  	_ =	shalt  }
0x70: {  	_ =	shalt  }
0x71: {  	_ =	shalt  }
0x72: {  	_ =	shalt  }
0x73: {  	_ =	shalt  }
0x74: {  	_ =	shalt  }
0x75: {  	_ =	shalt  }
0x76: {  	_ =	shalt  }
0x77: {  	_ =	shalt  }
0x78: {  	_ =	shalt  }
0x79: {  	_ =	shalt  }
0x7a: {  	_ =	shalt  }
0x7b: {  	_ =	shalt  }
0x7c: {  	_ =	shalt  }
0x7d: {  	_ =	shalt  }
0x7e: {  	_ =	shalt  }
0x7f: {  	_ =	shalt  }
0x80: {  	_ =	shalt  }
0x81: {  	_ =	shalt  }
0x82: {  	_ =	shalt  }
0x83: {  	_ =	shalt  }
0x84: {  	_ =	shalt  }
0x85: {  	_ =	shalt  }
0x86: {  	_ =	shalt  }
0x87: {  	_ =	shalt  }
.Lfunc_end0:
.L_simem_size_0:
called_computation_lowered:
.L_overlay_start_0:
0x88: {  	s2 =	sld [smem:$0x3FD9]  }
0x89: {  	s3 =	sld [smem:$0x3FFE];
	_ =	sdelay $0x1  }
0x8a: {  	s1 =	srdreg.scid  }
0x8b: {  	s0 =	sand.u32 $0x1, s1  }
0x8c: {  	s17 =	sshll.u32 s0, $0xA;
	s2 =	sadd.s32 s3, s2  }
0x8d: {  	s2 =	sadd.s32 s2, s17  }
0x8e: {  	[smem:$0x3FB7] =	sst s2  }
0x8f: {  	_ = 	snop  }
0x90: {  	s2 =	sld [smem:$0x3FD0];
	(tm) =	ssettm $0x1  }
0x91: {  	s18 =	sld [smem:$0x3FFB];
	_ =	sdelay $0x3  }
0x92: {  	_ =	strace s18  }
0x93: {  	s3 =	sld [smem:$0x3FFC];
	_ =	sdelay $0x3  }
0x94: {  	_ =	strace s3  }
0x95: {  	s3 =	sld [smem:$0x3FFD];
	_ =	sdelay $0x3  }
0x96: {  	_ =	strace s3  }
0x97: {  	_ =	strace $0x8FFFFFFF  }
0x98: {  	s19 =	sld [smem:$0x3FDB];
	_ =	sdelay $0x1  }
0x99: {  	s4 =	simm.s32 $_scs_section_size  }
0x9a: {  	s5 =	simm.s32 $_size__tile_overlayer_lowered;
	s6 =	simm.s32 $_tile_overlayer_lowered  }
0x9b: {  	s22 =	simm.s32 $0x1BFF;
	s21 =	sshll.u32 s6, $0x1;
	s3 =	sadd.s32 s4, s19  }
0x9c: {  	s7 =	simm.s32 $0x0;
	s20 =	sshll.u32 s5, $0x1;
	s5 =	sadd.s32 s21, s3  }
0x9d: {  	[timem:s7], [sflag:s22] =	dma.local [hbm:s5], s20  }
0x9e: {  	_ =	swait.ge [sflag:s22], s20  }
0x9f: {  	s4 =	ssub.s32 $0x0, s20;
	[sflag:s22] =	ssyncset.done $0x0  }
0xa0: {  	[sflag:s22] =	ssyncadd.s32 s4;
	_ =	sdelay $0x1  }
0xa1: {  	s23 =	simm.s32 $0x1B8B  }
0xa2: {  	_ =	swait.ge [sflag:s23], $0x1  }
0xa3: {  	[sflag:s23] =	ssyncset.done $0x0  }
0xa4: {  	s25 =	simm.s32 $0x1B8E;
	s24 =	sld [smem:$0x3FFE];
	[sflag:s23] =	ssyncadd.s32 $0xFFFFFFFF  }
0xa5: {  	s26 =	simm.s32 $execute0_lowered;
	[smem:$0x3FD2] =	sst s25  }
0xa6: {  	s5 =	sshll.u32 s26, $0x1;
	_ =	strace $0x80000046;
	[dreg:$0x1] =	wrdreg $0xFFFFFFFF  }
0xa7: {  	s28 =	simm.s32 $_size_execute0_lowered;
	s3 =	sadd.s32 s3, s5;
	[dreg:$0x0] =	wrdreg $0x0  }
0xa8: {  	s5 =	sshll.u32 s28, $0x1;
	[dreg:$0x2] =	wrdreg s3  }
0xa9: {  	[dreg:$0x3] =	wrdreg s5  }
0xaa: {  	[dreg:$0x4] =	wrdreg $0xC0  }
0xab: {  	_ =	task [dreg:s7], $0x5FFFF  }
0xac: {  	[dreg:$0x1] =	wrdreg $0xFFFFFFFF  }
0xad: {  	[dreg:$0x0] =	wrdreg $0x60  }
0xae: {  	[dreg:$0x2] =	wrdreg s24  }
0xaf: {  	[dreg:$0x3] =	wrdreg s2  }
0xb0: {  	[dreg:$0x4] =	wrdreg $0x113000  }
0xb1: {  	[dreg:$0x5] =	wrdreg $0x1D8D00  }
0xb2: {  	[dreg:$0x6] =	wrdreg $0x9  }
0xb3: {  	_ =	task.clear_ibuf [dreg:s7], $0x7FFFF;
	_ =	strace $0x90000046  }
0xb4: {  	s29 =	simm.s32 $0x9;
	_ =	strace $0x80000048  }
0xb5: {  	_ =	swait.ge [sflag:s29], $0x1  }
0xb6: {  	[sflag:s29] =	ssyncadd.s32 $0xFFFFFFFF  }
0xb7: {  	_ =	strace $0x90000048  }
0xb8: {  	_ =	sfence  }
0xb9: {  	s30 =	sld [smem:$0x0];
	_ =	sdelay $0x2  }
0xba: {  	s31 =	sshll.u32 s1, $0xD;
	s1 =	sshrl.u32 s1, $0x2  }
0xbb: {  	s3 =	sand.u32 $0x4000, s31;
	s1 =	sadd.s32 s1, s30  }
0xbc: {  	s0 =	sor.u32 s3, s0;
	s1 =	sshll.u32 s1, $0x11  }
0xbd: {  	s0 =	sor.u32 s1, s0  }
0xbe: {  	s0 =	sadd.s32 $0x8F2B, s0  }
0xbf: {  	[sflag:s0] =	ssyncadd.remote.s32 $0x1  }
0xc0: {  	_ =	sfence.sel $0xFFFF  }
0xc1: {  	[dreg:$0x0] =	wrdreg $0xFFFFFFFF;
	(pc) =	sbr.abs _section_cstart, $3  }
0xc2: {  	[dreg:$0x1] =	wrdreg $0xFFFFFFFF  }
0xc3: {  	_ =	task.clear_ibuf [dreg:s7], $0x2FFFF;
	_ =	strace $0x9FFFFFFF  }
0xc4: {  	(tm) =	ssettm $0x7FFFFFFF  }
0xc5: {  	_ =	shalt  }
tec
execute0_lowered:
.L_overlay_start_1:
0x0: {  	(tag) =	ssettag $0x1  }
0x1: {  	s0 =	rddreg [dreg:$0x0]  }
0x2: {  	s3 =	rddreg [dreg:$0x2]  }
0x3: {  	s1 =	srdreg.scid;
	s5 =	stileid.u32  }
0x4: {  	s4 =	rddreg [dreg:$0x3];
	s24 =	simm.s32 $0x0;
	s28 =	simm.s32 $0x1B1C0  }
0x5: {  	s30 =	simm.s32 $0x4E48;
	s14 =	simm.s32 $0xE;
	s15 =	simm.s32 $0x3  }
0x6: {  	s16 =	simm.s32 $0xB;
	s17 =	simm.s32 $0xF;
	s2 =	smul.u32 $0x4E20, s5  }
0x7: {  	s19 =	simm.s32 $0x10;
	s31 =	simm.s32 $0x6CC0;
	s7 =	smul.u32 $0x9C40, s5  }
0x8: {  	s1 =	sand.u32 $0x1, s1;
	[smem:$0x7FF] =	sst s24;
	s10 =	smul.u32 $0x2710, s5  }
0x9: {  	s11 =	sadd.s32 $0x3200, s0;
	s13 =	sadd.s32 $0x47E00, s0;
	s25 =	smul.u32 $0x9C4, s5  }
0xa: {  	s20 =	sadd.s32 $0x47C00, s0;
	s5 =	simm.s32 $0x76C0;
	s6 =	smul.u32 $0x4E200, s1  }
0xb: {  	_ =	strace $0x80000047;
	s9 =	smul.u32 $0x9C400, s1;
	[dreg:$0x5] =	wrdreg s13  }
0xc: {  	s12 =	smul.u32 $0x27100, s1;
	[dreg:$0x6] =	wrdreg s20;
	s1 =	ssub.s32 $0x2, s1  }
0xd: {  	s13 =	simm.s32 $0x5;
	s21 =	sshrl.u32 s1, $0x1;
	s20 =	sadd.s32 s7, s3  }
0xe: {  	s22 =	sshrl.u32 s2, $0x3;
	s18 =	sadd.s32 s25, s11;
	s25 =	simm.s32 $0x28  }
0xf: {  	s8 =	sadd.s32 s2, s6;
	s6 =	sadd.s32 $0x20A00, s0;
	s9 =	sadd.s32 s7, s9  }
0x10: {  	s12 =	sadd.s32 s10, s12;
	s1 =	ssub.s32 s1, s21;
	s2 =	sadd.s32 $0x28, s2  }
0x11: {  	s21 =	sadd.s32 s10, s4;
	s7 =	sadd.s32 s11, s22;
	s22 =	simm.s32 $0x1AF40  }
0x12: {  	s10 =	simm.s32 $0xC;
	[dreg:$0x8] =	wrdreg s20;
	s8 =	sshrl.u32 s8, $0x3  }
0x13: {  	s9 =	sshrl.u32 s9, $0x3;
	s12 =	sshrl.u32 s12, $0x3;
	s2 =	sshrl.u32 s2, $0x3  }
0x14: {  	[dreg:$0xa] =	wrdreg s7;
	s23 =	sadd.s32 $0xA, s7;
	s29 =	smax.u32 s1, $0x1  }
0x15: {  	s7 =	simm.s32 $0x4E20;
	s1 =	simm.s32 $0x62C0;
	[dreg:$0x9] =	wrdreg s21  }
0x16: {  	s8 =	sadd.s32 s8, s0;
	s9 =	sadd.s32 s9, s0;
	[dreg:$0xc] =	wrdreg s23  }
0x17: {  	s0 =	sadd.s32 s12, s0;
	s2 =	sadd.s32 s11, s2;
	[dreg:$0xf] =	wrdreg s29  }
.Ltmp0:
0x18: {  	s8 =	sadd.s32 $0xD000, s8;
	[dreg:$0xb] =	wrdreg s2;
	(pc) =	sbr.rel .LBB2_1-.Ltmp0, $4  }
0x19: {  	s12 =	simm.s32 $0x6;
	s26 =	sadd.s32 $0x53000, s9;
	[dreg:$0x7] =	wrdreg s8  }
0x1a: {  	s23 =	simm.s32 $0x4;
	s0 =	sadd.s32 $0x49200, s0;
	[dreg:$0xd] =	wrdreg s26  }
0x1b: {  	s11 =	simm.s32 $0x7;
	s9 =	simm.s32 $0xA;
	[dreg:$0xe] =	wrdreg s0  }
0x1c: {  	s26 =	simm.s32 $0x12;
	s0 =	simm.s32 $0x4E70;
	s8 =	simm.s32 $0x0  }
.LBB2_4:
0x1d: {  	s0 =	simm.s32 $0x8  }
0x1e: {  	_ =	swait.ge [sflag:s0], $0xA00  }
0x1f: {  	[sflag:s0] =	ssyncset.done $0x0  }
0x20: {  	s5 =	simm.s32 $0x11;
	[sflag:s0] =	ssyncadd.s32 $0xFFFFF600  }
0x21: {  	_ =	swait.ge [sflag:s5], $0x280  }
0x22: {  	[sflag:s5] =	ssyncset.done $0x0  }
0x23: {  	[sflag:s5] =	ssyncadd.s32 $0xFFFFFD80  }
0x24: {  	[bflag:$0x0] =	sbarrier.arrive $0xFFFF  }
0x25: {  	s26 =	simm.s32 $0x12;
	s5 =	simm.s32 $0x76C0;
	s20 =	rddreg [dreg:$0x8]  }
0x26: {  	[tilespmem:s5], [sflag:$0x12] =	stream.linear.gather [spmem:s20], $0x9C40, $0x38;
	v63 =	vld [tilespmem:$0x0]  }
0x27: {  	_ =	swait.ge [sflag:s26], $0x9C40  }
0x28: {  	[sflag:s26] =	ssyncset.done $0x0  }
0x29: {  	s24 =	simm.s32 $0x0;
	s2 =	rddreg [dreg:$0xd];
	[sflag:s26] =	ssyncadd.s32 $0xFFFF63C0  }
0x2a: {  	[hbm4b:s2+s24] =	stream.linear.scatter [tilespmem:s5], [sflag:$0x12], $0x9C40, $0x38;
	v63 =	vld [tilespmem:$0x0]  }
0x2b: {  	_ =	swait.ge [sflag:s26], $0x9C40  }
0x2c: {  	[sflag:s26] =	ssyncset.done $0x0  }
0x2d: {  	s28 =	simm.s32 $0x1B1C0;
	s21 =	rddreg [dreg:$0x9];
	[sflag:s26] =	ssyncadd.s32 $0xFFFF63C0  }
0x2e: {  	[tilespmem:s28], [sflag:$0x12] =	stream.linear.gather [spmem:s21], $0x2710, $0x38;
	v63 =	vld [tilespmem:$0x0]  }
0x2f: {  	_ =	swait.ge [sflag:s26], $0x2710  }
0x30: {  	[sflag:s26] =	ssyncset.done $0x0  }
0x31: {  	s8 =	rddreg [dreg:$0xe];
	[sflag:s26] =	ssyncadd.s32 $0xFFFFD8F0  }
0x32: {  	[hbm4b:s8+s24] =	stream.linear.scatter [tilespmem:s28], [sflag:$0x12], $0x2710, $0x38;
	v63 =	vld [tilespmem:$0x0]  }
0x33: {  	_ =	swait.ge [sflag:s26], $0x2710  }
0x34: {  	s8 =	rddreg [dreg:$0x10]  }
0x35: {  	s29 =	rddreg [dreg:$0xf];
	s8 =	sadd.s32 $0x1, s8  }
0x36: {  	p0 =	sne.s32 s8, s29  }
.Ltmp1:
0x37: {  	_ = 	snop;
	(pc) =	sbr.rel @!p0 .LBB2_5-.Ltmp1, $3  }
0x38: {  	_ =	sdelay $0x1  }
0x39: {  	[sflag:s26] =	ssyncset.done $0x0  }
0x3a: {  	s1 =	simm.s32 $0x62C0;
	s0 =	simm.s32 $0x4E70;
	[sflag:s26] =	ssyncadd.s32 $0xFFFFD8F0  }
.LBB2_1:
0x3b: {  	[dreg:$0x10] =	wrdreg s8  }
0x3c: {  	s2 =	rddreg [dreg:$0x7]  }
0x3d: {  	[tilespmem:s24], [sflag:$0xD] =	stream.linear.gather [hbm4b:s2+s24], $0x4E20, $0x38;
	v63 =	vld [tilespmem:$0x0]  }
0x3e: {  	s8 =	rddreg [dreg:$0x5]  }
0x3f: {  	[tilespmem:s5], [sflag:$0x12] =	stream.linear.gather [hbm4b:s8+s24], $0x9C40, $0x38;
	v63 =	vld [tilespmem:$0x0]  }
0x40: {  	_ =	swait.ge [sflag:s26], $0x9C40  }
0x41: {  	[sflag:s26] =	ssyncset.done $0x0  }
0x42: {  	[sflag:s26] =	ssyncadd.s32 $0xFFFF63C0  }
0x43: {  	[spmem:s20] =	stream.linear.scatter [tilespmem:s5], [sflag:$0x12], $0x9C40, $0x38;
	v63 =	vld [tilespmem:$0x0]  }
0x44: {  	_ =	swait.ge [sflag:s26], $0x9C40  }
0x45: {  	[sflag:s26] =	ssyncset.done $0x0  }
0x46: {  	[sflag:s26] =	ssyncadd.s32 $0xFFFF63C0  }
0x47: {  	s29 =	rddreg [dreg:$0x1]  }
0x48: {  	[tilespmem:s28], [sflag:$0x12] =	stream.linear.gather [hbm4b:s29+s24], $0x2710, $0x38;
	v63 =	vld [tilespmem:$0x0]  }
0x49: {  	_ =	swait.ge [sflag:s26], $0x2710  }
0x4a: {  	[sflag:s26] =	ssyncset.done $0x0  }
0x4b: {  	[sflag:s26] =	ssyncadd.s32 $0xFFFFD8F0  }
0x4c: {  	[spmem:s21] =	stream.linear.scatter [tilespmem:s28], [sflag:$0x12], $0x2710, $0x38;
	v63 =	vld [tilespmem:$0x0]  }
0x4d: {  	_ =	swait.ge [sflag:s26], $0x2710  }
0x4e: {  	[sflag:s26] =	ssyncset.done $0x0  }
0x4f: {  	s5 =	rddreg [dreg:$0x6];
	[sflag:s26] =	ssyncadd.s32 $0xFFFFD8F0  }
0x50: {  	[tilespmem:s22], [sflag:$0x12] =	stream.linear.gather [hbm4b:s5+s24], $0x280, $0x38;
	v63 =	vld [tilespmem:$0x0]  }
0x51: {  	_ =	swait.ge [sflag:s26], $0x280  }
0x52: {  	[sflag:s26] =	ssyncset.done $0x0  }
0x53: {  	s8 =	simm.s32 $0xD;
	[sflag:s26] =	ssyncadd.s32 $0xFFFFFD80  }
0x54: {  	_ =	swait.ge [sflag:s8], $0x4E20  }
0x55: {  	[sflag:s8] =	ssyncset.done $0x0  }
0x56: {  	[sflag:s8] =	ssyncadd.s32 $0xFFFFB1E0  }
0x57: {  	[bflag:$0x0] =	sbarrier.arrive $0xFFFF  }
0x58: {  	s20 =	rddreg [dreg:$0xa]  }
0x59: {  	[tilespmem:s7], [sflag:$0x9] =	stream.linear.gather [hbm4b:s20+s24], $0x28, $0x38;
	v63 =	vld [tilespmem:$0x0]  }
0x5a: {  	s21 =	simm.s32 $0x4EC0  }
0x5b: {  	[tilespmem:s21], [sflag:$0x1] =	stream.indirect.gather [hbm4b:s6+s25], $0x40, s24, s25, $0xb8;
	v63 =	vld [tilespmem:$0x0]  }
0x5c: {  	s26 =	rddreg [dreg:$0xb]  }
0x5d: {  	[tilespmem:s30], [sflag:$0xA] =	stream.linear.gather [hbm4b:s26+s24], $0x28, $0x38;
	v63 =	vld [tilespmem:$0x0]  }
0x5e: {  	s28 =	simm.s32 $0x58C0  }
0x5f: {  	[tilespmem:s28], [sflag:$0x2] =	stream.indirect.gather [hbm4b:s6+s25], $0x40, s25, s25, $0xb8;
	v63 =	vld [tilespmem:$0x0]  }
0x60: {  	s29 =	rddreg [dreg:$0xc]  }
0x61: {  	[tilespmem:s0], [sflag:$0xB] =	stream.linear.gather [hbm4b:s29+s24], $0x28, $0x38;
	v63 =	vld [tilespmem:$0x0]  }
0x62: {  	s20 =	simm.s32 $0x0;
	s30 =	simm.s32 $0x50  }
0x63: {  	[tilespmem:s1], [sflag:$0x3] =	stream.indirect.gather [hbm4b:s6+s25], $0x40, s30, s25, $0xb8;
	v63 =	vld [tilespmem:$0x0]  }
0x64: {  	s21 =	simm.s32 $0x78;
	s0 =	simm.s32 $0x4E70;
	s1 =	simm.s32 $0x62C0  }
.LBB2_2:
0x65: {  	s2 =	simm.s32 $0x1  }
0x66: {  	_ =	swait.ge [sflag:s2], $0xA00  }
0x67: {  	[sflag:s2] =	ssyncset.done $0x0  }
0x68: {  	s28 =	simm.s32 $0x9;
	[sflag:s2] =	ssyncadd.s32 $0xFFFFF600  }
0x69: {  	_ =	swait.ge [sflag:s28], $0x28  }
0x6a: {  	s29 =	simm.s32 $0x4E20;
	[sflag:s28] =	ssyncset.done $0x0  }
0x6b: {  	s5 =	simm.s32 $0x4EC0;
	p0 =	seq.s32 s20, $0x0;
	[sflag:s28] =	ssyncadd.s32 $0xFFFFFFD8  }
0x6c: {  	[spmem:s3] =	stream.indirect.scatter.add.f32 [tilespmem:s5], [sflag:$0x5], $0x40, s29, s25, $0xb8;
	v63 =	vld [tilespmem:$0x0]  }
0x6d: {  	s26 =	simm.s32 @!p0 $0x8  }
0x6e: {  	[spmem:s4] =	stream.indirect.scatter.add.f32 [tilespmem:s22], [sflag:$0xE], $0x10, s29, s25, $0xb8;
	v63 =	vld [tilespmem:$0x0]  }
0x6f: {  	_ =	swait.ge @!p0 [sflag:s26], $0xA00  }
0x70: {  	[sflag:s26] =	ssyncset.done @!p0 $0x0  }
0x71: {  	s29 =	simm.s32 @!p0 $0x11;
	[sflag:s26] =	ssyncadd.s32 @!p0 $0xFFFFF600  }
0x72: {  	_ =	swait.ge @!p0 [sflag:s29], $0x280  }
0x73: {  	s26 =	sadd.s32 s20, s18;
	[sflag:s29] =	ssyncset.done @!p0 $0x0  }
0x74: {  	s8 =	simm.s32 $0x4E98;
	s5 =	sadd.s32 $0xF, s26;
	[sflag:s29] =	ssyncadd.s32 @!p0 $0xFFFFFD80  }
0x75: {  	[tilespmem:s8], [sflag:$0xC] =	stream.linear.gather [hbm4b:s5+s24], $0x28, $0x38;
	v63 =	vld [tilespmem:$0x0]  }
0x76: {  	s24 =	simm.s32 $0x2  }
0x77: {  	[tilespmem:s31], [sflag:$0x4] =	stream.indirect.gather [hbm4b:s6+s25], $0x40, s21, s25, $0xb8;
	v63 =	vld [tilespmem:$0x0]  }
0x78: {  	_ =	swait.ge [sflag:s24], $0xA00  }
0x79: {  	[sflag:s24] =	ssyncset.done $0x0  }
0x7a: {  	[sflag:s24] =	ssyncadd.s32 $0xFFFFF600  }
0x7b: {  	_ =	swait.ge [sflag:s9], $0x28  }
0x7c: {  	[sflag:s9] =	ssyncset.done $0x0  }
0x7d: {  	s28 =	simm.s32 $0x4E48;
	s29 =	simm.s32 $0x58C0;
	[sflag:s9] =	ssyncadd.s32 $0xFFFFFFD8  }
0x7e: {  	[spmem:s3] =	stream.indirect.scatter.add.f32 [tilespmem:s29], [sflag:$0x6], $0x40, s28, s25, $0xb8;
	v63 =	vld [tilespmem:$0x0]  }
0x7f: {  	_ = 	snop  }
0x80: {  	[spmem:s4] =	stream.indirect.scatter.add.f32 [tilespmem:s22], [sflag:$0xF], $0x10, s28, s25, $0xb8;
	v63 =	vld [tilespmem:$0x0]  }
0x81: {  	_ =	swait.ge [sflag:s13], $0xA00  }
0x82: {  	[sflag:s13] =	ssyncset.done $0x0  }
0x83: {  	[sflag:s13] =	ssyncadd.s32 $0xFFFFF600  }
0x84: {  	p0 =	seq.s32 s20, $0x9B0;
	_ =	swait.ge [sflag:s14], $0x280  }
0x85: {  	s24 =	simm.s32 @!p0 $0x0;
	s29 =	sadd.s32 @!p0 s20, s18;
	[sflag:s14] =	ssyncset.done $0x0  }
0x86: {  	s5 =	sadd.s32 @!p0 $0x14, s29;
	s28 =	simm.s32 @!p0 $0x4E20;
	[sflag:s14] =	ssyncadd.s32 $0xFFFFFD80  }
0x87: {  	[tilespmem:s28], [sflag:$0x9] =	stream.linear.gather @!p0 [hbm4b:s5+s24], $0x28, $0x38;
	v63 =	vld [tilespmem:$0x0]  }
0x88: {  	s2 =	simm.s32 @!p0 $0x4EC0;
	s5 =	sadd.s32 @!p0 $0x28, s21;
	s28 =	simm.s32 @!p0 $0x28  }
0x89: {  	[tilespmem:s2], [sflag:$0x1] =	stream.indirect.gather @!p0 [hbm4b:s6+s28], $0x40, s5, s28, $0xb8;
	v63 =	vld [tilespmem:$0x0]  }
0x8a: {  	_ =	swait.ge [sflag:s15], $0xA00  }
0x8b: {  	[sflag:s15] =	ssyncset.done $0x0  }
0x8c: {  	[sflag:s15] =	ssyncadd.s32 $0xFFFFF600  }
0x8d: {  	_ =	swait.ge [sflag:s16], $0x28  }
0x8e: {  	[sflag:s16] =	ssyncset.done $0x0  }
0x8f: {  	[sflag:s16] =	ssyncadd.s32 $0xFFFFFFD8  }
0x90: {  	[spmem:s3] =	stream.indirect.scatter.add.f32 [tilespmem:s1], [sflag:$0x7], $0x40, s0, s25, $0xb8;
	v63 =	vld [tilespmem:$0x0]  }
0x91: {  	_ = 	snop  }
0x92: {  	[spmem:s4] =	stream.indirect.scatter.add.f32 [tilespmem:s22], [sflag:$0x10], $0x10, s0, s25, $0xb8;
	v63 =	vld [tilespmem:$0x0]  }
0x93: {  	_ =	swait.ge [sflag:s12], $0xA00  }
0x94: {  	[sflag:s12] =	ssyncset.done $0x0  }
0x95: {  	[sflag:s12] =	ssyncadd.s32 $0xFFFFF600  }
0x96: {  	_ =	swait.ge [sflag:s17], $0x280  }
0x97: {  	[sflag:s17] =	ssyncset.done $0x0  }
0x98: {  	s2 =	sadd.s32 @!p0 $0x19, s29;
	s5 =	simm.s32 @!p0 $0x4E48;
	[sflag:s17] =	ssyncadd.s32 $0xFFFFFD80  }
0x99: {  	[tilespmem:s5], [sflag:$0xA] =	stream.linear.gather @!p0 [hbm4b:s2+s24], $0x28, $0x38;
	v63 =	vld [tilespmem:$0x0]  }
0x9a: {  	s2 =	sadd.s32 @!p0 $0x50, s21;
	s5 =	simm.s32 @!p0 $0x58C0  }
0x9b: {  	[tilespmem:s5], [sflag:$0x2] =	stream.indirect.gather @!p0 [hbm4b:s6+s28], $0x40, s2, s28, $0xb8;
	v63 =	vld [tilespmem:$0x0]  }
0x9c: {  	_ =	swait.ge [sflag:s23], $0xA00  }
0x9d: {  	[sflag:s23] =	ssyncset.done $0x0  }
0x9e: {  	[sflag:s23] =	ssyncadd.s32 $0xFFFFF600  }
0x9f: {  	_ =	swait.ge [sflag:s10], $0x28  }
0xa0: {  	[sflag:s10] =	ssyncset.done $0x0  }
0xa1: {  	[sflag:s10] =	ssyncadd.s32 $0xFFFFFFD8  }
0xa2: {  	[spmem:s3] =	stream.indirect.scatter.add.f32 [tilespmem:s31], [sflag:$0x8], $0x40, s8, s25, $0xb8;
	v63 =	vld [tilespmem:$0x0]  }
0xa3: {  	_ = 	snop  }
0xa4: {  	[spmem:s4] =	stream.indirect.scatter.add.f32 [tilespmem:s22], [sflag:$0x11], $0x10, s8, s25, $0xb8;
	v63 =	vld [tilespmem:$0x0]  }
0xa5: {  	_ =	swait.ge [sflag:s11], $0xA00  }
.Ltmp2:
0xa6: {  	[sflag:s11] =	ssyncset.done $0x0;
	(pc) =	sbr.rel @p0 .LBB2_4-.Ltmp2, $4  }
0xa7: {  	[sflag:s11] =	ssyncadd.s32 $0xFFFFF600  }
0xa8: {  	_ =	swait.ge [sflag:s19], $0x280  }
0xa9: {  	[sflag:s19] =	ssyncset.done $0x0  }
0xaa: {  	s7 =	simm.s32 $0x4E20;
	s30 =	simm.s32 $0x4E48;
	[sflag:s19] =	ssyncadd.s32 $0xFFFFFD80  }
.Ltmp3:
0xab: {  	(pc) =	sbr.rel .LBB2_2-.Ltmp3, $4  }
0xac: {  	s2 =	sadd.s32 $0x1E, s26;
	s24 =	simm.s32 $0x0  }
0xad: {  	[tilespmem:s0], [sflag:$0xB] =	stream.linear.gather [hbm4b:s2+s24], $0x28, $0x38;
	v63 =	vld [tilespmem:$0x0]  }
0xae: {  	s30 =	sadd.s32 $0x78, s21;
	s20 =	sadd.s32 $0x14, s20;
	s21 =	sadd.s32 $0xA0, s21  }
0xaf: {  	[tilespmem:s1], [sflag:$0x3] =	stream.indirect.gather [hbm4b:s6+s25], $0x40, s30, s25, $0xb8;
	v63 =	vld [tilespmem:$0x0]  }
.LBB2_5:
0xb0: {  	_ =	sfence.sel $0x180000  }
0xb1: {  	[bflag:$0x0] =	sbarrier.arrive $0xFFFF  }
0xb2: {  	_ =	strace $0x90000047  }
0xb3: {  	s0 =	stileid.u32;
	[bflag:$0x2] =	sbarrier.arrive $0xFFFF  }
0xb4: {  	p0 =	sne.s32 s0, $0x0;
	s0 =	rddreg [dreg:$0x4]  }
0xb5: {  	s0 =	sadd.s32 @!p0 $0x100000, s0  }
0xb6: {  	[sflag:s0] =	ssyncadd.tile.s32 @!p0 $0x1;
	_ =	shalt  }
.Lfunc_end2:
_tile_overlayer_lowered:
.L_overlay_start_2:
0xb7: {  	(tag) =	ssettag $0x2  }
0xb8: {  	s0 =	rddreg [dreg:$0x0];
	s2 =	stileid.u32  }
0xb9: {  	s1 =	rddreg [dreg:$0x1];
	p0 =	sne.s32 s2, $0x0  }
0xba: {  	s3 =	rddreg [dreg:$0x2];
	[bflag:$0x3] =	sbarrier.arrive $0xFFFF;
	s2 =	simm.s32 @!p0 $0x1C12  }
0xbb: {  	[timem:s3], [sflag:s2] =	dma.local @!p0 [hbm:s0], s1  }
0xbc: {  	s0 =	simm.s32 @!p0 $0x12  }
0xbd: {  	_ =	swait.ge @!p0 [sflag:s0], s1  }
0xbe: {  	s1 =	ssub.s32 @!p0 $0x0, s1;
	[sflag:s0] =	ssyncset.done @!p0 $0x0  }
0xbf: {  	[sflag:s0] =	ssyncadd.s32 @!p0 s1  }
0xc0: {  	[bflag:$0x3] =	sbarrier.arrive $0xFFFF  }
0xc1: {  	_ =	shalt  }

// kernel: kernel.13.cloned.1.call-start
scs
__scs_entry_jumppad:
0x0: {  	(pc) =	sbr.rel $0x88, $3  }
0x1: {  	(tag) =	ssettag $0x0;
	lr =	simm.s32 $0x1  }
0x2: {  	[smem:$0x3F90] =	sst lr;
	_ =	strace $0xD0000000  }
0x3: {  	_ = 	snop  }
0x4: {  	_ = 	snop  }
0x5: {  	_ = 	snop  }
0x6: {  	_ = 	snop  }
0x7: {  	_ = 	snop  }
__scs_overlays_trampoline_lowered:
0x8: {  	[smem:$0x3F9F] =	sst s0  }
0x9: {  	[smem:$0x3FA0] =	sst s1  }
0xa: {  	[smem:$0x3FA1] =	sst s2  }
0xb: {  	[smem:$0x3FA2] =	sst s3  }
0xc: {  	[smem:$0x3FA3] =	sst s4  }
0xd: {  	[smem:$0x3FA4] =	sst s5  }
0xe: {  	[smem:$0x3FA5] =	sst s6  }
0xf: {  	[smem:$0x3FA6] =	sst s7  }
0x10: {  	[smem:$0x3FA7] =	sst s8  }
0x11: {  	[smem:$0x3FA8] =	sst s9;
	s0 =	simm.s32 @!p0 $0x0  }
0x12: {  	s1 =	sld [smem:$0x3F8E];
	s0 =	simm.s32 @p0 $0x1  }
0x13: {  	[smem:$0x3FA9] =	sst s0;
	s0 =	simm.s32 @!p1 $0x0  }
0x14: {  	s2 =	sld [smem:$0x3F8D];
	s0 =	simm.s32 @p1 $0x1  }
0x15: {  	[smem:$0x3FAA] =	sst s0;
	s0 =	simm.s32 @!p2 $0x0  }
0x16: {  	s3 =	sld [smem:$0x3FDB];
	s0 =	simm.s32 @p2 $0x1  }
0x17: {  	s4 =	simm.s32 $0x1BF5;
	[smem:$0x3FAC] =	sst s0  }
0x18: {  	s0 =	sld [smem:$0x3F8F];
	_ =	swait.ge [sflag:s4], $0x0  }
0x19: {  	s7 =	sld [smem:$0x3F90]  }
0x1a: {  	s8 =	sadd.s32 $0xFFFFE003, lr  }
0x1b: {  	s9 =	sadd.s32 $0xFFFFFEF7, lr;
	s5 =	simm.s32 $0xFFFFFFFF;
	p2 =	slt.u32 s8, $0xFFFFF086  }
0x1c: {  	p1 =	slt.u32 s9, $0xF7A;
	s5 =	simm.s32 @!p2 $0x0  }
0x1d: {  	s5 =	simm.s32 @p1 $0x1;
	p0 =	seq.s32 s7, s2  }
0x1e: {  	s7 =	smul.u32 @!p0 $0xF7A, s2;
	p2 =	seq.s32 @!p0 s5, $0x0  }
0x1f: {  	s9 =	smul.u32 $0xF7A, s1;
	s8 =	simm.s32 @!p0 $0x1BF5;
	p2 =	por !p2, p0  }
0x20: {  	[sflag:s8] =	ssyncset.s32 @!p0 $0xFFFFF086;
	s6 =	sadd.s32 @!p0 s3, s7;
	s7 =	simm.s32 @!p0 $0x108  }
0x21: {  	s3 =	sadd.s32 s3, s9;
	s6 =	sadd.s32 @!p0 $0x88, s6;
	s7 =	simm.s32 @p2 $0x1082  }
0x22: {  	[simem:s7], [sflag:s8] =	dma.local @!p0 [hbm:s6], $0xF7A  }
0x23: {  	s9 =	sor.u32 $0xD0000000, s2;
	s6 =	simm.s32 $0x108;
	_ =	swait.ge @!p0 [sflag:s8], $0x0  }
0x24: {  	s3 =	sadd.s32 $0x88, s3;
	s6 =	simm.s32 @!p1 $0x1082;
	[sflag:s4] =	ssyncset.s32 $0xFFFFF086  }
0x25: {  	[simem:s6], [sflag:s4] =	dma.local [hbm:s3], $0xF7A  }
0x26: {  	[smem:$0x3F90] =	sst s1;
	(tag) =	ssettag s2;
	_ =	strace s9  }
0x27: {  	s1 =	sld [smem:$0x3FA0]  }
0x28: {  	s2 =	sld [smem:$0x3FA1]  }
0x29: {  	s4 =	sld [smem:$0x3FA3]  }
0x2a: {  	p0 =	seq.s32 s5, $0x0;
	s5 =	sld [smem:$0x3FA4]  }
0x2b: {  	s6 =	sld [smem:$0x3FA5]  }
0x2c: {  	s7 =	sld [smem:$0x3FA6]  }
0x2d: {  	s3 =	simm.s32 $0x108;
	s8 =	sld [smem:$0x3FA7]  }
0x2e: {  	s3 =	simm.s32 @!p0 $0x1082;
	s9 =	sld [smem:$0x3FA8]  }
0x2f: {  	lr =	sadd.s32 s0, s3;
	s0 =	sld [smem:$0x3F9F]  }
0x30: {  	s3 =	sld [smem:$0x3FA2]  }
0x31: {  	[smem:$0x3FAB] =	sst s10  }
0x32: {  	s10 =	sld [smem:$0x3FA9];
	_ =	sdelay $0x3  }
0x33: {  	p0 =	seq.s32 s10, $0x1;
	s10 =	sld [smem:$0x3FAB];
	_ =	sdelay $0x3  }
0x34: {  	[smem:$0x3FAB] =	sst s10  }
0x35: {  	s10 =	sld [smem:$0x3FAA];
	_ =	sdelay $0x3  }
0x36: {  	p1 =	seq.s32 s10, $0x1;
	s10 =	sld [smem:$0x3FAB];
	_ =	sdelay $0x3  }
0x37: {  	[smem:$0x3FAB] =	sst s10  }
0x38: {  	s10 =	sld [smem:$0x3FAC]  }
0x39: {  	_ = 	snop;
	(pc) =	sbr.ind lr, $3  }
0x3a: {  	_ = 	snop  }
0x3b: {  	_ = 	snop  }
0x3c: {  	p2 =	seq.s32 s10, $0x1;
	s10 =	sld [smem:$0x3FAB]  }
0x3d: {  	_ =	shalt  }
0x3e: {  	_ =	shalt  }
0x3f: {  	_ =	shalt  }
0x40: {  	_ =	shalt  }
0x41: {  	_ =	shalt  }
0x42: {  	_ =	shalt  }
0x43: {  	_ =	shalt  }
0x44: {  	_ =	shalt  }
0x45: {  	_ =	shalt  }
0x46: {  	_ =	shalt  }
0x47: {  	_ =	shalt  }
0x48: {  	_ =	shalt  }
0x49: {  	_ =	shalt  }
0x4a: {  	_ =	shalt  }
0x4b: {  	_ =	shalt  }
0x4c: {  	_ =	shalt  }
0x4d: {  	_ =	shalt  }
0x4e: {  	_ =	shalt  }
0x4f: {  	_ =	shalt  }
0x50: {  	_ =	shalt  }
0x51: {  	_ =	shalt  }
0x52: {  	_ =	shalt  }
0x53: {  	_ =	shalt  }
0x54: {  	_ =	shalt  }
0x55: {  	_ =	shalt  }
0x56: {  	_ =	shalt  }
0x57: {  	_ =	shalt  }
0x58: {  	_ =	shalt  }
0x59: {  	_ =	shalt  }
0x5a: {  	_ =	shalt  }
0x5b: {  	_ =	shalt  }
0x5c: {  	_ =	shalt  }
0x5d: {  	_ =	shalt  }
0x5e: {  	_ =	shalt  }
0x5f: {  	_ =	shalt  }
0x60: {  	_ =	shalt  }
0x61: {  	_ =	shalt  }
0x62: {  	_ =	shalt  }
0x63: {  	_ =	shalt  }
0x64: {  	_ =	shalt  }
0x65: {  	_ =	shalt  }
0x66: {  	_ =	shalt  }
0x67: {  	_ =	shalt  }
0x68: {  	_ =	shalt  }
0x69: {  	_ =	shalt  }
0x6a: {  	_ =	shalt  }
0x6b: {  	_ =	shalt  }
0x6c: {  	_ =	shalt  }
0x6d: {  	_ =	shalt  }
0x6e: {  	_ =	shalt  }
0x6f: {  	_ =	shalt  }
0x70: {  	_ =	shalt  }
0x71: {  	_ =	shalt  }
0x72: {  	_ =	shalt  }
0x73: {  	_ =	shalt  }
0x74: {  	_ =	shalt  }
0x75: {  	_ =	shalt  }
0x76: {  	_ =	shalt  }
0x77: {  	_ =	shalt  }
0x78: {  	_ =	shalt  }
0x79: {  	_ =	shalt  }
0x7a: {  	_ =	shalt  }
0x7b: {  	_ =	shalt  }
0x7c: {  	_ =	shalt  }
0x7d: {  	_ =	shalt  }
0x7e: {  	_ =	shalt  }
0x7f: {  	_ =	shalt  }
0x80: {  	_ =	shalt  }
0x81: {  	_ =	shalt  }
0x82: {  	_ =	shalt  }
0x83: {  	_ =	shalt  }
0x84: {  	_ =	shalt  }
0x85: {  	_ =	shalt  }
0x86: {  	_ =	shalt  }
0x87: {  	_ =	shalt  }
.Lfunc_end0:
.L_simem_size_0:
called_computation.1_lowered:
.L_overlay_start_0:
0x88: {  	s2 =	sld [smem:$0x3FD9]  }
0x89: {  	s3 =	sld [smem:$0x3FFE];
	_ =	sdelay $0x1  }
0x8a: {  	s1 =	srdreg.scid  }
0x8b: {  	s0 =	sand.u32 $0x1, s1  }
0x8c: {  	s16 =	sshll.u32 s0, $0xA;
	s2 =	sadd.s32 s3, s2  }
0x8d: {  	s2 =	sadd.s32 s2, s16  }
0x8e: {  	[smem:$0x3FB7] =	sst s2  }
0x8f: {  	_ = 	snop  }
0x90: {  	(tm) =	ssettm $0x1  }
0x91: {  	s17 =	sld [smem:$0x3FFB];
	_ =	sdelay $0x3  }
0x92: {  	_ =	strace s17  }
0x93: {  	s2 =	sld [smem:$0x3FFC];
	_ =	sdelay $0x3  }
0x94: {  	_ =	strace s2  }
0x95: {  	s2 =	sld [smem:$0x3FFD];
	_ =	sdelay $0x3  }
0x96: {  	_ =	strace s2  }
0x97: {  	_ =	strace $0x8FFFFFFF  }
0x98: {  	s18 =	sld [smem:$0x3FDB];
	_ =	sdelay $0x1  }
0x99: {  	s19 =	simm.s32 $_scs_section_size  }
0x9a: {  	s4 =	simm.s32 $_size__tile_overlayer_lowered;
	s5 =	simm.s32 $_tile_overlayer_lowered  }
0x9b: {  	s22 =	simm.s32 $0x1BFF;
	s21 =	sshll.u32 s5, $0x1;
	s2 =	sadd.s32 s19, s18  }
0x9c: {  	s6 =	simm.s32 $0x0;
	s20 =	sshll.u32 s4, $0x1;
	s4 =	sadd.s32 s21, s2  }
0x9d: {  	[timem:s6], [sflag:s22] =	dma.local [hbm:s4], s20  }
0x9e: {  	_ =	swait.ge [sflag:s22], s20  }
0x9f: {  	s3 =	ssub.s32 $0x0, s20;
	[sflag:s22] =	ssyncset.done $0x0  }
0xa0: {  	[sflag:s22] =	ssyncadd.s32 s3;
	_ =	sdelay $0x1  }
0xa1: {  	s23 =	simm.s32 $0x1B8B  }
0xa2: {  	_ =	swait.ge [sflag:s23], $0x1  }
0xa3: {  	[sflag:s23] =	ssyncset.done $0x0  }
0xa4: {  	s25 =	simm.s32 $0x1B8E;
	s24 =	sld [smem:$0x3FFE];
	[sflag:s23] =	ssyncadd.s32 $0xFFFFFFFF  }
0xa5: {  	s26 =	simm.s32 $execute0_lowered;
	[smem:$0x3FD2] =	sst s25  }
0xa6: {  	s4 =	sshll.u32 s26, $0x1;
	_ =	strace $0x80000049;
	[dreg:$0x1] =	wrdreg $0xFFFFFFFF  }
0xa7: {  	s28 =	simm.s32 $_size_execute0_lowered;
	s2 =	sadd.s32 s2, s4;
	[dreg:$0x0] =	wrdreg $0x0  }
0xa8: {  	s4 =	sshll.u32 s28, $0x1;
	[dreg:$0x2] =	wrdreg s2  }
0xa9: {  	[dreg:$0x3] =	wrdreg s4  }
0xaa: {  	[dreg:$0x4] =	wrdreg $0xC0  }
0xab: {  	_ =	task [dreg:s6], $0x5FFFF  }
0xac: {  	[dreg:$0x1] =	wrdreg $0xFFFFFFFF  }
0xad: {  	[dreg:$0x0] =	wrdreg $0x60  }
0xae: {  	[dreg:$0x2] =	wrdreg s24  }
0xaf: {  	[dreg:$0x3] =	wrdreg $0x113000  }
0xb0: {  	[dreg:$0x4] =	wrdreg $0x9  }
0xb1: {  	_ =	task.clear_ibuf [dreg:s6], $0x5FFFF;
	_ =	strace $0x90000049  }
0xb2: {  	s29 =	simm.s32 $0x9;
	_ =	strace $0x8000004B  }
0xb3: {  	_ =	swait.ge [sflag:s29], $0x1  }
0xb4: {  	[sflag:s29] =	ssyncadd.s32 $0xFFFFFFFF  }
0xb5: {  	_ =	strace $0x9000004B  }
0xb6: {  	_ =	sfence  }
0xb7: {  	s30 =	sld [smem:$0x0];
	_ =	sdelay $0x2  }
0xb8: {  	s31 =	sshll.u32 s1, $0xD;
	s1 =	sshrl.u32 s1, $0x2  }
0xb9: {  	s3 =	sand.u32 $0x4000, s31;
	s1 =	sadd.s32 s1, s30  }
0xba: {  	s0 =	sor.u32 s3, s0;
	s1 =	sshll.u32 s1, $0x11  }
0xbb: {  	s0 =	sor.u32 s1, s0  }
0xbc: {  	s0 =	sadd.s32 $0x8F2B, s0  }
0xbd: {  	[sflag:s0] =	ssyncadd.remote.s32 $0x1  }
0xbe: {  	_ =	sfence.sel $0xFFFF  }
0xbf: {  	[dreg:$0x0] =	wrdreg $0xFFFFFFFF;
	(pc) =	sbr.abs _section_cstart, $3  }
0xc0: {  	[dreg:$0x1] =	wrdreg $0xFFFFFFFF  }
0xc1: {  	_ =	task.clear_ibuf [dreg:s6], $0x2FFFF;
	_ =	strace $0x9FFFFFFF  }
0xc2: {  	(tm) =	ssettm $0x7FFFFFFF  }
0xc3: {  	_ =	shalt  }
tec
execute0_lowered:
.L_overlay_start_1:
0x0: {  	(tag) =	ssettag $0x1  }
0x1: {  	s0 =	srdreg.scid;
	s1 =	rddreg [dreg:$0x0]  }
0x2: {  	s10 =	stileid.u32;
	s2 =	rddreg [dreg:$0x1];
	s3 =	simm.s32 $0x0  }
0x3: {  	s15 =	simm.s32 $0xE;
	s17 =	simm.s32 $0x4E20;
	s18 =	simm.s32 $0x28  }
0x4: {  	s28 =	simm.s32 $0x4E98;
	s29 =	simm.s32 $0x6CC0;
	s5 =	smul.u32 $0x4E20, s10  }
0x5: {  	s30 =	simm.s32 $0x2;
	s31 =	simm.s32 $0xA;
	s6 =	smul.u32 $0x9C40, s10  }
0x6: {  	s0 =	sand.u32 $0x1, s0;
	[smem:$0x7FF] =	sst s3;
	s25 =	smul.u32 $0x9C4, s10  }
0x7: {  	s9 =	sadd.s32 $0x3200, s1;
	s11 =	sadd.s32 $0x47E00, s1;
	s4 =	smul.u32 $0x4E200, s0  }
0x8: {  	s7 =	smul.u32 $0x9C400, s0;
	_ =	strace $0x8000004A;
	s0 =	ssub.s32 $0x2, s0  }
0x9: {  	[dreg:$0x3] =	wrdreg s11;
	s19 =	sshrl.u32 s0, $0x1;
	s21 =	sadd.s32 $0x28, s5  }
0xa: {  	s13 =	sadd.s32 s25, s9;
	s25 =	simm.s32 $0x1;
	s4 =	sadd.s32 s5, s4  }
0xb: {  	s7 =	sadd.s32 s6, s7;
	s0 =	ssub.s32 s0, s19;
	s5 =	sshrl.u32 s5, $0x3  }
0xc: {  	s22 =	sshrl.u32 s21, $0x3;
	s19 =	simm.s32 $0x4EC0;
	s21 =	simm.s32 $0x58C0  }
0xd: {  	s8 =	sshrl.u32 s4, $0x3;
	s4 =	sadd.s32 $0x20A00, s1;
	s7 =	sshrl.u32 s7, $0x3  }
0xe: {  	s23 =	sadd.s32 s9, s5;
	s24 =	sadd.s32 s9, s22;
	s0 =	smax.u32 s0, $0x1  }
0xf: {  	s22 =	simm.s32 $0x4E70;
	s5 =	simm.s32 $0x7;
	s9 =	simm.s32 $0x0  }
0x10: {  	s8 =	sadd.s32 s8, s1;
	s1 =	sadd.s32 s7, s1;
	[dreg:$0x7] =	wrdreg s24  }
0x11: {  	s7 =	sadd.s32 s6, s2;
	[dreg:$0x6] =	wrdreg s23;
	s26 =	sadd.s32 $0xA, s23  }
.Ltmp0:
0x12: {  	[dreg:$0xa] =	wrdreg s0;
	s24 =	simm.s32 $0x62C0;
	(pc) =	sbr.rel .LBB2_1-.Ltmp0, $4  }
0x13: {  	s0 =	simm.s32 $0x4;
	s23 =	simm.s32 $0xC;
	[dreg:$0x8] =	wrdreg s26  }
0x14: {  	s20 =	sadd.s32 $0xD000, s8;
	s1 =	sadd.s32 $0x49200, s1;
	[dreg:$0x5] =	wrdreg s7  }
0x15: {  	s8 =	simm.s32 $0x76C0;
	s26 =	simm.s32 $0x9;
	[dreg:$0x4] =	wrdreg s20  }
0x16: {  	[dreg:$0x9] =	wrdreg s1;
	s20 =	simm.s32 $0x4E48;
	s1 =	simm.s32 $0x5  }
.LBB2_4:
0x17: {  	s6 =	simm.s32 $0x8  }
0x18: {  	_ =	swait.ge [sflag:s6], $0xA00  }
0x19: {  	[sflag:s6] =	ssyncset.done $0x0  }
0x1a: {  	[sflag:s6] =	ssyncadd.s32 $0xFFFFF600  }
0x1b: {  	[bflag:$0x0] =	sbarrier.arrive $0xFFFF  }
0x1c: {  	s8 =	simm.s32 $0x76C0;
	s7 =	rddreg [dreg:$0x5]  }
0x1d: {  	[tilespmem:s8], [sflag:$0xE] =	stream.linear.gather [spmem:s7], $0x9C40, $0x38;
	[tilespmem:$0x1AF40] =	vst v63  }
0x1e: {  	_ =	swait.ge [sflag:s15], $0x9C40  }
0x1f: {  	[sflag:s15] =	ssyncset.done $0x0  }
0x20: {  	s14 =	rddreg [dreg:$0x9];
	[sflag:s15] =	ssyncadd.s32 $0xFFFF63C0  }
0x21: {  	[hbm4b:s14+s3] =	stream.linear.scatter [tilespmem:s8], [sflag:$0xE], $0x9C40, $0x38;
	[tilespmem:$0x1AF40] =	vst v63  }
0x22: {  	_ =	swait.ge [sflag:s15], $0x9C40  }
0x23: {  	s9 =	sadd.s32 $0x1, s9;
	s16 =	rddreg [dreg:$0xa]  }
0x24: {  	p0 =	sne.s32 s9, s16  }
.Ltmp1:
0x25: {  	_ = 	snop;
	(pc) =	sbr.rel @!p0 .LBB2_5-.Ltmp1, $3  }
0x26: {  	_ =	sdelay $0x1  }
0x27: {  	[sflag:s15] =	ssyncset.done $0x0  }
0x28: {  	[sflag:s15] =	ssyncadd.s32 $0xFFFF63C0  }
.LBB2_1:
0x29: {  	s6 =	rddreg [dreg:$0x4]  }
0x2a: {  	[tilespmem:s3], [sflag:$0xD] =	stream.linear.gather [hbm4b:s6+s3], $0x4E20, $0x38;
	[tilespmem:$0x1AF40] =	vst v63  }
0x2b: {  	s16 =	rddreg [dreg:$0x3]  }
0x2c: {  	[tilespmem:s8], [sflag:$0xE] =	stream.linear.gather [hbm4b:s16+s3], $0x9C40, $0x38;
	[tilespmem:$0x1AF40] =	vst v63  }
0x2d: {  	_ =	swait.ge [sflag:s15], $0x9C40  }
0x2e: {  	[sflag:s15] =	ssyncset.done $0x0  }
0x2f: {  	[sflag:s15] =	ssyncadd.s32 $0xFFFF63C0  }
0x30: {  	[spmem:s7] =	stream.linear.scatter [tilespmem:s8], [sflag:$0xE], $0x9C40, $0x38;
	[tilespmem:$0x1AF40] =	vst v63  }
0x31: {  	_ =	swait.ge [sflag:s15], $0x9C40  }
0x32: {  	[sflag:s15] =	ssyncset.done $0x0  }
0x33: {  	s10 =	simm.s32 $0xD;
	[sflag:s15] =	ssyncadd.s32 $0xFFFF63C0  }
0x34: {  	_ =	swait.ge [sflag:s10], $0x4E20  }
0x35: {  	[sflag:s10] =	ssyncset.done $0x0  }
0x36: {  	[sflag:s10] =	ssyncadd.s32 $0xFFFFB1E0  }
0x37: {  	[bflag:$0x0] =	sbarrier.arrive $0xFFFF  }
0x38: {  	s11 =	rddreg [dreg:$0x6]  }
0x39: {  	[tilespmem:s17], [sflag:$0x9] =	stream.linear.gather [hbm4b:s11+s3], $0x28, $0x38;
	[tilespmem:$0x1AF40] =	vst v63  }
0x3a: {  	_ = 	snop  }
0x3b: {  	[tilespmem:s19], [sflag:$0x1] =	stream.indirect.gather [hbm4b:s4+s18], $0x40, s3, s18, $0xb8;
	[tilespmem:$0x1AF40] =	vst v63  }
0x3c: {  	s12 =	rddreg [dreg:$0x7]  }
0x3d: {  	[tilespmem:s20], [sflag:$0xA] =	stream.linear.gather [hbm4b:s12+s3], $0x28, $0x38;
	[tilespmem:$0x1AF40] =	vst v63  }
0x3e: {  	_ = 	snop  }
0x3f: {  	[tilespmem:s21], [sflag:$0x2] =	stream.indirect.gather [hbm4b:s4+s18], $0x40, s18, s18, $0xb8;
	[tilespmem:$0x1AF40] =	vst v63  }
0x40: {  	s14 =	rddreg [dreg:$0x8]  }
0x41: {  	[tilespmem:s22], [sflag:$0xB] =	stream.linear.gather [hbm4b:s14+s3], $0x28, $0x38;
	[tilespmem:$0x1AF40] =	vst v63  }
0x42: {  	s16 =	simm.s32 $0x50;
	s10 =	simm.s32 $0x78;
	s11 =	simm.s32 $0x0  }
0x43: {  	[tilespmem:s24], [sflag:$0x3] =	stream.indirect.gather [hbm4b:s4+s18], $0x40, s16, s18, $0xb8;
	[tilespmem:$0x1AF40] =	vst v63  }
.LBB2_2:
0x44: {  	_ =	swait.ge [sflag:s25], $0xA00  }
0x45: {  	[sflag:s25] =	ssyncset.done $0x0  }
0x46: {  	[sflag:s25] =	ssyncadd.s32 $0xFFFFF600  }
0x47: {  	_ =	swait.ge [sflag:s26], $0x28  }
0x48: {  	p0 =	seq.s32 s11, $0x0;
	[sflag:s26] =	ssyncset.done $0x0  }
0x49: {  	s8 =	simm.s32 @!p0 $0x8;
	[sflag:s26] =	ssyncadd.s32 $0xFFFFFFD8  }
0x4a: {  	[spmem:s2] =	stream.indirect.scatter.add.f32 [tilespmem:s19], [sflag:$0x5], $0x40, s17, s18, $0xb8;
	[tilespmem:$0x1AF40] =	vst v63  }
0x4b: {  	_ =	swait.ge @!p0 [sflag:s8], $0xA00  }
0x4c: {  	s12 =	sadd.s32 s11, s13;
	[sflag:s8] =	ssyncset.done @!p0 $0x0  }
0x4d: {  	s16 =	sadd.s32 $0xF, s12;
	[sflag:s8] =	ssyncadd.s32 @!p0 $0xFFFFF600  }
0x4e: {  	[tilespmem:s28], [sflag:$0xC] =	stream.linear.gather [hbm4b:s16+s3], $0x28, $0x38;
	[tilespmem:$0x1AF40] =	vst v63  }
0x4f: {  	_ = 	snop  }
0x50: {  	[tilespmem:s29], [sflag:$0x4] =	stream.indirect.gather [hbm4b:s4+s18], $0x40, s10, s18, $0xb8;
	[tilespmem:$0x1AF40] =	vst v63  }
0x51: {  	_ =	swait.ge [sflag:s30], $0xA00  }
0x52: {  	[sflag:s30] =	ssyncset.done $0x0  }
0x53: {  	[sflag:s30] =	ssyncadd.s32 $0xFFFFF600  }
0x54: {  	_ =	swait.ge [sflag:s31], $0x28  }
0x55: {  	[sflag:s31] =	ssyncset.done $0x0  }
0x56: {  	[sflag:s31] =	ssyncadd.s32 $0xFFFFFFD8  }
0x57: {  	[spmem:s2] =	stream.indirect.scatter.add.f32 [tilespmem:s21], [sflag:$0x6], $0x40, s20, s18, $0xb8;
	[tilespmem:$0x1AF40] =	vst v63  }
0x58: {  	_ =	swait.ge [sflag:s1], $0xA00  }
0x59: {  	p0 =	seq.s32 s11, $0x9B0;
	[sflag:s1] =	ssyncset.done $0x0  }
0x5a: {  	s8 =	simm.s32 @p0 $0x3;
	[sflag:s1] =	ssyncadd.s32 $0xFFFFF600  }
0x5b: {  	_ =	swait.ge @p0 [sflag:s8], $0xA00  }
0x5c: {  	[sflag:s8] =	ssyncset.done @p0 $0x0  }
0x5d: {  	[sflag:s8] =	ssyncadd.s32 @p0 $0xFFFFF600;
	s8 =	simm.s32 @p0 $0xB  }
0x5e: {  	_ =	swait.ge @p0 [sflag:s8], $0x28  }
0x5f: {  	s16 =	simm.s32 @p0 $0x4E70;
	[sflag:s8] =	ssyncset.done @p0 $0x0  }
0x60: {  	s6 =	simm.s32 @p0 $0x62C0;
	[sflag:s8] =	ssyncadd.s32 @p0 $0xFFFFFFD8;
	s8 =	simm.s32 @p0 $0x28  }
0x61: {  	[spmem:s2] =	stream.indirect.scatter.add.f32 @p0 [tilespmem:s6], [sflag:$0x7], $0x40, s16, s8, $0xb8;
	[tilespmem:$0x1AF40] =	vst v63  }
0x62: {  	s6 =	simm.s32 @p0 $0x6  }
0x63: {  	_ =	swait.ge @p0 [sflag:s6], $0xA00  }
0x64: {  	[sflag:s6] =	ssyncset.done @p0 $0x0  }
0x65: {  	[sflag:s6] =	ssyncadd.s32 @p0 $0xFFFFF600;
	s6 =	sadd.s32 @!p0 s11, s13  }
0x66: {  	s7 =	simm.s32 @!p0 $0x4E20;
	s16 =	simm.s32 @!p0 $0x0;
	s8 =	sadd.s32 @!p0 $0x14, s6  }
0x67: {  	[tilespmem:s7], [sflag:$0x9] =	stream.linear.gather @!p0 [hbm4b:s8+s16], $0x28, $0x38;
	[tilespmem:$0x1AF40] =	vst v63  }
0x68: {  	s14 =	simm.s32 @!p0 $0x4EC0;
	s7 =	sadd.s32 @!p0 $0x28, s10;
	s8 =	simm.s32 @!p0 $0x28  }
0x69: {  	[tilespmem:s14], [sflag:$0x1] =	stream.indirect.gather @!p0 [hbm4b:s4+s8], $0x40, s7, s8, $0xb8;
	[tilespmem:$0x1AF40] =	vst v63  }
0x6a: {  	s7 =	simm.s32 @!p0 $0x3  }
0x6b: {  	_ =	swait.ge @!p0 [sflag:s7], $0xA00  }
0x6c: {  	[sflag:s7] =	ssyncset.done @!p0 $0x0  }
0x6d: {  	[sflag:s7] =	ssyncadd.s32 @!p0 $0xFFFFF600;
	s7 =	simm.s32 @!p0 $0xB  }
0x6e: {  	_ =	swait.ge @!p0 [sflag:s7], $0x28  }
0x6f: {  	[sflag:s7] =	ssyncset.done @!p0 $0x0  }
0x70: {  	s14 =	simm.s32 @!p0 $0x62C0;
	[sflag:s7] =	ssyncadd.s32 @!p0 $0xFFFFFFD8;
	s7 =	simm.s32 @!p0 $0x4E70  }
0x71: {  	[spmem:s2] =	stream.indirect.scatter.add.f32 @!p0 [tilespmem:s14], [sflag:$0x7], $0x40, s7, s8, $0xb8;
	[tilespmem:$0x1AF40] =	vst v63  }
0x72: {  	s7 =	simm.s32 @!p0 $0x6  }
0x73: {  	_ =	swait.ge @!p0 [sflag:s7], $0xA00  }
0x74: {  	[sflag:s7] =	ssyncset.done @!p0 $0x0  }
0x75: {  	s6 =	sadd.s32 @!p0 $0x19, s6;
	[sflag:s7] =	ssyncadd.s32 @!p0 $0xFFFFF600;
	s7 =	simm.s32 @!p0 $0x4E48  }
0x76: {  	[tilespmem:s7], [sflag:$0xA] =	stream.linear.gather @!p0 [hbm4b:s6+s16], $0x28, $0x38;
	[tilespmem:$0x1AF40] =	vst v63  }
0x77: {  	s6 =	sadd.s32 @!p0 $0x50, s10;
	s7 =	simm.s32 @!p0 $0x58C0  }
0x78: {  	[tilespmem:s7], [sflag:$0x2] =	stream.indirect.gather @!p0 [hbm4b:s4+s8], $0x40, s6, s8, $0xb8;
	[tilespmem:$0x1AF40] =	vst v63  }
0x79: {  	_ =	swait.ge [sflag:s0], $0xA00  }
0x7a: {  	[sflag:s0] =	ssyncset.done $0x0  }
0x7b: {  	[sflag:s0] =	ssyncadd.s32 $0xFFFFF600  }
0x7c: {  	_ =	swait.ge [sflag:s23], $0x28  }
0x7d: {  	[sflag:s23] =	ssyncset.done $0x0  }
.Ltmp2:
0x7e: {  	[sflag:s23] =	ssyncadd.s32 $0xFFFFFFD8;
	(pc) =	sbr.rel @p0 .LBB2_4-.Ltmp2, $4  }
0x7f: {  	[spmem:s2] =	stream.indirect.scatter.add.f32 [tilespmem:s29], [sflag:$0x8], $0x40, s28, s18, $0xb8;
	[tilespmem:$0x1AF40] =	vst v63  }
0x80: {  	_ =	swait.ge [sflag:s5], $0xA00  }
0x81: {  	[sflag:s5] =	ssyncset.done $0x0  }
0x82: {  	[sflag:s5] =	ssyncadd.s32 $0xFFFFF600  }
.Ltmp3:
0x83: {  	(pc) =	sbr.rel .LBB2_2-.Ltmp3, $4  }
0x84: {  	s6 =	sadd.s32 $0x1E, s12  }
0x85: {  	[tilespmem:s22], [sflag:$0xB] =	stream.linear.gather [hbm4b:s6+s3], $0x28, $0x38;
	[tilespmem:$0x1AF40] =	vst v63  }
0x86: {  	s16 =	sadd.s32 $0x78, s10;
	s11 =	sadd.s32 $0x14, s11;
	s10 =	sadd.s32 $0xA0, s10  }
0x87: {  	[tilespmem:s24], [sflag:$0x3] =	stream.indirect.gather [hbm4b:s4+s18], $0x40, s16, s18, $0xb8;
	[tilespmem:$0x1AF40] =	vst v63  }
.LBB2_5:
0x88: {  	_ =	sfence.sel $0x180000  }
0x89: {  	[bflag:$0x0] =	sbarrier.arrive $0xFFFF  }
0x8a: {  	_ =	strace $0x9000004A  }
0x8b: {  	s0 =	stileid.u32;
	[bflag:$0x2] =	sbarrier.arrive $0xFFFF  }
0x8c: {  	p0 =	sne.s32 s0, $0x0;
	s0 =	rddreg [dreg:$0x2]  }
0x8d: {  	s0 =	sadd.s32 @!p0 $0x100000, s0  }
0x8e: {  	[sflag:s0] =	ssyncadd.tile.s32 @!p0 $0x1;
	_ =	shalt  }
.Lfunc_end2:
_tile_overlayer_lowered:
.L_overlay_start_2:
0x8f: {  	(tag) =	ssettag $0x2  }
0x90: {  	s0 =	rddreg [dreg:$0x0];
	s2 =	stileid.u32  }
0x91: {  	s1 =	rddreg [dreg:$0x1];
	p0 =	sne.s32 s2, $0x0  }
0x92: {  	s3 =	rddreg [dreg:$0x2];
	[bflag:$0x3] =	sbarrier.arrive $0xFFFF;
	s2 =	simm.s32 @!p0 $0x1C0E  }
0x93: {  	[timem:s3], [sflag:s2] =	dma.local @!p0 [hbm:s0], s1  }
0x94: {  	s0 =	simm.s32 @!p0 $0xE  }
0x95: {  	_ =	swait.ge @!p0 [sflag:s0], s1  }
0x96: {  	s1 =	ssub.s32 @!p0 $0x0, s1;
	[sflag:s0] =	ssyncset.done @!p0 $0x0  }
0x97: {  	[sflag:s0] =	ssyncadd.s32 @!p0 s1  }
0x98: {  	[bflag:$0x3] =	sbarrier.arrive $0xFFFF  }
0x99: {  	_ =	shalt  }

// kernel: kernel.16.cloned.1.call-start
scs
__scs_entry_jumppad:
0x0: {  	(pc) =	sbr.rel $0x88, $3  }
0x1: {  	(tag) =	ssettag $0x0;
	lr =	simm.s32 $0x1  }
0x2: {  	[smem:$0x3F90] =	sst lr;
	_ =	strace $0xD0000000  }
0x3: {  	_ = 	snop  }
0x4: {  	_ = 	snop  }
0x5: {  	_ = 	snop  }
0x6: {  	_ = 	snop  }
0x7: {  	_ = 	snop  }
__scs_overlays_trampoline_lowered:
0x8: {  	[smem:$0x3F9F] =	sst s0  }
0x9: {  	[smem:$0x3FA0] =	sst s1  }
0xa: {  	[smem:$0x3FA1] =	sst s2  }
0xb: {  	[smem:$0x3FA2] =	sst s3  }
0xc: {  	[smem:$0x3FA3] =	sst s4  }
0xd: {  	[smem:$0x3FA4] =	sst s5  }
0xe: {  	[smem:$0x3FA5] =	sst s6  }
0xf: {  	[smem:$0x3FA6] =	sst s7  }
0x10: {  	[smem:$0x3FA7] =	sst s8  }
0x11: {  	[smem:$0x3FA8] =	sst s9;
	s0 =	simm.s32 @!p0 $0x0  }
0x12: {  	s1 =	sld [smem:$0x3F8E];
	s0 =	simm.s32 @p0 $0x1  }
0x13: {  	[smem:$0x3FA9] =	sst s0;
	s0 =	simm.s32 @!p1 $0x0  }
0x14: {  	s2 =	sld [smem:$0x3F8D];
	s0 =	simm.s32 @p1 $0x1  }
0x15: {  	[smem:$0x3FAA] =	sst s0;
	s0 =	simm.s32 @!p2 $0x0  }
0x16: {  	s3 =	sld [smem:$0x3FDB];
	s0 =	simm.s32 @p2 $0x1  }
0x17: {  	s4 =	simm.s32 $0x1BF5;
	[smem:$0x3FAC] =	sst s0  }
0x18: {  	s0 =	sld [smem:$0x3F8F];
	_ =	swait.ge [sflag:s4], $0x0  }
0x19: {  	s7 =	sld [smem:$0x3F90]  }
0x1a: {  	s8 =	sadd.s32 $0xFFFFE003, lr  }
0x1b: {  	s9 =	sadd.s32 $0xFFFFFEF7, lr;
	s5 =	simm.s32 $0xFFFFFFFF;
	p2 =	slt.u32 s8, $0xFFFFF086  }
0x1c: {  	p1 =	slt.u32 s9, $0xF7A;
	s5 =	simm.s32 @!p2 $0x0  }
0x1d: {  	s5 =	simm.s32 @p1 $0x1;
	p0 =	seq.s32 s7, s2  }
0x1e: {  	s7 =	smul.u32 @!p0 $0xF7A, s2;
	p2 =	seq.s32 @!p0 s5, $0x0  }
0x1f: {  	s9 =	smul.u32 $0xF7A, s1;
	s8 =	simm.s32 @!p0 $0x1BF5;
	p2 =	por !p2, p0  }
0x20: {  	[sflag:s8] =	ssyncset.s32 @!p0 $0xFFFFF086;
	s6 =	sadd.s32 @!p0 s3, s7;
	s7 =	simm.s32 @!p0 $0x108  }
0x21: {  	s3 =	sadd.s32 s3, s9;
	s6 =	sadd.s32 @!p0 $0x88, s6;
	s7 =	simm.s32 @p2 $0x1082  }
0x22: {  	[simem:s7], [sflag:s8] =	dma.local @!p0 [hbm:s6], $0xF7A  }
0x23: {  	s9 =	sor.u32 $0xD0000000, s2;
	s6 =	simm.s32 $0x108;
	_ =	swait.ge @!p0 [sflag:s8], $0x0  }
0x24: {  	s3 =	sadd.s32 $0x88, s3;
	s6 =	simm.s32 @!p1 $0x1082;
	[sflag:s4] =	ssyncset.s32 $0xFFFFF086  }
0x25: {  	[simem:s6], [sflag:s4] =	dma.local [hbm:s3], $0xF7A  }
0x26: {  	[smem:$0x3F90] =	sst s1;
	(tag) =	ssettag s2;
	_ =	strace s9  }
0x27: {  	s1 =	sld [smem:$0x3FA0]  }
0x28: {  	s2 =	sld [smem:$0x3FA1]  }
0x29: {  	s4 =	sld [smem:$0x3FA3]  }
0x2a: {  	p0 =	seq.s32 s5, $0x0;
	s5 =	sld [smem:$0x3FA4]  }
0x2b: {  	s6 =	sld [smem:$0x3FA5]  }
0x2c: {  	s7 =	sld [smem:$0x3FA6]  }
0x2d: {  	s3 =	simm.s32 $0x108;
	s8 =	sld [smem:$0x3FA7]  }
0x2e: {  	s3 =	simm.s32 @!p0 $0x1082;
	s9 =	sld [smem:$0x3FA8]  }
0x2f: {  	lr =	sadd.s32 s0, s3;
	s0 =	sld [smem:$0x3F9F]  }
0x30: {  	s3 =	sld [smem:$0x3FA2]  }
0x31: {  	[smem:$0x3FAB] =	sst s10  }
0x32: {  	s10 =	sld [smem:$0x3FA9];
	_ =	sdelay $0x3  }
0x33: {  	p0 =	seq.s32 s10, $0x1;
	s10 =	sld [smem:$0x3FAB];
	_ =	sdelay $0x3  }
0x34: {  	[smem:$0x3FAB] =	sst s10  }
0x35: {  	s10 =	sld [smem:$0x3FAA];
	_ =	sdelay $0x3  }
0x36: {  	p1 =	seq.s32 s10, $0x1;
	s10 =	sld [smem:$0x3FAB];
	_ =	sdelay $0x3  }
0x37: {  	[smem:$0x3FAB] =	sst s10  }
0x38: {  	s10 =	sld [smem:$0x3FAC]  }
0x39: {  	_ = 	snop;
	(pc) =	sbr.ind lr, $3  }
0x3a: {  	_ = 	snop  }
0x3b: {  	_ = 	snop  }
0x3c: {  	p2 =	seq.s32 s10, $0x1;
	s10 =	sld [smem:$0x3FAB]  }
0x3d: {  	_ =	shalt  }
0x3e: {  	_ =	shalt  }
0x3f: {  	_ =	shalt  }
0x40: {  	_ =	shalt  }
0x41: {  	_ =	shalt  }
0x42: {  	_ =	shalt  }
0x43: {  	_ =	shalt  }
0x44: {  	_ =	shalt  }
0x45: {  	_ =	shalt  }
0x46: {  	_ =	shalt  }
0x47: {  	_ =	shalt  }
0x48: {  	_ =	shalt  }
0x49: {  	_ =	shalt  }
0x4a: {  	_ =	shalt  }
0x4b: {  	_ =	shalt  }
0x4c: {  	_ =	shalt  }
0x4d: {  	_ =	shalt  }
0x4e: {  	_ =	shalt  }
0x4f: {  	_ =	shalt  }
0x50: {  	_ =	shalt  }
0x51: {  	_ =	shalt  }
0x52: {  	_ =	shalt  }
0x53: {  	_ =	shalt  }
0x54: {  	_ =	shalt  }
0x55: {  	_ =	shalt  }
0x56: {  	_ =	shalt  }
0x57: {  	_ =	shalt  }
0x58: {  	_ =	shalt  }
0x59: {  	_ =	shalt  }
0x5a: {  	_ =	shalt  }
0x5b: {  	_ =	shalt  }
0x5c: {  	_ =	shalt  }
0x5d: {  	_ =	shalt  }
0x5e: {  	_ =	shalt  }
0x5f: {  	_ =	shalt  }
0x60: {  	_ =	shalt  }
0x61: {  	_ =	shalt  }
0x62: {  	_ =	shalt  }
0x63: {  	_ =	shalt  }
0x64: {  	_ =	shalt  }
0x65: {  	_ =	shalt  }
0x66: {  	_ =	shalt  }
0x67: {  	_ =	shalt  }
0x68: {  	_ =	shalt  }
0x69: {  	_ =	shalt  }
0x6a: {  	_ =	shalt  }
0x6b: {  	_ =	shalt  }
0x6c: {  	_ =	shalt  }
0x6d: {  	_ =	shalt  }
0x6e: {  	_ =	shalt  }
0x6f: {  	_ =	shalt  }
0x70: {  	_ =	shalt  }
0x71: {  	_ =	shalt  }
0x72: {  	_ =	shalt  }
0x73: {  	_ =	shalt  }
0x74: {  	_ =	shalt  }
0x75: {  	_ =	shalt  }
0x76: {  	_ =	shalt  }
0x77: {  	_ =	shalt  }
0x78: {  	_ =	shalt  }
0x79: {  	_ =	shalt  }
0x7a: {  	_ =	shalt  }
0x7b: {  	_ =	shalt  }
0x7c: {  	_ =	shalt  }
0x7d: {  	_ =	shalt  }
0x7e: {  	_ =	shalt  }
0x7f: {  	_ =	shalt  }
0x80: {  	_ =	shalt  }
0x81: {  	_ =	shalt  }
0x82: {  	_ =	shalt  }
0x83: {  	_ =	shalt  }
0x84: {  	_ =	shalt  }
0x85: {  	_ =	shalt  }
0x86: {  	_ =	shalt  }
0x87: {  	_ =	shalt  }
.Lfunc_end0:
.L_simem_size_0:
called_computation.2_lowered:
.L_overlay_start_0:
0x88: {  	s2 =	sld [smem:$0x3FD9]  }
0x89: {  	s3 =	sld [smem:$0x3FFE];
	_ =	sdelay $0x1  }
0x8a: {  	s1 =	srdreg.scid  }
0x8b: {  	s0 =	sand.u32 $0x1, s1  }
0x8c: {  	s16 =	sshll.u32 s0, $0xA;
	s2 =	sadd.s32 s3, s2  }
0x8d: {  	s2 =	sadd.s32 s2, s16  }
0x8e: {  	[smem:$0x3FB7] =	sst s2  }
0x8f: {  	_ = 	snop  }
0x90: {  	(tm) =	ssettm $0x1  }
0x91: {  	s17 =	sld [smem:$0x3FFB];
	_ =	sdelay $0x3  }
0x92: {  	_ =	strace s17  }
0x93: {  	s2 =	sld [smem:$0x3FFC];
	_ =	sdelay $0x3  }
0x94: {  	_ =	strace s2  }
0x95: {  	s2 =	sld [smem:$0x3FFD];
	_ =	sdelay $0x3  }
0x96: {  	_ =	strace s2  }
0x97: {  	_ =	strace $0x8FFFFFFF  }
0x98: {  	s18 =	sld [smem:$0x3FDB];
	_ =	sdelay $0x1  }
0x99: {  	s19 =	simm.s32 $_scs_section_size  }
0x9a: {  	s4 =	simm.s32 $_size__tile_overlayer_lowered;
	s5 =	simm.s32 $_tile_overlayer_lowered  }
0x9b: {  	s22 =	simm.s32 $0x1BFF;
	s21 =	sshll.u32 s5, $0x1;
	s2 =	sadd.s32 s19, s18  }
0x9c: {  	s6 =	simm.s32 $0x0;
	s20 =	sshll.u32 s4, $0x1;
	s4 =	sadd.s32 s21, s2  }
0x9d: {  	[timem:s6], [sflag:s22] =	dma.local [hbm:s4], s20  }
0x9e: {  	_ =	swait.ge [sflag:s22], s20  }
0x9f: {  	s3 =	ssub.s32 $0x0, s20;
	[sflag:s22] =	ssyncset.done $0x0  }
0xa0: {  	[sflag:s22] =	ssyncadd.s32 s3;
	_ =	sdelay $0x1  }
0xa1: {  	s23 =	simm.s32 $0x1B8B  }
0xa2: {  	_ =	swait.ge [sflag:s23], $0x1  }
0xa3: {  	[sflag:s23] =	ssyncset.done $0x0  }
0xa4: {  	s25 =	simm.s32 $0x1B8E;
	s24 =	sld [smem:$0x3FFE];
	[sflag:s23] =	ssyncadd.s32 $0xFFFFFFFF  }
0xa5: {  	s26 =	simm.s32 $execute0_lowered;
	[smem:$0x3FD2] =	sst s25  }
0xa6: {  	s4 =	sshll.u32 s26, $0x1;
	_ =	strace $0x8000004C;
	[dreg:$0x1] =	wrdreg $0xFFFFFFFF  }
0xa7: {  	s28 =	simm.s32 $_size_execute0_lowered;
	s2 =	sadd.s32 s2, s4;
	[dreg:$0x0] =	wrdreg $0x0  }
0xa8: {  	s4 =	sshll.u32 s28, $0x1;
	[dreg:$0x2] =	wrdreg s2  }
0xa9: {  	[dreg:$0x3] =	wrdreg s4  }
0xaa: {  	[dreg:$0x4] =	wrdreg $0xC0  }
0xab: {  	_ =	task [dreg:s6], $0x5FFFF  }
0xac: {  	[dreg:$0x1] =	wrdreg $0xFFFFFFFF  }
0xad: {  	[dreg:$0x0] =	wrdreg $0x60  }
0xae: {  	[dreg:$0x2] =	wrdreg s24  }
0xaf: {  	[dreg:$0x3] =	wrdreg $0xB0E00  }
0xb0: {  	[dreg:$0x4] =	wrdreg $0x9  }
0xb1: {  	_ =	task.clear_ibuf [dreg:s6], $0x5FFFF;
	_ =	strace $0x9000004C  }
0xb2: {  	s29 =	simm.s32 $0x9;
	_ =	strace $0x8000004E  }
0xb3: {  	_ =	swait.ge [sflag:s29], $0x1  }
0xb4: {  	[sflag:s29] =	ssyncadd.s32 $0xFFFFFFFF  }
0xb5: {  	_ =	strace $0x9000004E  }
0xb6: {  	_ =	sfence  }
0xb7: {  	s30 =	sld [smem:$0x0];
	_ =	sdelay $0x2  }
0xb8: {  	s31 =	sshll.u32 s1, $0xD;
	s1 =	sshrl.u32 s1, $0x2  }
0xb9: {  	s3 =	sand.u32 $0x4000, s31;
	s1 =	sadd.s32 s1, s30  }
0xba: {  	s0 =	sor.u32 s3, s0;
	s1 =	sshll.u32 s1, $0x11  }
0xbb: {  	s0 =	sor.u32 s1, s0  }
0xbc: {  	s0 =	sadd.s32 $0x8F2B, s0  }
0xbd: {  	[sflag:s0] =	ssyncadd.remote.s32 $0x1  }
0xbe: {  	_ =	sfence.sel $0xFFFF  }
0xbf: {  	[dreg:$0x0] =	wrdreg $0xFFFFFFFF;
	(pc) =	sbr.abs _section_cstart, $3  }
0xc0: {  	[dreg:$0x1] =	wrdreg $0xFFFFFFFF  }
0xc1: {  	_ =	task.clear_ibuf [dreg:s6], $0x2FFFF;
	_ =	strace $0x9FFFFFFF  }
0xc2: {  	(tm) =	ssettm $0x7FFFFFFF  }
0xc3: {  	_ =	shalt  }
tec
execute0_lowered:
.L_overlay_start_1:
0x0: {  	(tag) =	ssettag $0x1  }
0x1: {  	s0 =	rddreg [dreg:$0x0]  }
0x2: {  	s1 =	srdreg.scid;
	s2 =	rddreg [dreg:$0x1]  }
0x3: {  	s7 =	stileid.u32;
	s3 =	simm.s32 $0x0;
	s15 =	simm.s32 $0xE  }
0x4: {  	s17 =	simm.s32 $0x4E20;
	s18 =	simm.s32 $0x28;
	s19 =	simm.s32 $0x4EC0  }
0x5: {  	s20 =	simm.s32 $0x4E48;
	s21 =	simm.s32 $0x53C0;
	s28 =	simm.s32 $0x4E98  }
0x6: {  	s29 =	simm.s32 $0x5DC0;
	s30 =	simm.s32 $0x2;
	s31 =	simm.s32 $0xA  }
0x7: {  	s1 =	sand.u32 $0x1, s1;
	s6 =	smul.u32 $0x4E20, s7;
	[smem:$0x7FF] =	sst s3  }
0x8: {  	s4 =	sadd.s32 $0x20A00, s0;
	s9 =	sadd.s32 $0x3200, s0;
	s25 =	smul.u32 $0x9C4, s7  }
0x9: {  	s8 =	sadd.s32 $0x34400, s0;
	s7 =	simm.s32 $0x62C0;
	s5 =	smul.u32 $0x4E200, s1  }
0xa: {  	_ =	strace $0x8000004D;
	s1 =	ssub.s32 $0x2, s1;
	[dreg:$0x3] =	wrdreg s8  }
0xb: {  	s22 =	sshrl.u32 s1, $0x1;
	s24 =	sadd.s32 $0x28, s6;
	s8 =	sadd.s32 s6, s2  }
0xc: {  	s13 =	sadd.s32 s25, s9;
	s25 =	simm.s32 $0x1;
	s5 =	sadd.s32 s6, s5  }
0xd: {  	s1 =	ssub.s32 s1, s22;
	s6 =	sshrl.u32 s6, $0x3;
	s22 =	simm.s32 $0x4E70  }
0xe: {  	[dreg:$0x5] =	wrdreg s8;
	s5 =	sshrl.u32 s5, $0x3;
	s6 =	sadd.s32 s9, s6  }
0xf: {  	s26 =	smax.u32 s1, $0x1;
	s0 =	sadd.s32 s5, s0;
	[dreg:$0x6] =	wrdreg s6  }
0x10: {  	s5 =	sshrl.u32 s24, $0x3;
	s6 =	sadd.s32 $0xA, s6;
	[dreg:$0xa] =	wrdreg s26  }
.Ltmp0:
0x11: {  	s23 =	sadd.s32 $0xD000, s0;
	[dreg:$0x8] =	wrdreg s6;
	(pc) =	sbr.rel .LBB2_1-.Ltmp0, $4  }
0x12: {  	s1 =	simm.s32 $0x4;
	s5 =	sadd.s32 s9, s5;
	[dreg:$0x4] =	wrdreg s23  }
0x13: {  	s24 =	simm.s32 $0x58C0;
	s0 =	sadd.s32 $0x47E00, s0;
	[dreg:$0x7] =	wrdreg s5  }
0x14: {  	s26 =	simm.s32 $0x9;
	s9 =	simm.s32 $0x0;
	[dreg:$0x9] =	wrdreg s0  }
0x15: {  	s0 =	simm.s32 $0x5;
	s23 =	simm.s32 $0xC;
	s5 =	simm.s32 $0x7  }
.LBB2_4:
0x16: {  	s6 =	simm.s32 $0x8  }
0x17: {  	_ =	swait.ge [sflag:s6], $0x500  }
0x18: {  	[sflag:s6] =	ssyncset.done $0x0  }
0x19: {  	[sflag:s6] =	ssyncadd.s32 $0xFFFFFB00  }
0x1a: {  	[bflag:$0x0] =	sbarrier.arrive $0xFFFF  }
0x1b: {  	s7 =	simm.s32 $0x62C0;
	s8 =	rddreg [dreg:$0x5]  }
0x1c: {  	[tilespmem:s7], [sflag:$0xE] =	stream.linear.gather [spmem:s8], $0x4E20, $0x38;
	[tilespmem:$0xFF00] =	vst v63  }
0x1d: {  	_ =	swait.ge [sflag:s15], $0x4E20  }
0x1e: {  	[sflag:s15] =	ssyncset.done $0x0  }
0x1f: {  	s14 =	rddreg [dreg:$0x9];
	[sflag:s15] =	ssyncadd.s32 $0xFFFFB1E0  }
0x20: {  	[hbm4b:s14+s3] =	stream.linear.scatter [tilespmem:s7], [sflag:$0xE], $0x4E20, $0x38;
	[tilespmem:$0xFF00] =	vst v63  }
0x21: {  	_ =	swait.ge [sflag:s15], $0x4E20  }
0x22: {  	s9 =	sadd.s32 $0x1, s9;
	s16 =	rddreg [dreg:$0xa]  }
0x23: {  	p0 =	sne.s32 s9, s16  }
.Ltmp1:
0x24: {  	_ = 	snop;
	(pc) =	sbr.rel @!p0 .LBB2_5-.Ltmp1, $3  }
0x25: {  	_ =	sdelay $0x1  }
0x26: {  	[sflag:s15] =	ssyncset.done $0x0  }
0x27: {  	[sflag:s15] =	ssyncadd.s32 $0xFFFFB1E0  }
.LBB2_1:
0x28: {  	s6 =	rddreg [dreg:$0x4]  }
0x29: {  	[tilespmem:s3], [sflag:$0xD] =	stream.linear.gather [hbm4b:s6+s3], $0x4E20, $0x38;
	[tilespmem:$0xFF00] =	vst v63  }
0x2a: {  	s16 =	rddreg [dreg:$0x3]  }
0x2b: {  	[tilespmem:s7], [sflag:$0xE] =	stream.linear.gather [hbm4b:s16+s3], $0x4E20, $0x38;
	[tilespmem:$0xFF00] =	vst v63  }
0x2c: {  	_ =	swait.ge [sflag:s15], $0x4E20  }
0x2d: {  	[sflag:s15] =	ssyncset.done $0x0  }
0x2e: {  	[sflag:s15] =	ssyncadd.s32 $0xFFFFB1E0  }
0x2f: {  	[spmem:s8] =	stream.linear.scatter [tilespmem:s7], [sflag:$0xE], $0x4E20, $0x38;
	[tilespmem:$0xFF00] =	vst v63  }
0x30: {  	_ =	swait.ge [sflag:s15], $0x4E20  }
0x31: {  	[sflag:s15] =	ssyncset.done $0x0  }
0x32: {  	s10 =	simm.s32 $0xD;
	[sflag:s15] =	ssyncadd.s32 $0xFFFFB1E0  }
0x33: {  	_ =	swait.ge [sflag:s10], $0x4E20  }
0x34: {  	[sflag:s10] =	ssyncset.done $0x0  }
0x35: {  	[sflag:s10] =	ssyncadd.s32 $0xFFFFB1E0  }
0x36: {  	[bflag:$0x0] =	sbarrier.arrive $0xFFFF  }
0x37: {  	s11 =	rddreg [dreg:$0x6]  }
0x38: {  	[tilespmem:s17], [sflag:$0x9] =	stream.linear.gather [hbm4b:s11+s3], $0x28, $0x38;
	[tilespmem:$0xFF00] =	vst v63  }
0x39: {  	_ = 	snop  }
0x3a: {  	[tilespmem:s19], [sflag:$0x1] =	stream.indirect.gather [hbm4b:s4+s18], $0x20, s3, s18, $0xb8;
	[tilespmem:$0xFF00] =	vst v63  }
0x3b: {  	s12 =	rddreg [dreg:$0x7]  }
0x3c: {  	[tilespmem:s20], [sflag:$0xA] =	stream.linear.gather [hbm4b:s12+s3], $0x28, $0x38;
	[tilespmem:$0xFF00] =	vst v63  }
0x3d: {  	_ = 	snop  }
0x3e: {  	[tilespmem:s21], [sflag:$0x2] =	stream.indirect.gather [hbm4b:s4+s18], $0x20, s18, s18, $0xb8;
	[tilespmem:$0xFF00] =	vst v63  }
0x3f: {  	s14 =	rddreg [dreg:$0x8]  }
0x40: {  	[tilespmem:s22], [sflag:$0xB] =	stream.linear.gather [hbm4b:s14+s3], $0x28, $0x38;
	[tilespmem:$0xFF00] =	vst v63  }
0x41: {  	s16 =	simm.s32 $0x50;
	s10 =	simm.s32 $0x78;
	s11 =	simm.s32 $0x0  }
0x42: {  	[tilespmem:s24], [sflag:$0x3] =	stream.indirect.gather [hbm4b:s4+s18], $0x20, s16, s18, $0xb8;
	[tilespmem:$0xFF00] =	vst v63  }
.LBB2_2:
0x43: {  	_ =	swait.ge [sflag:s25], $0x500  }
0x44: {  	[sflag:s25] =	ssyncset.done $0x0  }
0x45: {  	[sflag:s25] =	ssyncadd.s32 $0xFFFFFB00  }
0x46: {  	_ =	swait.ge [sflag:s26], $0x28  }
0x47: {  	p0 =	seq.s32 s11, $0x0;
	[sflag:s26] =	ssyncset.done $0x0  }
0x48: {  	s8 =	simm.s32 @!p0 $0x8;
	[sflag:s26] =	ssyncadd.s32 $0xFFFFFFD8  }
0x49: {  	[spmem:s2] =	stream.indirect.scatter.add.f32 [tilespmem:s19], [sflag:$0x5], $0x20, s17, s18, $0xb8;
	[tilespmem:$0xFF00] =	vst v63  }
0x4a: {  	_ =	swait.ge @!p0 [sflag:s8], $0x500  }
0x4b: {  	s12 =	sadd.s32 s11, s13;
	[sflag:s8] =	ssyncset.done @!p0 $0x0  }
0x4c: {  	s16 =	sadd.s32 $0xF, s12;
	[sflag:s8] =	ssyncadd.s32 @!p0 $0xFFFFFB00  }
0x4d: {  	[tilespmem:s28], [sflag:$0xC] =	stream.linear.gather [hbm4b:s16+s3], $0x28, $0x38;
	[tilespmem:$0xFF00] =	vst v63  }
0x4e: {  	_ = 	snop  }
0x4f: {  	[tilespmem:s29], [sflag:$0x4] =	stream.indirect.gather [hbm4b:s4+s18], $0x20, s10, s18, $0xb8;
	[tilespmem:$0xFF00] =	vst v63  }
0x50: {  	_ =	swait.ge [sflag:s30], $0x500  }
0x51: {  	[sflag:s30] =	ssyncset.done $0x0  }
0x52: {  	[sflag:s30] =	ssyncadd.s32 $0xFFFFFB00  }
0x53: {  	_ =	swait.ge [sflag:s31], $0x28  }
0x54: {  	[sflag:s31] =	ssyncset.done $0x0  }
0x55: {  	[sflag:s31] =	ssyncadd.s32 $0xFFFFFFD8  }
0x56: {  	[spmem:s2] =	stream.indirect.scatter.add.f32 [tilespmem:s21], [sflag:$0x6], $0x20, s20, s18, $0xb8;
	[tilespmem:$0xFF00] =	vst v63  }
0x57: {  	_ =	swait.ge [sflag:s0], $0x500  }
0x58: {  	p0 =	seq.s32 s11, $0x9B0;
	[sflag:s0] =	ssyncset.done $0x0  }
0x59: {  	s8 =	simm.s32 @p0 $0x3;
	[sflag:s0] =	ssyncadd.s32 $0xFFFFFB00  }
0x5a: {  	_ =	swait.ge @p0 [sflag:s8], $0x500  }
0x5b: {  	[sflag:s8] =	ssyncset.done @p0 $0x0  }
0x5c: {  	[sflag:s8] =	ssyncadd.s32 @p0 $0xFFFFFB00;
	s8 =	simm.s32 @p0 $0xB  }
0x5d: {  	_ =	swait.ge @p0 [sflag:s8], $0x28  }
0x5e: {  	s16 =	simm.s32 @p0 $0x4E70;
	[sflag:s8] =	ssyncset.done @p0 $0x0  }
0x5f: {  	s6 =	simm.s32 @p0 $0x58C0;
	[sflag:s8] =	ssyncadd.s32 @p0 $0xFFFFFFD8;
	s8 =	simm.s32 @p0 $0x28  }
0x60: {  	[spmem:s2] =	stream.indirect.scatter.add.f32 @p0 [tilespmem:s6], [sflag:$0x7], $0x20, s16, s8, $0xb8;
	[tilespmem:$0xFF00] =	vst v63  }
0x61: {  	s6 =	simm.s32 @p0 $0x6  }
0x62: {  	_ =	swait.ge @p0 [sflag:s6], $0x500  }
0x63: {  	[sflag:s6] =	ssyncset.done @p0 $0x0  }
0x64: {  	[sflag:s6] =	ssyncadd.s32 @p0 $0xFFFFFB00;
	s6 =	sadd.s32 @!p0 s11, s13  }
0x65: {  	s7 =	simm.s32 @!p0 $0x4E20;
	s16 =	simm.s32 @!p0 $0x0;
	s8 =	sadd.s32 @!p0 $0x14, s6  }
0x66: {  	[tilespmem:s7], [sflag:$0x9] =	stream.linear.gather @!p0 [hbm4b:s8+s16], $0x28, $0x38;
	[tilespmem:$0xFF00] =	vst v63  }
0x67: {  	s14 =	simm.s32 @!p0 $0x4EC0;
	s7 =	sadd.s32 @!p0 $0x28, s10;
	s8 =	simm.s32 @!p0 $0x28  }
0x68: {  	[tilespmem:s14], [sflag:$0x1] =	stream.indirect.gather @!p0 [hbm4b:s4+s8], $0x20, s7, s8, $0xb8;
	[tilespmem:$0xFF00] =	vst v63  }
0x69: {  	s7 =	simm.s32 @!p0 $0x3  }
0x6a: {  	_ =	swait.ge @!p0 [sflag:s7], $0x500  }
0x6b: {  	[sflag:s7] =	ssyncset.done @!p0 $0x0  }
0x6c: {  	[sflag:s7] =	ssyncadd.s32 @!p0 $0xFFFFFB00;
	s7 =	simm.s32 @!p0 $0xB  }
0x6d: {  	_ =	swait.ge @!p0 [sflag:s7], $0x28  }
0x6e: {  	[sflag:s7] =	ssyncset.done @!p0 $0x0  }
0x6f: {  	s14 =	simm.s32 @!p0 $0x58C0;
	[sflag:s7] =	ssyncadd.s32 @!p0 $0xFFFFFFD8;
	s7 =	simm.s32 @!p0 $0x4E70  }
0x70: {  	[spmem:s2] =	stream.indirect.scatter.add.f32 @!p0 [tilespmem:s14], [sflag:$0x7], $0x20, s7, s8, $0xb8;
	[tilespmem:$0xFF00] =	vst v63  }
0x71: {  	s7 =	simm.s32 @!p0 $0x6  }
0x72: {  	_ =	swait.ge @!p0 [sflag:s7], $0x500  }
0x73: {  	[sflag:s7] =	ssyncset.done @!p0 $0x0  }
0x74: {  	s6 =	sadd.s32 @!p0 $0x19, s6;
	[sflag:s7] =	ssyncadd.s32 @!p0 $0xFFFFFB00;
	s7 =	simm.s32 @!p0 $0x4E48  }
0x75: {  	[tilespmem:s7], [sflag:$0xA] =	stream.linear.gather @!p0 [hbm4b:s6+s16], $0x28, $0x38;
	[tilespmem:$0xFF00] =	vst v63  }
0x76: {  	s6 =	sadd.s32 @!p0 $0x50, s10;
	s7 =	simm.s32 @!p0 $0x53C0  }
0x77: {  	[tilespmem:s7], [sflag:$0x2] =	stream.indirect.gather @!p0 [hbm4b:s4+s8], $0x20, s6, s8, $0xb8;
	[tilespmem:$0xFF00] =	vst v63  }
0x78: {  	_ =	swait.ge [sflag:s1], $0x500  }
0x79: {  	[sflag:s1] =	ssyncset.done $0x0  }
0x7a: {  	[sflag:s1] =	ssyncadd.s32 $0xFFFFFB00  }
0x7b: {  	_ =	swait.ge [sflag:s23], $0x28  }
0x7c: {  	[sflag:s23] =	ssyncset.done $0x0  }
.Ltmp2:
0x7d: {  	[sflag:s23] =	ssyncadd.s32 $0xFFFFFFD8;
	(pc) =	sbr.rel @p0 .LBB2_4-.Ltmp2, $4  }
0x7e: {  	[spmem:s2] =	stream.indirect.scatter.add.f32 [tilespmem:s29], [sflag:$0x8], $0x20, s28, s18, $0xb8;
	[tilespmem:$0xFF00] =	vst v63  }
0x7f: {  	_ =	swait.ge [sflag:s5], $0x500  }
0x80: {  	[sflag:s5] =	ssyncset.done $0x0  }
0x81: {  	[sflag:s5] =	ssyncadd.s32 $0xFFFFFB00  }
.Ltmp3:
0x82: {  	(pc) =	sbr.rel .LBB2_2-.Ltmp3, $4  }
0x83: {  	s6 =	sadd.s32 $0x1E, s12  }
0x84: {  	[tilespmem:s22], [sflag:$0xB] =	stream.linear.gather [hbm4b:s6+s3], $0x28, $0x38;
	[tilespmem:$0xFF00] =	vst v63  }
0x85: {  	s16 =	sadd.s32 $0x78, s10;
	s11 =	sadd.s32 $0x14, s11;
	s10 =	sadd.s32 $0xA0, s10  }
0x86: {  	[tilespmem:s24], [sflag:$0x3] =	stream.indirect.gather [hbm4b:s4+s18], $0x20, s16, s18, $0xb8;
	[tilespmem:$0xFF00] =	vst v63  }
.LBB2_5:
0x87: {  	_ =	sfence.sel $0x180000  }
0x88: {  	[bflag:$0x0] =	sbarrier.arrive $0xFFFF  }
0x89: {  	_ =	strace $0x9000004D  }
0x8a: {  	s0 =	stileid.u32;
	[bflag:$0x2] =	sbarrier.arrive $0xFFFF  }
0x8b: {  	p0 =	sne.s32 s0, $0x0;
	s0 =	rddreg [dreg:$0x2]  }
0x8c: {  	s0 =	sadd.s32 @!p0 $0x100000, s0  }
0x8d: {  	[sflag:s0] =	ssyncadd.tile.s32 @!p0 $0x1;
	_ =	shalt  }
.Lfunc_end2:
_tile_overlayer_lowered:
.L_overlay_start_2:
0x8e: {  	(tag) =	ssettag $0x2  }
0x8f: {  	s0 =	rddreg [dreg:$0x0];
	s2 =	stileid.u32  }
0x90: {  	s1 =	rddreg [dreg:$0x1];
	p0 =	sne.s32 s2, $0x0  }
0x91: {  	s3 =	rddreg [dreg:$0x2];
	[bflag:$0x3] =	sbarrier.arrive $0xFFFF;
	s2 =	simm.s32 @!p0 $0x1C0E  }
0x92: {  	[timem:s3], [sflag:s2] =	dma.local @!p0 [hbm:s0], s1  }
0x93: {  	s0 =	simm.s32 @!p0 $0xE  }
0x94: {  	_ =	swait.ge @!p0 [sflag:s0], s1  }
0x95: {  	s1 =	ssub.s32 @!p0 $0x0, s1;
	[sflag:s0] =	ssyncset.done @!p0 $0x0  }
0x96: {  	[sflag:s0] =	ssyncadd.s32 @!p0 s1  }
0x97: {  	[bflag:$0x3] =	sbarrier.arrive $0xFFFF  }
0x98: {  	_ =	shalt  }

</sc_bundles>
